<compile_context>
chip_gen: v7x
topology: tpu7x:2x2x1
jax: 0.10.2.dev20260603
libtpu: 0.0.44.dev20260713+nightly
codegen_flags: <defaults>
</compile_context>

<pallas_src>
import functools

import jax
import jax.numpy as jnp
from jax import lax
from jax.experimental import pallas as pl
from jax.experimental.pallas import tpu as pltpu
from jax.experimental.pallas import tpu_sc as plsc

N = 320000
C = 10
M = 16
G = 8
NUM_GRAPHS = 512

NC = 2
NS = 16
NW = NC * NS
CHUNK = N // NW
SUB = 128
J_FULL = CHUNK // SUB
REM = CHUNK - J_FULL * SUB
WIDE = 6
L = 16


def _tables_body(b_ref, pi_ref, out_ref):
    pi = pi_ref[...]
    pi = pi - jnp.max(pi, axis=0, keepdims=True)
    epi = jnp.exp(pi)
    smpi = epi / jnp.sum(epi, axis=0, keepdims=True)

    nums = []
    denom = jnp.zeros((M, G), jnp.float32)
    for c in range(C):
        bc = b_ref[c]
        bc = bc - jnp.max(bc, axis=0, keepdims=True)
        eb = jnp.exp(bc)
        smb = eb / jnp.sum(eb, axis=0, keepdims=True)
        num = smpi[c:c + 1, :] * smb
        nums.append(num)
        denom = denom + num

    lik = jnp.zeros((M, G), jnp.float32)
    best = jnp.full((M, G), -jnp.inf, jnp.float32)
    best_idx = jnp.zeros((M, G), jnp.int32)
    for c in range(C):
        post = nums[c] / denom
        lik = lik + post * jnp.log(nums[c])
        upd = nums[c] > best
        best_idx = jnp.where(upd, jnp.int32(c), best_idx)
        best = jnp.where(upd, nums[c], best)

    comb = jnp.concatenate(
        [lik, lax.bitcast_convert_type(best_idx, jnp.float32)], axis=1)
    out_ref[...] = comb


def _tables(B, Pi):
    return pl.pallas_call(
        _tables_body,
        out_shape=jax.ShapeDtypeStruct((M, 2 * G), jnp.float32),
    )(B, Pi)


def _combine_body(p_ref, out_ref):
    out_ref[...] = p_ref[0] + p_ref[1]


def _combine(parts):
    return pl.pallas_call(
        _combine_body,
        out_shape=jax.ShapeDtypeStruct((NUM_GRAPHS, G), jnp.float32),
    )(parts)


def _build_slice(tab, x_ref, hbuf, likbuf, iota):
    def body(v, carry):
        xv = x_ref[pl.ds(v * L, L)]
        xb = xv * (2 * G)
        for j in range(G):
            lval = plsc.load_gather(tab, [xb + j])
            hval = plsc.load_gather(tab, [xb + (G + j)])
            rows = iota + v * L
            cols = jnp.full((L,), j, jnp.int32)
            plsc.store_scatter(likbuf, [rows, cols], lval)
            plsc.store_scatter(
                hbuf, [iota * G + (v * L * G + j)],
                plsc.bitcast(hval, jnp.int32))
        return carry
    lax.fori_loop(0, SUB // L, body, 0)


def _sc_body(x_hbm, batch_hbm, tab_hbm,
             hout_hbm, likp_hbm,
             tab, x_s, b_s, hbuf, lbuf, zbuf,
             x_r, b_r, hbuf_r, lbuf_r,
             acc, sem_l, sem_w, sem_a, sem_r):
    cid = lax.axis_index("c")
    sid = lax.axis_index("s")
    wid = cid * NS + sid
    base = wid * CHUNK
    iota = lax.iota(jnp.int32, L)

    @pl.when(sid == 0)
    def _():
        zero16 = jnp.zeros((L,), jnp.float32)
        for v in range(SUB // L):
            rows = iota + v * L
            for j in range(G):
                plsc.store_scatter(
                    zbuf, [rows, jnp.full((L,), j, jnp.int32)], zero16)
        for k in range(NUM_GRAPHS // SUB):
            pltpu.sync_copy(zbuf, acc.at[pl.ds(k * SUB, SUB)])

    pltpu.sync_copy(tab_hbm, tab)

    plsc.subcore_barrier()

    def drain_writes():
        for _ in range(WIDE):
            pltpu.make_async_copy(
                hbuf[0], hout_hbm.at[pl.ds(0, SUB * G)], sem_w).wait()
            pltpu.make_async_copy(
                lbuf[0], acc.at[b_s[0]], sem_a).wait()

    def outer(i, carry):
        @pl.when(i > 0)
        def _():
            drain_writes()
        lcps = []
        for b in range(WIDE):
            off = pl.multiple_of(base + (WIDE * i + b) * SUB, 8)
            lcps.append(
                (pltpu.async_copy(x_hbm.at[pl.ds(off, SUB)], x_s[b], sem_l),
                 pltpu.async_copy(batch_hbm.at[pl.ds(off, SUB)], b_s[b],
                                  sem_l)))
        for a, bb in lcps:
            a.wait()
            bb.wait()
        for b in range(WIDE):
            _build_slice(tab, x_s[b], hbuf[b], lbuf[b], iota)
        for b in range(WIDE):
            off = pl.multiple_of(base + (WIDE * i + b) * SUB, 8)
            hoff = pl.multiple_of(off * G, 8)
            pltpu.async_copy(hbuf[b], hout_hbm.at[pl.ds(hoff, SUB * G)],
                             sem_w)
            pltpu.async_copy(lbuf[b], acc.at[b_s[b]], sem_a, add=True)
        return carry

    lax.fori_loop(0, J_FULL // WIDE, outer, 0)
    drain_writes()

    off_r = base + J_FULL * SUB
    pltpu.sync_copy(x_hbm.at[pl.ds(off_r, REM)], x_r)
    pltpu.sync_copy(batch_hbm.at[pl.ds(off_r, REM)], b_r)
    xv = x_r[...]
    xb = xv * (2 * G)
    for j in range(G):
        lval = plsc.load_gather(tab, [xb + j])
        hval = plsc.load_gather(tab, [xb + (G + j)])
        cols = jnp.full((L,), j, jnp.int32)
        plsc.store_scatter(lbuf_r, [iota, cols], lval)
        plsc.store_scatter(
            hbuf_r, [iota * G + j], plsc.bitcast(hval, jnp.int32))
    pltpu.sync_copy(hbuf_r, hout_hbm.at[pl.ds(off_r * G, REM * G)])
    pltpu.sync_copy(lbuf_r, acc.at[b_r], add=True)

    plsc.subcore_barrier()

    @pl.when(sid == 0)
    def _():
        pltpu.sync_copy(acc, likp_hbm.at[cid])


@functools.lru_cache(maxsize=1)
def _sc_main():
    mesh = plsc.VectorSubcoreMesh(
        core_axis_name="c", subcore_axis_name="s",
        num_cores=NC, num_subcores=NS)
    return pl.kernel(
        _sc_body,
        out_type=(
            jax.ShapeDtypeStruct((N * G,), jnp.int32),
            jax.ShapeDtypeStruct((NC, NUM_GRAPHS, G), jnp.float32),
        ),
        mesh=mesh,
        scratch_types=[
            pltpu.VMEM((2 * M * G,), jnp.float32),
            [pltpu.VMEM((SUB,), jnp.int32)] * WIDE,
            [pltpu.VMEM((SUB,), jnp.int32)] * WIDE,
            [pltpu.VMEM((SUB * G,), jnp.int32)] * WIDE,
            [pltpu.VMEM((SUB, G), jnp.float32)] * WIDE,
            pltpu.VMEM((SUB, G), jnp.float32),
            pltpu.VMEM((REM,), jnp.int32),
            pltpu.VMEM((REM,), jnp.int32),
            pltpu.VMEM((REM * G,), jnp.int32),
            pltpu.VMEM((REM, G), jnp.float32),
            pltpu.VMEM_SHARED((NUM_GRAPHS, G), jnp.float32),
            pltpu.SemaphoreType.DMA,
            pltpu.SemaphoreType.DMA,
            pltpu.SemaphoreType.DMA,
            pltpu.SemaphoreType.DMA,
        ],
        compiler_params=pltpu.CompilerParams(
            use_tc_tiling_on_sc=False, needs_layout_passes=False),
    )


def kernel(x, batch, B, Pi):
    tab = _tables(B.astype(jnp.float32), Pi.astype(jnp.float32))
    tab = tab.reshape(2 * M * G)
    h_flat, lik_part = _sc_main()(
        x.astype(jnp.int32), batch.astype(jnp.int32), tab)
    likelihood = _combine(lik_part)
    return likelihood, h_flat.reshape(N, G)

# --- scband reference (transcript-rebuilt; emitter-appended) ---
"""Pipeline reference for scband-cgmmlayer-0-9732395893090 (READ-ONLY COPY).

The authoritative reference and input builder live on the scoring server;
editing this copy changes nothing except your own understanding.
"""

import jax, jax.numpy as jnp
import numpy as np

N = 320000
C = 10
M = 16
N_GEN = 8
NUM_GRAPHS = 512

def setup_inputs(seed: int = 0):
    key = jax.random.key(seed)
    k1, k2, k3, k4 = jax.random.split(key, 4)
    x = jax.random.randint(k1, (N,), 0, M)
    batch = jnp.sort(jax.random.randint(k2, (N,), 0, NUM_GRAPHS))
    B = jax.random.normal(k3, (C, M, N_GEN), dtype=jnp.float32) * 2.0
    Pi = jax.random.normal(k4, (C, N_GEN), dtype=jnp.float32) * 2.0
    return {"x": x, "batch": batch, "B": B, "Pi": Pi}

def reference(x, batch, B, Pi):
    # softmax reparameterization: per-generator softmax over M (axis=1) for B,
    # and over C (axis=0) for Pi -- equivalent to the per-j loop + stack.
    sm_B = jax.nn.softmax(B, axis=1)          # [C, M, n_gen]
    sm_Pi = jax.nn.softmax(Pi, axis=0)        # [C, n_gen]
    gathered = jnp.transpose(sm_B[:, x, :], (1, 0, 2))   # [N, C, n_gen]
    numerator = sm_Pi[None, :, :] * gathered             # [N, C, n_gen]
    posterior = numerator / jnp.sum(numerator, axis=1, keepdims=True)
    likelihood = jnp.sum(posterior * jnp.log(numerator), axis=1)  # [N, n_gen]
    likelihood = jax.ops.segment_sum(likelihood, batch, num_segments=NUM_GRAPHS)
    h_states = jnp.argmax(posterior, axis=1)             # [N, n_gen]
    return likelihood, h_states

if __name__ == "__main__":
    import jax
    _d = setup_inputs()
    print(jax.jit(kernel)(*tuple(_d.values())))

</pallas_src>

<mosaic_0001>
#map = affine_map<(d0, d1) -> (0)>
#map1 = affine_map<(d0, d1) -> (0, 0, 0)>
module attributes {stable_mosaic.version = 14 : i64} {
  func.func @_sc_body(%arg0: i32, %arg1: i32, %arg2: memref<320000xi32, #tpu.memory_space<hbm>>, %arg3: memref<320000xi32, #tpu.memory_space<hbm>>, %arg4: memref<256xf32, #tpu.memory_space<hbm>>, %arg5: memref<2560000xi32, #tpu.memory_space<hbm>>, %arg6: memref<2x512x8xf32, #tpu.memory_space<hbm>>, %arg7: memref<256xf32, #tpu.memory_space<vmem>>, %arg8: memref<128xi32, #tpu.memory_space<vmem>>, %arg9: memref<128xi32, #tpu.memory_space<vmem>>, %arg10: memref<128xi32, #tpu.memory_space<vmem>>, %arg11: memref<128xi32, #tpu.memory_space<vmem>>, %arg12: memref<128xi32, #tpu.memory_space<vmem>>, %arg13: memref<128xi32, #tpu.memory_space<vmem>>, %arg14: memref<128xi32, #tpu.memory_space<vmem>>, %arg15: memref<128xi32, #tpu.memory_space<vmem>>, %arg16: memref<128xi32, #tpu.memory_space<vmem>>, %arg17: memref<128xi32, #tpu.memory_space<vmem>>, %arg18: memref<128xi32, #tpu.memory_space<vmem>>, %arg19: memref<128xi32, #tpu.memory_space<vmem>>, %arg20: memref<1024xi32, #tpu.memory_space<vmem>>, %arg21: memref<1024xi32, #tpu.memory_space<vmem>>, %arg22: memref<1024xi32, #tpu.memory_space<vmem>>, %arg23: memref<1024xi32, #tpu.memory_space<vmem>>, %arg24: memref<1024xi32, #tpu.memory_space<vmem>>, %arg25: memref<1024xi32, #tpu.memory_space<vmem>>, %arg26: memref<128x8xf32, #tpu.memory_space<vmem>>, %arg27: memref<128x8xf32, #tpu.memory_space<vmem>>, %arg28: memref<128x8xf32, #tpu.memory_space<vmem>>, %arg29: memref<128x8xf32, #tpu.memory_space<vmem>>, %arg30: memref<128x8xf32, #tpu.memory_space<vmem>>, %arg31: memref<128x8xf32, #tpu.memory_space<vmem>>, %arg32: memref<128x8xf32, #tpu.memory_space<vmem>>, %arg33: memref<16xi32, #tpu.memory_space<vmem>>, %arg34: memref<16xi32, #tpu.memory_space<vmem>>, %arg35: memref<128xi32, #tpu.memory_space<vmem>>, %arg36: memref<16x8xf32, #tpu.memory_space<vmem>>, %arg37: memref<512x8xf32, #tpu.memory_space<vmem_shared>>, %arg38: memref<!tpu.dma_semaphore, #tpu.memory_space<semaphore_mem>>, %arg39: memref<!tpu.dma_semaphore, #tpu.memory_space<semaphore_mem>>, %arg40: memref<!tpu.dma_semaphore, #tpu.memory_space<semaphore_mem>>, %arg41: memref<!tpu.dma_semaphore, #tpu.memory_space<semaphore_mem>>) attributes {dimension_semantics = [#tpu.dimension_semantics<core_parallel>, #tpu.dimension_semantics<subcore_parallel>], iteration_bounds = array<i64: 2, 16>, scalar_prefetch = 0 : i64, scratch_operands = 35 : i64, tpu.core_type = #tpu.core_type<sc_vector_subcore>, window_params = [{transform_indices = #map}, {transform_indices = #map}, {transform_indices = #map}, {transform_indices = #map}, {transform_indices = #map1}]} {
    %mul3A = arith.constant 16 : i32
    %mul3A_0 = arith.muli %arg0, %mul3A : i32
    %add3A = arith.addi %mul3A_0, %arg1 : i32
    %mul3A_1 = arith.constant 10000 : i32
    %mul3A_2 = arith.muli %add3A, %mul3A_1 : i32
    %iota3A = tpu.iota {dimensions = array<i32: 0>} : vector<16xi32>
    %eq3A = arith.constant 0 : i32
    %eq3A_3 = arith.cmpi eq, %arg1, %eq3A : i32
    %convert_element_type3A = arith.extui %eq3A_3 : i1 to i32
    %cond3A = arith.constant 0 : i32
    %cond3A_4 = arith.cmpi ne, %convert_element_type3A, %cond3A : i32
    scf.if %cond3A_4 {
      %broadcast_in_dim3A_198 = arith.constant 0.000000e+00 : f32
      %broadcast_in_dim3A_199 = vector.broadcast %broadcast_in_dim3A_198 : f32 to vector<16xf32>
      %add3A_200 = arith.constant 0 : i32
      %add3A_201 = vector.broadcast %add3A_200 : i32 to vector<16xi32>
      %add3A_202 = arith.addi %iota3A, %add3A_201 : vector<16xi32>
      %broadcast_in_dim3A_203 = arith.constant 0 : i32
      %broadcast_in_dim3A_204 = vector.broadcast %broadcast_in_dim3A_203 : i32 to vector<16xi32>
      tpu.vector_store_idx %arg32[%add3A_202, %broadcast_in_dim3A_204], %broadcast_in_dim3A_199 : memref<128x8xf32, #tpu.memory_space<vmem>>[vector<16xi32>, vector<16xi32>], vector<16xf32>,
      %broadcast_in_dim3A_205 = arith.constant 1 : i32
      %broadcast_in_dim3A_206 = vector.broadcast %broadcast_in_dim3A_205 : i32 to vector<16xi32>
      tpu.vector_store_idx %arg32[%add3A_202, %broadcast_in_dim3A_206], %broadcast_in_dim3A_199 : memref<128x8xf32, #tpu.memory_space<vmem>>[vector<16xi32>, vector<16xi32>], vector<16xf32>,
      %broadcast_in_dim3A_207 = arith.constant 2 : i32
      %broadcast_in_dim3A_208 = vector.broadcast %broadcast_in_dim3A_207 : i32 to vector<16xi32>
      tpu.vector_store_idx %arg32[%add3A_202, %broadcast_in_dim3A_208], %broadcast_in_dim3A_199 : memref<128x8xf32, #tpu.memory_space<vmem>>[vector<16xi32>, vector<16xi32>], vector<16xf32>,
      %broadcast_in_dim3A_209 = arith.constant 3 : i32
      %broadcast_in_dim3A_210 = vector.broadcast %broadcast_in_dim3A_209 : i32 to vector<16xi32>
      tpu.vector_store_idx %arg32[%add3A_202, %broadcast_in_dim3A_210], %broadcast_in_dim3A_199 : memref<128x8xf32, #tpu.memory_space<vmem>>[vector<16xi32>, vector<16xi32>], vector<16xf32>,
      %broadcast_in_dim3A_211 = arith.constant 4 : i32
      %broadcast_in_dim3A_212 = vector.broadcast %broadcast_in_dim3A_211 : i32 to vector<16xi32>
      tpu.vector_store_idx %arg32[%add3A_202, %broadcast_in_dim3A_212], %broadcast_in_dim3A_199 : memref<128x8xf32, #tpu.memory_space<vmem>>[vector<16xi32>, vector<16xi32>], vector<16xf32>,
      %broadcast_in_dim3A_213 = arith.constant 5 : i32
      %broadcast_in_dim3A_214 = vector.broadcast %broadcast_in_dim3A_213 : i32 to vector<16xi32>
      tpu.vector_store_idx %arg32[%add3A_202, %broadcast_in_dim3A_214], %broadcast_in_dim3A_199 : memref<128x8xf32, #tpu.memory_space<vmem>>[vector<16xi32>, vector<16xi32>], vector<16xf32>,
      %broadcast_in_dim3A_215 = arith.constant 6 : i32
      %broadcast_in_dim3A_216 = vector.broadcast %broadcast_in_dim3A_215 : i32 to vector<16xi32>
      tpu.vector_store_idx %arg32[%add3A_202, %broadcast_in_dim3A_216], %broadcast_in_dim3A_199 : memref<128x8xf32, #tpu.memory_space<vmem>>[vector<16xi32>, vector<16xi32>], vector<16xf32>,
      %broadcast_in_dim3A_217 = arith.constant 7 : i32
      %broadcast_in_dim3A_218 = vector.broadcast %broadcast_in_dim3A_217 : i32 to vector<16xi32>
      tpu.vector_store_idx %arg32[%add3A_202, %broadcast_in_dim3A_218], %broadcast_in_dim3A_199 : memref<128x8xf32, #tpu.memory_space<vmem>>[vector<16xi32>, vector<16xi32>], vector<16xf32>,
      %add3A_219 = arith.constant 16 : i32
      %add3A_220 = vector.broadcast %add3A_219 : i32 to vector<16xi32>
      %add3A_221 = arith.addi %iota3A, %add3A_220 : vector<16xi32>
      %broadcast_in_dim3A_222 = arith.constant 0 : i32
      %broadcast_in_dim3A_223 = vector.broadcast %broadcast_in_dim3A_222 : i32 to vector<16xi32>
      tpu.vector_store_idx %arg32[%add3A_221, %broadcast_in_dim3A_223], %broadcast_in_dim3A_199 : memref<128x8xf32, #tpu.memory_space<vmem>>[vector<16xi32>, vector<16xi32>], vector<16xf32>,
      %broadcast_in_dim3A_224 = arith.constant 1 : i32
      %broadcast_in_dim3A_225 = vector.broadcast %broadcast_in_dim3A_224 : i32 to vector<16xi32>
      tpu.vector_store_idx %arg32[%add3A_221, %broadcast_in_dim3A_225], %broadcast_in_dim3A_199 : memref<128x8xf32, #tpu.memory_space<vmem>>[vector<16xi32>, vector<16xi32>], vector<16xf32>,
      %broadcast_in_dim3A_226 = arith.constant 2 : i32
      %broadcast_in_dim3A_227 = vector.broadcast %broadcast_in_dim3A_226 : i32 to vector<16xi32>
      tpu.vector_store_idx %arg32[%add3A_221, %broadcast_in_dim3A_227], %broadcast_in_dim3A_199 : memref<128x8xf32, #tpu.memory_space<vmem>>[vector<16xi32>, vector<16xi32>], vector<16xf32>,
      %broadcast_in_dim3A_228 = arith.constant 3 : i32
      %broadcast_in_dim3A_229 = vector.broadcast %broadcast_in_dim3A_228 : i32 to vector<16xi32>
      tpu.vector_store_idx %arg32[%add3A_221, %broadcast_in_dim3A_229], %broadcast_in_dim3A_199 : memref<128x8xf32, #tpu.memory_space<vmem>>[vector<16xi32>, vector<16xi32>], vector<16xf32>,
      %broadcast_in_dim3A_230 = arith.constant 4 : i32
      %broadcast_in_dim3A_231 = vector.broadcast %broadcast_in_dim3A_230 : i32 to vector<16xi32>
      tpu.vector_store_idx %arg32[%add3A_221, %broadcast_in_dim3A_231], %broadcast_in_dim3A_199 : memref<128x8xf32, #tpu.memory_space<vmem>>[vector<16xi32>, vector<16xi32>], vector<16xf32>,
      %broadcast_in_dim3A_232 = arith.constant 5 : i32
      %broadcast_in_dim3A_233 = vector.broadcast %broadcast_in_dim3A_232 : i32 to vector<16xi32>
      tpu.vector_store_idx %arg32[%add3A_221, %broadcast_in_dim3A_233], %broadcast_in_dim3A_199 : memref<128x8xf32, #tpu.memory_space<vmem>>[vector<16xi32>, vector<16xi32>], vector<16xf32>,
      %broadcast_in_dim3A_234 = arith.constant 6 : i32
      %broadcast_in_dim3A_235 = vector.broadcast %broadcast_in_dim3A_234 : i32 to vector<16xi32>
      tpu.vector_store_idx %arg32[%add3A_221, %broadcast_in_dim3A_235], %broadcast_in_dim3A_199 : memref<128x8xf32, #tpu.memory_space<vmem>>[vector<16xi32>, vector<16xi32>], vector<16xf32>,
      %broadcast_in_dim3A_236 = arith.constant 7 : i32
      %broadcast_in_dim3A_237 = vector.broadcast %broadcast_in_dim3A_236 : i32 to vector<16xi32>
      tpu.vector_store_idx %arg32[%add3A_221, %broadcast_in_dim3A_237], %broadcast_in_dim3A_199 : memref<128x8xf32, #tpu.memory_space<vmem>>[vector<16xi32>, vector<16xi32>], vector<16xf32>,
      %add3A_238 = arith.constant 32 : i32
      %add3A_239 = vector.broadcast %add3A_238 : i32 to vector<16xi32>
      %add3A_240 = arith.addi %iota3A, %add3A_239 : vector<16xi32>
      %broadcast_in_dim3A_241 = arith.constant 0 : i32
      %broadcast_in_dim3A_242 = vector.broadcast %broadcast_in_dim3A_241 : i32 to vector<16xi32>
      tpu.vector_store_idx %arg32[%add3A_240, %broadcast_in_dim3A_242], %broadcast_in_dim3A_199 : memref<128x8xf32, #tpu.memory_space<vmem>>[vector<16xi32>, vector<16xi32>], vector<16xf32>,
      %broadcast_in_dim3A_243 = arith.constant 1 : i32
      %broadcast_in_dim3A_244 = vector.broadcast %broadcast_in_dim3A_243 : i32 to vector<16xi32>
      tpu.vector_store_idx %arg32[%add3A_240, %broadcast_in_dim3A_244], %broadcast_in_dim3A_199 : memref<128x8xf32, #tpu.memory_space<vmem>>[vector<16xi32>, vector<16xi32>], vector<16xf32>,
      %broadcast_in_dim3A_245 = arith.constant 2 : i32
      %broadcast_in_dim3A_246 = vector.broadcast %broadcast_in_dim3A_245 : i32 to vector<16xi32>
      tpu.vector_store_idx %arg32[%add3A_240, %broadcast_in_dim3A_246], %broadcast_in_dim3A_199 : memref<128x8xf32, #tpu.memory_space<vmem>>[vector<16xi32>, vector<16xi32>], vector<16xf32>,
      %broadcast_in_dim3A_247 = arith.constant 3 : i32
      %broadcast_in_dim3A_248 = vector.broadcast %broadcast_in_dim3A_247 : i32 to vector<16xi32>
      tpu.vector_store_idx %arg32[%add3A_240, %broadcast_in_dim3A_248], %broadcast_in_dim3A_199 : memref<128x8xf32, #tpu.memory_space<vmem>>[vector<16xi32>, vector<16xi32>], vector<16xf32>,
      %broadcast_in_dim3A_249 = arith.constant 4 : i32
      %broadcast_in_dim3A_250 = vector.broadcast %broadcast_in_dim3A_249 : i32 to vector<16xi32>
      tpu.vector_store_idx %arg32[%add3A_240, %broadcast_in_dim3A_250], %broadcast_in_dim3A_199 : memref<128x8xf32, #tpu.memory_space<vmem>>[vector<16xi32>, vector<16xi32>], vector<16xf32>,
      %broadcast_in_dim3A_251 = arith.constant 5 : i32
      %broadcast_in_dim3A_252 = vector.broadcast %broadcast_in_dim3A_251 : i32 to vector<16xi32>
      tpu.vector_store_idx %arg32[%add3A_240, %broadcast_in_dim3A_252], %broadcast_in_dim3A_199 : memref<128x8xf32, #tpu.memory_space<vmem>>[vector<16xi32>, vector<16xi32>], vector<16xf32>,
      %broadcast_in_dim3A_253 = arith.constant 6 : i32
      %broadcast_in_dim3A_254 = vector.broadcast %broadcast_in_dim3A_253 : i32 to vector<16xi32>
      tpu.vector_store_idx %arg32[%add3A_240, %broadcast_in_dim3A_254], %broadcast_in_dim3A_199 : memref<128x8xf32, #tpu.memory_space<vmem>>[vector<16xi32>, vector<16xi32>], vector<16xf32>,
      %broadcast_in_dim3A_255 = arith.constant 7 : i32
      %broadcast_in_dim3A_256 = vector.broadcast %broadcast_in_dim3A_255 : i32 to vector<16xi32>
      tpu.vector_store_idx %arg32[%add3A_240, %broadcast_in_dim3A_256], %broadcast_in_dim3A_199 : memref<128x8xf32, #tpu.memory_space<vmem>>[vector<16xi32>, vector<16xi32>], vector<16xf32>,
      %add3A_257 = arith.constant 48 : i32
      %add3A_258 = vector.broadcast %add3A_257 : i32 to vector<16xi32>
      %add3A_259 = arith.addi %iota3A, %add3A_258 : vector<16xi32>
      %broadcast_in_dim3A_260 = arith.constant 0 : i32
      %broadcast_in_dim3A_261 = vector.broadcast %broadcast_in_dim3A_260 : i32 to vector<16xi32>
      tpu.vector_store_idx %arg32[%add3A_259, %broadcast_in_dim3A_261], %broadcast_in_dim3A_199 : memref<128x8xf32, #tpu.memory_space<vmem>>[vector<16xi32>, vector<16xi32>], vector<16xf32>,
      %broadcast_in_dim3A_262 = arith.constant 1 : i32
      %broadcast_in_dim3A_263 = vector.broadcast %broadcast_in_dim3A_262 : i32 to vector<16xi32>
      tpu.vector_store_idx %arg32[%add3A_259, %broadcast_in_dim3A_263], %broadcast_in_dim3A_199 : memref<128x8xf32, #tpu.memory_space<vmem>>[vector<16xi32>, vector<16xi32>], vector<16xf32>,
      %broadcast_in_dim3A_264 = arith.constant 2 : i32
      %broadcast_in_dim3A_265 = vector.broadcast %broadcast_in_dim3A_264 : i32 to vector<16xi32>
      tpu.vector_store_idx %arg32[%add3A_259, %broadcast_in_dim3A_265], %broadcast_in_dim3A_199 : memref<128x8xf32, #tpu.memory_space<vmem>>[vector<16xi32>, vector<16xi32>], vector<16xf32>,
      %broadcast_in_dim3A_266 = arith.constant 3 : i32
      %broadcast_in_dim3A_267 = vector.broadcast %broadcast_in_dim3A_266 : i32 to vector<16xi32>
      tpu.vector_store_idx %arg32[%add3A_259, %broadcast_in_dim3A_267], %broadcast_in_dim3A_199 : memref<128x8xf32, #tpu.memory_space<vmem>>[vector<16xi32>, vector<16xi32>], vector<16xf32>,
      %broadcast_in_dim3A_268 = arith.constant 4 : i32
      %broadcast_in_dim3A_269 = vector.broadcast %broadcast_in_dim3A_268 : i32 to vector<16xi32>
      tpu.vector_store_idx %arg32[%add3A_259, %broadcast_in_dim3A_269], %broadcast_in_dim3A_199 : memref<128x8xf32, #tpu.memory_space<vmem>>[vector<16xi32>, vector<16xi32>], vector<16xf32>,
      %broadcast_in_dim3A_270 = arith.constant 5 : i32
      %broadcast_in_dim3A_271 = vector.broadcast %broadcast_in_dim3A_270 : i32 to vector<16xi32>
      tpu.vector_store_idx %arg32[%add3A_259, %broadcast_in_dim3A_271], %broadcast_in_dim3A_199 : memref<128x8xf32, #tpu.memory_space<vmem>>[vector<16xi32>, vector<16xi32>], vector<16xf32>,
      %broadcast_in_dim3A_272 = arith.constant 6 : i32
      %broadcast_in_dim3A_273 = vector.broadcast %broadcast_in_dim3A_272 : i32 to vector<16xi32>
      tpu.vector_store_idx %arg32[%add3A_259, %broadcast_in_dim3A_273], %broadcast_in_dim3A_199 : memref<128x8xf32, #tpu.memory_space<vmem>>[vector<16xi32>, vector<16xi32>], vector<16xf32>,
      %broadcast_in_dim3A_274 = arith.constant 7 : i32
      %broadcast_in_dim3A_275 = vector.broadcast %broadcast_in_dim3A_274 : i32 to vector<16xi32>
      tpu.vector_store_idx %arg32[%add3A_259, %broadcast_in_dim3A_275], %broadcast_in_dim3A_199 : memref<128x8xf32, #tpu.memory_space<vmem>>[vector<16xi32>, vector<16xi32>], vector<16xf32>,
      %add3A_276 = arith.constant 64 : i32
      %add3A_277 = vector.broadcast %add3A_276 : i32 to vector<16xi32>
      %add3A_278 = arith.addi %iota3A, %add3A_277 : vector<16xi32>
      %broadcast_in_dim3A_279 = arith.constant 0 : i32
      %broadcast_in_dim3A_280 = vector.broadcast %broadcast_in_dim3A_279 : i32 to vector<16xi32>
      tpu.vector_store_idx %arg32[%add3A_278, %broadcast_in_dim3A_280], %broadcast_in_dim3A_199 : memref<128x8xf32, #tpu.memory_space<vmem>>[vector<16xi32>, vector<16xi32>], vector<16xf32>,
      %broadcast_in_dim3A_281 = arith.constant 1 : i32
      %broadcast_in_dim3A_282 = vector.broadcast %broadcast_in_dim3A_281 : i32 to vector<16xi32>
      tpu.vector_store_idx %arg32[%add3A_278, %broadcast_in_dim3A_282], %broadcast_in_dim3A_199 : memref<128x8xf32, #tpu.memory_space<vmem>>[vector<16xi32>, vector<16xi32>], vector<16xf32>,
      %broadcast_in_dim3A_283 = arith.constant 2 : i32
      %broadcast_in_dim3A_284 = vector.broadcast %broadcast_in_dim3A_283 : i32 to vector<16xi32>
      tpu.vector_store_idx %arg32[%add3A_278, %broadcast_in_dim3A_284], %broadcast_in_dim3A_199 : memref<128x8xf32, #tpu.memory_space<vmem>>[vector<16xi32>, vector<16xi32>], vector<16xf32>,
      %broadcast_in_dim3A_285 = arith.constant 3 : i32
      %broadcast_in_dim3A_286 = vector.broadcast %broadcast_in_dim3A_285 : i32 to vector<16xi32>
      tpu.vector_store_idx %arg32[%add3A_278, %broadcast_in_dim3A_286], %broadcast_in_dim3A_199 : memref<128x8xf32, #tpu.memory_space<vmem>>[vector<16xi32>, vector<16xi32>], vector<16xf32>,
      %broadcast_in_dim3A_287 = arith.constant 4 : i32
      %broadcast_in_dim3A_288 = vector.broadcast %broadcast_in_dim3A_287 : i32 to vector<16xi32>
      tpu.vector_store_idx %arg32[%add3A_278, %broadcast_in_dim3A_288], %broadcast_in_dim3A_199 : memref<128x8xf32, #tpu.memory_space<vmem>>[vector<16xi32>, vector<16xi32>], vector<16xf32>,
      %broadcast_in_dim3A_289 = arith.constant 5 : i32
      %broadcast_in_dim3A_290 = vector.broadcast %broadcast_in_dim3A_289 : i32 to vector<16xi32>
      tpu.vector_store_idx %arg32[%add3A_278, %broadcast_in_dim3A_290], %broadcast_in_dim3A_199 : memref<128x8xf32, #tpu.memory_space<vmem>>[vector<16xi32>, vector<16xi32>], vector<16xf32>,
      %broadcast_in_dim3A_291 = arith.constant 6 : i32
      %broadcast_in_dim3A_292 = vector.broadcast %broadcast_in_dim3A_291 : i32 to vector<16xi32>
      tpu.vector_store_idx %arg32[%add3A_278, %broadcast_in_dim3A_292], %broadcast_in_dim3A_199 : memref<128x8xf32, #tpu.memory_space<vmem>>[vector<16xi32>, vector<16xi32>], vector<16xf32>,
      %broadcast_in_dim3A_293 = arith.constant 7 : i32
      %broadcast_in_dim3A_294 = vector.broadcast %broadcast_in_dim3A_293 : i32 to vector<16xi32>
      tpu.vector_store_idx %arg32[%add3A_278, %broadcast_in_dim3A_294], %broadcast_in_dim3A_199 : memref<128x8xf32, #tpu.memory_space<vmem>>[vector<16xi32>, vector<16xi32>], vector<16xf32>,
      %add3A_295 = arith.constant 80 : i32
      %add3A_296 = vector.broadcast %add3A_295 : i32 to vector<16xi32>
      %add3A_297 = arith.addi %iota3A, %add3A_296 : vector<16xi32>
      %broadcast_in_dim3A_298 = arith.constant 0 : i32
      %broadcast_in_dim3A_299 = vector.broadcast %broadcast_in_dim3A_298 : i32 to vector<16xi32>
      tpu.vector_store_idx %arg32[%add3A_297, %broadcast_in_dim3A_299], %broadcast_in_dim3A_199 : memref<128x8xf32, #tpu.memory_space<vmem>>[vector<16xi32>, vector<16xi32>], vector<16xf32>,
      %broadcast_in_dim3A_300 = arith.constant 1 : i32
      %broadcast_in_dim3A_301 = vector.broadcast %broadcast_in_dim3A_300 : i32 to vector<16xi32>
      tpu.vector_store_idx %arg32[%add3A_297, %broadcast_in_dim3A_301], %broadcast_in_dim3A_199 : memref<128x8xf32, #tpu.memory_space<vmem>>[vector<16xi32>, vector<16xi32>], vector<16xf32>,
      %broadcast_in_dim3A_302 = arith.constant 2 : i32
      %broadcast_in_dim3A_303 = vector.broadcast %broadcast_in_dim3A_302 : i32 to vector<16xi32>
      tpu.vector_store_idx %arg32[%add3A_297, %broadcast_in_dim3A_303], %broadcast_in_dim3A_199 : memref<128x8xf32, #tpu.memory_space<vmem>>[vector<16xi32>, vector<16xi32>], vector<16xf32>,
      %broadcast_in_dim3A_304 = arith.constant 3 : i32
      %broadcast_in_dim3A_305 = vector.broadcast %broadcast_in_dim3A_304 : i32 to vector<16xi32>
      tpu.vector_store_idx %arg32[%add3A_297, %broadcast_in_dim3A_305], %broadcast_in_dim3A_199 : memref<128x8xf32, #tpu.memory_space<vmem>>[vector<16xi32>, vector<16xi32>], vector<16xf32>,
      %broadcast_in_dim3A_306 = arith.constant 4 : i32
      %broadcast_in_dim3A_307 = vector.broadcast %broadcast_in_dim3A_306 : i32 to vector<16xi32>
      tpu.vector_store_idx %arg32[%add3A_297, %broadcast_in_dim3A_307], %broadcast_in_dim3A_199 : memref<128x8xf32, #tpu.memory_space<vmem>>[vector<16xi32>, vector<16xi32>], vector<16xf32>,
      %broadcast_in_dim3A_308 = arith.constant 5 : i32
      %broadcast_in_dim3A_309 = vector.broadcast %broadcast_in_dim3A_308 : i32 to vector<16xi32>
      tpu.vector_store_idx %arg32[%add3A_297, %broadcast_in_dim3A_309], %broadcast_in_dim3A_199 : memref<128x8xf32, #tpu.memory_space<vmem>>[vector<16xi32>, vector<16xi32>], vector<16xf32>,
      %broadcast_in_dim3A_310 = arith.constant 6 : i32
      %broadcast_in_dim3A_311 = vector.broadcast %broadcast_in_dim3A_310 : i32 to vector<16xi32>
      tpu.vector_store_idx %arg32[%add3A_297, %broadcast_in_dim3A_311], %broadcast_in_dim3A_199 : memref<128x8xf32, #tpu.memory_space<vmem>>[vector<16xi32>, vector<16xi32>], vector<16xf32>,
      %broadcast_in_dim3A_312 = arith.constant 7 : i32
      %broadcast_in_dim3A_313 = vector.broadcast %broadcast_in_dim3A_312 : i32 to vector<16xi32>
      tpu.vector_store_idx %arg32[%add3A_297, %broadcast_in_dim3A_313], %broadcast_in_dim3A_199 : memref<128x8xf32, #tpu.memory_space<vmem>>[vector<16xi32>, vector<16xi32>], vector<16xf32>,
      %add3A_314 = arith.constant 96 : i32
      %add3A_315 = vector.broadcast %add3A_314 : i32 to vector<16xi32>
      %add3A_316 = arith.addi %iota3A, %add3A_315 : vector<16xi32>
      %broadcast_in_dim3A_317 = arith.constant 0 : i32
      %broadcast_in_dim3A_318 = vector.broadcast %broadcast_in_dim3A_317 : i32 to vector<16xi32>
      tpu.vector_store_idx %arg32[%add3A_316, %broadcast_in_dim3A_318], %broadcast_in_dim3A_199 : memref<128x8xf32, #tpu.memory_space<vmem>>[vector<16xi32>, vector<16xi32>], vector<16xf32>,
      %broadcast_in_dim3A_319 = arith.constant 1 : i32
      %broadcast_in_dim3A_320 = vector.broadcast %broadcast_in_dim3A_319 : i32 to vector<16xi32>
      tpu.vector_store_idx %arg32[%add3A_316, %broadcast_in_dim3A_320], %broadcast_in_dim3A_199 : memref<128x8xf32, #tpu.memory_space<vmem>>[vector<16xi32>, vector<16xi32>], vector<16xf32>,
      %broadcast_in_dim3A_321 = arith.constant 2 : i32
      %broadcast_in_dim3A_322 = vector.broadcast %broadcast_in_dim3A_321 : i32 to vector<16xi32>
      tpu.vector_store_idx %arg32[%add3A_316, %broadcast_in_dim3A_322], %broadcast_in_dim3A_199 : memref<128x8xf32, #tpu.memory_space<vmem>>[vector<16xi32>, vector<16xi32>], vector<16xf32>,
      %broadcast_in_dim3A_323 = arith.constant 3 : i32
      %broadcast_in_dim3A_324 = vector.broadcast %broadcast_in_dim3A_323 : i32 to vector<16xi32>
      tpu.vector_store_idx %arg32[%add3A_316, %broadcast_in_dim3A_324], %broadcast_in_dim3A_199 : memref<128x8xf32, #tpu.memory_space<vmem>>[vector<16xi32>, vector<16xi32>], vector<16xf32>,
      %broadcast_in_dim3A_325 = arith.constant 4 : i32
      %broadcast_in_dim3A_326 = vector.broadcast %broadcast_in_dim3A_325 : i32 to vector<16xi32>
      tpu.vector_store_idx %arg32[%add3A_316, %broadcast_in_dim3A_326], %broadcast_in_dim3A_199 : memref<128x8xf32, #tpu.memory_space<vmem>>[vector<16xi32>, vector<16xi32>], vector<16xf32>,
      %broadcast_in_dim3A_327 = arith.constant 5 : i32
      %broadcast_in_dim3A_328 = vector.broadcast %broadcast_in_dim3A_327 : i32 to vector<16xi32>
      tpu.vector_store_idx %arg32[%add3A_316, %broadcast_in_dim3A_328], %broadcast_in_dim3A_199 : memref<128x8xf32, #tpu.memory_space<vmem>>[vector<16xi32>, vector<16xi32>], vector<16xf32>,
      %broadcast_in_dim3A_329 = arith.constant 6 : i32
      %broadcast_in_dim3A_330 = vector.broadcast %broadcast_in_dim3A_329 : i32 to vector<16xi32>
      tpu.vector_store_idx %arg32[%add3A_316, %broadcast_in_dim3A_330], %broadcast_in_dim3A_199 : memref<128x8xf32, #tpu.memory_space<vmem>>[vector<16xi32>, vector<16xi32>], vector<16xf32>,
      %broadcast_in_dim3A_331 = arith.constant 7 : i32
      %broadcast_in_dim3A_332 = vector.broadcast %broadcast_in_dim3A_331 : i32 to vector<16xi32>
      tpu.vector_store_idx %arg32[%add3A_316, %broadcast_in_dim3A_332], %broadcast_in_dim3A_199 : memref<128x8xf32, #tpu.memory_space<vmem>>[vector<16xi32>, vector<16xi32>], vector<16xf32>,
      %add3A_333 = arith.constant 112 : i32
      %add3A_334 = vector.broadcast %add3A_333 : i32 to vector<16xi32>
      %add3A_335 = arith.addi %iota3A, %add3A_334 : vector<16xi32>
      %broadcast_in_dim3A_336 = arith.constant 0 : i32
      %broadcast_in_dim3A_337 = vector.broadcast %broadcast_in_dim3A_336 : i32 to vector<16xi32>
      tpu.vector_store_idx %arg32[%add3A_335, %broadcast_in_dim3A_337], %broadcast_in_dim3A_199 : memref<128x8xf32, #tpu.memory_space<vmem>>[vector<16xi32>, vector<16xi32>], vector<16xf32>,
      %broadcast_in_dim3A_338 = arith.constant 1 : i32
      %broadcast_in_dim3A_339 = vector.broadcast %broadcast_in_dim3A_338 : i32 to vector<16xi32>
      tpu.vector_store_idx %arg32[%add3A_335, %broadcast_in_dim3A_339], %broadcast_in_dim3A_199 : memref<128x8xf32, #tpu.memory_space<vmem>>[vector<16xi32>, vector<16xi32>], vector<16xf32>,
      %broadcast_in_dim3A_340 = arith.constant 2 : i32
      %broadcast_in_dim3A_341 = vector.broadcast %broadcast_in_dim3A_340 : i32 to vector<16xi32>
      tpu.vector_store_idx %arg32[%add3A_335, %broadcast_in_dim3A_341], %broadcast_in_dim3A_199 : memref<128x8xf32, #tpu.memory_space<vmem>>[vector<16xi32>, vector<16xi32>], vector<16xf32>,
      %broadcast_in_dim3A_342 = arith.constant 3 : i32
      %broadcast_in_dim3A_343 = vector.broadcast %broadcast_in_dim3A_342 : i32 to vector<16xi32>
      tpu.vector_store_idx %arg32[%add3A_335, %broadcast_in_dim3A_343], %broadcast_in_dim3A_199 : memref<128x8xf32, #tpu.memory_space<vmem>>[vector<16xi32>, vector<16xi32>], vector<16xf32>,
      %broadcast_in_dim3A_344 = arith.constant 4 : i32
      %broadcast_in_dim3A_345 = vector.broadcast %broadcast_in_dim3A_344 : i32 to vector<16xi32>
      tpu.vector_store_idx %arg32[%add3A_335, %broadcast_in_dim3A_345], %broadcast_in_dim3A_199 : memref<128x8xf32, #tpu.memory_space<vmem>>[vector<16xi32>, vector<16xi32>], vector<16xf32>,
      %broadcast_in_dim3A_346 = arith.constant 5 : i32
      %broadcast_in_dim3A_347 = vector.broadcast %broadcast_in_dim3A_346 : i32 to vector<16xi32>
      tpu.vector_store_idx %arg32[%add3A_335, %broadcast_in_dim3A_347], %broadcast_in_dim3A_199 : memref<128x8xf32, #tpu.memory_space<vmem>>[vector<16xi32>, vector<16xi32>], vector<16xf32>,
      %broadcast_in_dim3A_348 = arith.constant 6 : i32
      %broadcast_in_dim3A_349 = vector.broadcast %broadcast_in_dim3A_348 : i32 to vector<16xi32>
      tpu.vector_store_idx %arg32[%add3A_335, %broadcast_in_dim3A_349], %broadcast_in_dim3A_199 : memref<128x8xf32, #tpu.memory_space<vmem>>[vector<16xi32>, vector<16xi32>], vector<16xf32>,
      %broadcast_in_dim3A_350 = arith.constant 7 : i32
      %broadcast_in_dim3A_351 = vector.broadcast %broadcast_in_dim3A_350 : i32 to vector<16xi32>
      tpu.vector_store_idx %arg32[%add3A_335, %broadcast_in_dim3A_351], %broadcast_in_dim3A_199 : memref<128x8xf32, #tpu.memory_space<vmem>>[vector<16xi32>, vector<16xi32>], vector<16xf32>,
      "tpu.region"() ({
        %run_scoped3A = tpu.sem_alloc : memref<!tpu.dma_semaphore, #tpu.memory_space<semaphore_mem>>
        %dma_start3A = arith.constant 0 : i32
        %dma_start3A_352 = arith.constant 0 : i32
        %dma_start3A_353 = tpu.memref_slice %arg37[%dma_start3A, %dma_start3A_352] : memref<512x8xf32, #tpu.memory_space<vmem_shared>> -> memref<128x8xf32, #tpu.memory_space<vmem_shared>>
        %dma_start3A_354 = arith.constant 0 : i32
        %dma_start3A_355 = arith.constant 0 : i32
        %dma_start3A_356 = tpu.memref_slice %arg37[%dma_start3A_354, %dma_start3A_355] : memref<512x8xf32, #tpu.memory_space<vmem_shared>> -> memref<128x8xf32, #tpu.memory_space<vmem_shared>>
        tpu.enqueue_dma source(%arg32 : memref<128x8xf32, #tpu.memory_space<vmem>>) target(%dma_start3A_356 : memref<128x8xf32, #tpu.memory_space<vmem_shared>>) target_semaphore(%run_scoped3A : memref<!tpu.dma_semaphore, #tpu.memory_space<semaphore_mem>>)
        %dma_wait3A_357 = arith.constant 0 : i32
        %dma_wait3A_358 = arith.constant 0 : i32
        %dma_wait3A_359 = tpu.memref_slice %arg37[%dma_wait3A_357, %dma_wait3A_358] : memref<512x8xf32, #tpu.memory_space<vmem_shared>> -> memref<128x8xf32, #tpu.memory_space<vmem_shared>>
        %dma_wait3A_360 = arith.constant 0 : i32
        %dma_wait3A_361 = arith.constant 0 : i32
        %dma_wait3A_362 = tpu.memref_slice %arg37[%dma_wait3A_360, %dma_wait3A_361] : memref<512x8xf32, #tpu.memory_space<vmem_shared>> -> memref<128x8xf32, #tpu.memory_space<vmem_shared>>
        tpu.wait_dma2 semaphore(%run_scoped3A : memref<!tpu.dma_semaphore, #tpu.memory_space<semaphore_mem>>) src(%arg32 : memref<128x8xf32, #tpu.memory_space<vmem>>) dst(%dma_wait3A_362 : memref<128x8xf32, #tpu.memory_space<vmem_shared>>)
        tpu.yield
      }) : () -> ()
      "tpu.region"() ({
        %run_scoped3A = tpu.sem_alloc : memref<!tpu.dma_semaphore, #tpu.memory_space<semaphore_mem>>
        %dma_start3A = arith.constant 128 : i32
        %dma_start3A_352 = arith.constant 0 : i32
        %dma_start3A_353 = tpu.memref_slice %arg37[%dma_start3A, %dma_start3A_352] : memref<512x8xf32, #tpu.memory_space<vmem_shared>> -> memref<128x8xf32, #tpu.memory_space<vmem_shared>>
        %dma_start3A_354 = arith.constant 128 : i32
        %dma_start3A_355 = arith.constant 0 : i32
        %dma_start3A_356 = tpu.memref_slice %arg37[%dma_start3A_354, %dma_start3A_355] : memref<512x8xf32, #tpu.memory_space<vmem_shared>> -> memref<128x8xf32, #tpu.memory_space<vmem_shared>>
        tpu.enqueue_dma source(%arg32 : memref<128x8xf32, #tpu.memory_space<vmem>>) target(%dma_start3A_356 : memref<128x8xf32, #tpu.memory_space<vmem_shared>>) target_semaphore(%run_scoped3A : memref<!tpu.dma_semaphore, #tpu.memory_space<semaphore_mem>>)
        %dma_wait3A_357 = arith.constant 128 : i32
        %dma_wait3A_358 = arith.constant 0 : i32
        %dma_wait3A_359 = tpu.memref_slice %arg37[%dma_wait3A_357, %dma_wait3A_358] : memref<512x8xf32, #tpu.memory_space<vmem_shared>> -> memref<128x8xf32, #tpu.memory_space<vmem_shared>>
        %dma_wait3A_360 = arith.constant 128 : i32
        %dma_wait3A_361 = arith.constant 0 : i32
        %dma_wait3A_362 = tpu.memref_slice %arg37[%dma_wait3A_360, %dma_wait3A_361] : memref<512x8xf32, #tpu.memory_space<vmem_shared>> -> memref<128x8xf32, #tpu.memory_space<vmem_shared>>
        tpu.wait_dma2 semaphore(%run_scoped3A : memref<!tpu.dma_semaphore, #tpu.memory_space<semaphore_mem>>) src(%arg32 : memref<128x8xf32, #tpu.memory_space<vmem>>) dst(%dma_wait3A_362 : memref<128x8xf32, #tpu.memory_space<vmem_shared>>)
        tpu.yield
      }) : () -> ()
      "tpu.region"() ({
        %run_scoped3A = tpu.sem_alloc : memref<!tpu.dma_semaphore, #tpu.memory_space<semaphore_mem>>
        %dma_start3A = arith.constant 256 : i32
        %dma_start3A_352 = arith.constant 0 : i32
        %dma_start3A_353 = tpu.memref_slice %arg37[%dma_start3A, %dma_start3A_352] : memref<512x8xf32, #tpu.memory_space<vmem_shared>> -> memref<128x8xf32, #tpu.memory_space<vmem_shared>>
        %dma_start3A_354 = arith.constant 256 : i32
        %dma_start3A_355 = arith.constant 0 : i32
        %dma_start3A_356 = tpu.memref_slice %arg37[%dma_start3A_354, %dma_start3A_355] : memref<512x8xf32, #tpu.memory_space<vmem_shared>> -> memref<128x8xf32, #tpu.memory_space<vmem_shared>>
        tpu.enqueue_dma source(%arg32 : memref<128x8xf32, #tpu.memory_space<vmem>>) target(%dma_start3A_356 : memref<128x8xf32, #tpu.memory_space<vmem_shared>>) target_semaphore(%run_scoped3A : memref<!tpu.dma_semaphore, #tpu.memory_space<semaphore_mem>>)
        %dma_wait3A_357 = arith.constant 256 : i32
        %dma_wait3A_358 = arith.constant 0 : i32
        %dma_wait3A_359 = tpu.memref_slice %arg37[%dma_wait3A_357, %dma_wait3A_358] : memref<512x8xf32, #tpu.memory_space<vmem_shared>> -> memref<128x8xf32, #tpu.memory_space<vmem_shared>>
        %dma_wait3A_360 = arith.constant 256 : i32
        %dma_wait3A_361 = arith.constant 0 : i32
        %dma_wait3A_362 = tpu.memref_slice %arg37[%dma_wait3A_360, %dma_wait3A_361] : memref<512x8xf32, #tpu.memory_space<vmem_shared>> -> memref<128x8xf32, #tpu.memory_space<vmem_shared>>
        tpu.wait_dma2 semaphore(%run_scoped3A : memref<!tpu.dma_semaphore, #tpu.memory_space<semaphore_mem>>) src(%arg32 : memref<128x8xf32, #tpu.memory_space<vmem>>) dst(%dma_wait3A_362 : memref<128x8xf32, #tpu.memory_space<vmem_shared>>)
        tpu.yield
      }) : () -> ()
      "tpu.region"() ({
        %run_scoped3A = tpu.sem_alloc : memref<!tpu.dma_semaphore, #tpu.memory_space<semaphore_mem>>
        %dma_start3A = arith.constant 384 : i32
        %dma_start3A_352 = arith.constant 0 : i32
        %dma_start3A_353 = tpu.memref_slice %arg37[%dma_start3A, %dma_start3A_352] : memref<512x8xf32, #tpu.memory_space<vmem_shared>> -> memref<128x8xf32, #tpu.memory_space<vmem_shared>>
        %dma_start3A_354 = arith.constant 384 : i32
        %dma_start3A_355 = arith.constant 0 : i32
        %dma_start3A_356 = tpu.memref_slice %arg37[%dma_start3A_354, %dma_start3A_355] : memref<512x8xf32, #tpu.memory_space<vmem_shared>> -> memref<128x8xf32, #tpu.memory_space<vmem_shared>>
        tpu.enqueue_dma source(%arg32 : memref<128x8xf32, #tpu.memory_space<vmem>>) target(%dma_start3A_356 : memref<128x8xf32, #tpu.memory_space<vmem_shared>>) target_semaphore(%run_scoped3A : memref<!tpu.dma_semaphore, #tpu.memory_space<semaphore_mem>>)
        %dma_wait3A_357 = arith.constant 384 : i32
        %dma_wait3A_358 = arith.constant 0 : i32
        %dma_wait3A_359 = tpu.memref_slice %arg37[%dma_wait3A_357, %dma_wait3A_358] : memref<512x8xf32, #tpu.memory_space<vmem_shared>> -> memref<128x8xf32, #tpu.memory_space<vmem_shared>>
        %dma_wait3A_360 = arith.constant 384 : i32
        %dma_wait3A_361 = arith.constant 0 : i32
        %dma_wait3A_362 = tpu.memref_slice %arg37[%dma_wait3A_360, %dma_wait3A_361] : memref<512x8xf32, #tpu.memory_space<vmem_shared>> -> memref<128x8xf32, #tpu.memory_space<vmem_shared>>
        tpu.wait_dma2 semaphore(%run_scoped3A : memref<!tpu.dma_semaphore, #tpu.memory_space<semaphore_mem>>) src(%arg32 : memref<128x8xf32, #tpu.memory_space<vmem>>) dst(%dma_wait3A_362 : memref<128x8xf32, #tpu.memory_space<vmem_shared>>)
        tpu.yield
      }) : () -> ()
    } else {
    }
    "tpu.region"() ({
      %run_scoped3A = tpu.sem_alloc : memref<!tpu.dma_semaphore, #tpu.memory_space<semaphore_mem>>
      tpu.enqueue_dma source(%arg4 : memref<256xf32, #tpu.memory_space<hbm>>) target(%arg7 : memref<256xf32, #tpu.memory_space<vmem>>) target_semaphore(%run_scoped3A : memref<!tpu.dma_semaphore, #tpu.memory_space<semaphore_mem>>)
      tpu.wait_dma2 semaphore(%run_scoped3A : memref<!tpu.dma_semaphore, #tpu.memory_space<semaphore_mem>>) src(%arg4 : memref<256xf32, #tpu.memory_space<hbm>>) dst(%arg7 : memref<256xf32, #tpu.memory_space<vmem>>)
      tpu.yield
    }) : () -> ()
    %barrier3A = arith.constant 0 : index
    tpu.barrier barrier_id(%barrier3A)
    %scan3A = arith.constant 0 : i32
    %scan3A_5 = arith.constant 0 : i32
    %scan3A_6 = arith.constant 13 : i32
    %scan3A_7 = arith.addi %scan3A_5, %scan3A_6 : i32
    %scan3A_8 = arith.constant 1 : i32
    scf.for %scan3A_198 = %scan3A_5 to %scan3A_7 step %scan3A_8  : i32 {
      %gt3A = arith.constant 0 : i32
      %gt3A_199 = arith.cmpi sgt, %scan3A_198, %gt3A : i32
      %convert_element_type3A_200 = arith.extui %gt3A_199 : i1 to i32
      %cond3A_201 = arith.constant 0 : i32
      %cond3A_202 = arith.cmpi ne, %convert_element_type3A_200, %cond3A_201 : i32
      scf.if %cond3A_202 {
        %dma_wait3A_429 = arith.constant 0 : i32
        %dma_wait3A_430 = tpu.memref_slice %arg5[%dma_wait3A_429] : memref<2560000xi32, #tpu.memory_space<hbm>> -> memref<1024xi32, #tpu.memory_space<hbm>>
        %dma_wait3A_431 = arith.constant 0 : i32
        %dma_wait3A_432 = tpu.memref_slice %arg5[%dma_wait3A_431] : memref<2560000xi32, #tpu.memory_space<hbm>> -> memref<1024xi32, #tpu.memory_space<hbm>>
        tpu.wait_dma2 semaphore(%arg39 : memref<!tpu.dma_semaphore, #tpu.memory_space<semaphore_mem>>) src(%arg20 : memref<1024xi32, #tpu.memory_space<vmem>>) dst(%dma_wait3A_432 : memref<1024xi32, #tpu.memory_space<hbm>>)
        %dma_wait3A_433 = arith.constant 0 : i32
        %dma_wait3A_434 = arith.constant 0 : i32
        %dma_wait3A_435 = tpu.memref_slice %arg37[%dma_wait3A_433, %dma_wait3A_434] : memref<512x8xf32, #tpu.memory_space<vmem_shared>> -> memref<512x8xf32, #tpu.memory_space<vmem_shared>>
        tpu.wait_indirect_dma semaphore(%arg40 : memref<!tpu.dma_semaphore, #tpu.memory_space<semaphore_mem>>) src(%arg26 : memref<128x8xf32, #tpu.memory_space<vmem>>) dst(%dma_wait3A_435 : memref<512x8xf32, #tpu.memory_space<vmem_shared>>)
        %dma_wait3A_436 = arith.constant 0 : i32
        %dma_wait3A_437 = tpu.memref_slice %arg5[%dma_wait3A_436] : memref<2560000xi32, #tpu.memory_space<hbm>> -> memref<1024xi32, #tpu.memory_space<hbm>>
        %dma_wait3A_438 = arith.constant 0 : i32
        %dma_wait3A_439 = tpu.memref_slice %arg5[%dma_wait3A_438] : memref<2560000xi32, #tpu.memory_space<hbm>> -> memref<1024xi32, #tpu.memory_space<hbm>>
        tpu.wait_dma2 semaphore(%arg39 : memref<!tpu.dma_semaphore, #tpu.memory_space<semaphore_mem>>) src(%arg20 : memref<1024xi32, #tpu.memory_space<vmem>>) dst(%dma_wait3A_439 : memref<1024xi32, #tpu.memory_space<hbm>>)
        %dma_wait3A_440 = arith.constant 0 : i32
        %dma_wait3A_441 = arith.constant 0 : i32
        %dma_wait3A_442 = tpu.memref_slice %arg37[%dma_wait3A_440, %dma_wait3A_441] : memref<512x8xf32, #tpu.memory_space<vmem_shared>> -> memref<512x8xf32, #tpu.memory_space<vmem_shared>>
        tpu.wait_indirect_dma semaphore(%arg40 : memref<!tpu.dma_semaphore, #tpu.memory_space<semaphore_mem>>) src(%arg26 : memref<128x8xf32, #tpu.memory_space<vmem>>) dst(%dma_wait3A_442 : memref<512x8xf32, #tpu.memory_space<vmem_shared>>)
        %dma_wait3A_443 = arith.constant 0 : i32
        %dma_wait3A_444 = tpu.memref_slice %arg5[%dma_wait3A_443] : memref<2560000xi32, #tpu.memory_space<hbm>> -> memref<1024xi32, #tpu.memory_space<hbm>>
        %dma_wait3A_445 = arith.constant 0 : i32
        %dma_wait3A_446 = tpu.memref_slice %arg5[%dma_wait3A_445] : memref<2560000xi32, #tpu.memory_space<hbm>> -> memref<1024xi32, #tpu.memory_space<hbm>>
        tpu.wait_dma2 semaphore(%arg39 : memref<!tpu.dma_semaphore, #tpu.memory_space<semaphore_mem>>) src(%arg20 : memref<1024xi32, #tpu.memory_space<vmem>>) dst(%dma_wait3A_446 : memref<1024xi32, #tpu.memory_space<hbm>>)
        %dma_wait3A_447 = arith.constant 0 : i32
        %dma_wait3A_448 = arith.constant 0 : i32
        %dma_wait3A_449 = tpu.memref_slice %arg37[%dma_wait3A_447, %dma_wait3A_448] : memref<512x8xf32, #tpu.memory_space<vmem_shared>> -> memref<512x8xf32, #tpu.memory_space<vmem_shared>>
        tpu.wait_indirect_dma semaphore(%arg40 : memref<!tpu.dma_semaphore, #tpu.memory_space<semaphore_mem>>) src(%arg26 : memref<128x8xf32, #tpu.memory_space<vmem>>) dst(%dma_wait3A_449 : memref<512x8xf32, #tpu.memory_space<vmem_shared>>)
        %dma_wait3A_450 = arith.constant 0 : i32
        %dma_wait3A_451 = tpu.memref_slice %arg5[%dma_wait3A_450] : memref<2560000xi32, #tpu.memory_space<hbm>> -> memref<1024xi32, #tpu.memory_space<hbm>>
        %dma_wait3A_452 = arith.constant 0 : i32
        %dma_wait3A_453 = tpu.memref_slice %arg5[%dma_wait3A_452] : memref<2560000xi32, #tpu.memory_space<hbm>> -> memref<1024xi32, #tpu.memory_space<hbm>>
        tpu.wait_dma2 semaphore(%arg39 : memref<!tpu.dma_semaphore, #tpu.memory_space<semaphore_mem>>) src(%arg20 : memref<1024xi32, #tpu.memory_space<vmem>>) dst(%dma_wait3A_453 : memref<1024xi32, #tpu.memory_space<hbm>>)
        %dma_wait3A_454 = arith.constant 0 : i32
        %dma_wait3A_455 = arith.constant 0 : i32
        %dma_wait3A_456 = tpu.memref_slice %arg37[%dma_wait3A_454, %dma_wait3A_455] : memref<512x8xf32, #tpu.memory_space<vmem_shared>> -> memref<512x8xf32, #tpu.memory_space<vmem_shared>>
        tpu.wait_indirect_dma semaphore(%arg40 : memref<!tpu.dma_semaphore, #tpu.memory_space<semaphore_mem>>) src(%arg26 : memref<128x8xf32, #tpu.memory_space<vmem>>) dst(%dma_wait3A_456 : memref<512x8xf32, #tpu.memory_space<vmem_shared>>)
        %dma_wait3A_457 = arith.constant 0 : i32
        %dma_wait3A_458 = tpu.memref_slice %arg5[%dma_wait3A_457] : memref<2560000xi32, #tpu.memory_space<hbm>> -> memref<1024xi32, #tpu.memory_space<hbm>>
        %dma_wait3A_459 = arith.constant 0 : i32
        %dma_wait3A_460 = tpu.memref_slice %arg5[%dma_wait3A_459] : memref<2560000xi32, #tpu.memory_space<hbm>> -> memref<1024xi32, #tpu.memory_space<hbm>>
        tpu.wait_dma2 semaphore(%arg39 : memref<!tpu.dma_semaphore, #tpu.memory_space<semaphore_mem>>) src(%arg20 : memref<1024xi32, #tpu.memory_space<vmem>>) dst(%dma_wait3A_460 : memref<1024xi32, #tpu.memory_space<hbm>>)
        %dma_wait3A_461 = arith.constant 0 : i32
        %dma_wait3A_462 = arith.constant 0 : i32
        %dma_wait3A_463 = tpu.memref_slice %arg37[%dma_wait3A_461, %dma_wait3A_462] : memref<512x8xf32, #tpu.memory_space<vmem_shared>> -> memref<512x8xf32, #tpu.memory_space<vmem_shared>>
        tpu.wait_indirect_dma semaphore(%arg40 : memref<!tpu.dma_semaphore, #tpu.memory_space<semaphore_mem>>) src(%arg26 : memref<128x8xf32, #tpu.memory_space<vmem>>) dst(%dma_wait3A_463 : memref<512x8xf32, #tpu.memory_space<vmem_shared>>)
        %dma_wait3A_464 = arith.constant 0 : i32
        %dma_wait3A_465 = tpu.memref_slice %arg5[%dma_wait3A_464] : memref<2560000xi32, #tpu.memory_space<hbm>> -> memref<1024xi32, #tpu.memory_space<hbm>>
        %dma_wait3A_466 = arith.constant 0 : i32
        %dma_wait3A_467 = tpu.memref_slice %arg5[%dma_wait3A_466] : memref<2560000xi32, #tpu.memory_space<hbm>> -> memref<1024xi32, #tpu.memory_space<hbm>>
        tpu.wait_dma2 semaphore(%arg39 : memref<!tpu.dma_semaphore, #tpu.memory_space<semaphore_mem>>) src(%arg20 : memref<1024xi32, #tpu.memory_space<vmem>>) dst(%dma_wait3A_467 : memref<1024xi32, #tpu.memory_space<hbm>>)
        %dma_wait3A_468 = arith.constant 0 : i32
        %dma_wait3A_469 = arith.constant 0 : i32
        %dma_wait3A_470 = tpu.memref_slice %arg37[%dma_wait3A_468, %dma_wait3A_469] : memref<512x8xf32, #tpu.memory_space<vmem_shared>> -> memref<512x8xf32, #tpu.memory_space<vmem_shared>>
        tpu.wait_indirect_dma semaphore(%arg40 : memref<!tpu.dma_semaphore, #tpu.memory_space<semaphore_mem>>) src(%arg26 : memref<128x8xf32, #tpu.memory_space<vmem>>) dst(%dma_wait3A_470 : memref<512x8xf32, #tpu.memory_space<vmem_shared>>)
      } else {
      }
      %mul3A_203 = arith.constant 6 : i32
      %mul3A_204 = arith.muli %mul3A_203, %scan3A_198 : i32
      %add3A_205 = arith.constant 0 : i32
      %add3A_206 = arith.addi %mul3A_204, %add3A_205 : i32
      %mul3A_207 = arith.constant 128 : i32
      %mul3A_208 = arith.muli %add3A_206, %mul3A_207 : i32
      %add3A_209 = arith.addi %mul3A_2, %mul3A_208 : i32
      %multiple_of3A = tpu.assume_multiple %add3A_209, 8 : i32
      %dma_start3A = tpu.memref_slice %arg2[%multiple_of3A] : memref<320000xi32, #tpu.memory_space<hbm>> -> memref<128xi32, #tpu.memory_space<hbm>>
      %dma_start3A_210 = tpu.memref_slice %arg2[%multiple_of3A] : memref<320000xi32, #tpu.memory_space<hbm>> -> memref<128xi32, #tpu.memory_space<hbm>>
      tpu.enqueue_dma source(%dma_start3A_210 : memref<128xi32, #tpu.memory_space<hbm>>) target(%arg8 : memref<128xi32, #tpu.memory_space<vmem>>) target_semaphore(%arg38 : memref<!tpu.dma_semaphore, #tpu.memory_space<semaphore_mem>>)
      %dma_start3A_211 = tpu.memref_slice %arg3[%multiple_of3A] : memref<320000xi32, #tpu.memory_space<hbm>> -> memref<128xi32, #tpu.memory_space<hbm>>
      %dma_start3A_212 = tpu.memref_slice %arg3[%multiple_of3A] : memref<320000xi32, #tpu.memory_space<hbm>> -> memref<128xi32, #tpu.memory_space<hbm>>
      tpu.enqueue_dma source(%dma_start3A_212 : memref<128xi32, #tpu.memory_space<hbm>>) target(%arg14 : memref<128xi32, #tpu.memory_space<vmem>>) target_semaphore(%arg38 : memref<!tpu.dma_semaphore, #tpu.memory_space<semaphore_mem>>)
      %mul3A_213 = arith.constant 6 : i32
      %mul3A_214 = arith.muli %mul3A_213, %scan3A_198 : i32
      %add3A_215 = arith.constant 1 : i32
      %add3A_216 = arith.addi %mul3A_214, %add3A_215 : i32
      %mul3A_217 = arith.constant 128 : i32
      %mul3A_218 = arith.muli %add3A_216, %mul3A_217 : i32
      %add3A_219 = arith.addi %mul3A_2, %mul3A_218 : i32
      %multiple_of3A_220 = tpu.assume_multiple %add3A_219, 8 : i32
      %dma_start3A_221 = tpu.memref_slice %arg2[%multiple_of3A_220] : memref<320000xi32, #tpu.memory_space<hbm>> -> memref<128xi32, #tpu.memory_space<hbm>>
      %dma_start3A_222 = tpu.memref_slice %arg2[%multiple_of3A_220] : memref<320000xi32, #tpu.memory_space<hbm>> -> memref<128xi32, #tpu.memory_space<hbm>>
      tpu.enqueue_dma source(%dma_start3A_222 : memref<128xi32, #tpu.memory_space<hbm>>) target(%arg9 : memref<128xi32, #tpu.memory_space<vmem>>) target_semaphore(%arg38 : memref<!tpu.dma_semaphore, #tpu.memory_space<semaphore_mem>>)
      %dma_start3A_223 = tpu.memref_slice %arg3[%multiple_of3A_220] : memref<320000xi32, #tpu.memory_space<hbm>> -> memref<128xi32, #tpu.memory_space<hbm>>
      %dma_start3A_224 = tpu.memref_slice %arg3[%multiple_of3A_220] : memref<320000xi32, #tpu.memory_space<hbm>> -> memref<128xi32, #tpu.memory_space<hbm>>
      tpu.enqueue_dma source(%dma_start3A_224 : memref<128xi32, #tpu.memory_space<hbm>>) target(%arg15 : memref<128xi32, #tpu.memory_space<vmem>>) target_semaphore(%arg38 : memref<!tpu.dma_semaphore, #tpu.memory_space<semaphore_mem>>)
      %mul3A_225 = arith.constant 6 : i32
      %mul3A_226 = arith.muli %mul3A_225, %scan3A_198 : i32
      %add3A_227 = arith.constant 2 : i32
      %add3A_228 = arith.addi %mul3A_226, %add3A_227 : i32
      %mul3A_229 = arith.constant 128 : i32
      %mul3A_230 = arith.muli %add3A_228, %mul3A_229 : i32
      %add3A_231 = arith.addi %mul3A_2, %mul3A_230 : i32
      %multiple_of3A_232 = tpu.assume_multiple %add3A_231, 8 : i32
      %dma_start3A_233 = tpu.memref_slice %arg2[%multiple_of3A_232] : memref<320000xi32, #tpu.memory_space<hbm>> -> memref<128xi32, #tpu.memory_space<hbm>>
      %dma_start3A_234 = tpu.memref_slice %arg2[%multiple_of3A_232] : memref<320000xi32, #tpu.memory_space<hbm>> -> memref<128xi32, #tpu.memory_space<hbm>>
      tpu.enqueue_dma source(%dma_start3A_234 : memref<128xi32, #tpu.memory_space<hbm>>) target(%arg10 : memref<128xi32, #tpu.memory_space<vmem>>) target_semaphore(%arg38 : memref<!tpu.dma_semaphore, #tpu.memory_space<semaphore_mem>>)
      %dma_start3A_235 = tpu.memref_slice %arg3[%multiple_of3A_232] : memref<320000xi32, #tpu.memory_space<hbm>> -> memref<128xi32, #tpu.memory_space<hbm>>
      %dma_start3A_236 = tpu.memref_slice %arg3[%multiple_of3A_232] : memref<320000xi32, #tpu.memory_space<hbm>> -> memref<128xi32, #tpu.memory_space<hbm>>
      tpu.enqueue_dma source(%dma_start3A_236 : memref<128xi32, #tpu.memory_space<hbm>>) target(%arg16 : memref<128xi32, #tpu.memory_space<vmem>>) target_semaphore(%arg38 : memref<!tpu.dma_semaphore, #tpu.memory_space<semaphore_mem>>)
      %mul3A_237 = arith.constant 6 : i32
      %mul3A_238 = arith.muli %mul3A_237, %scan3A_198 : i32
      %add3A_239 = arith.constant 3 : i32
      %add3A_240 = arith.addi %mul3A_238, %add3A_239 : i32
      %mul3A_241 = arith.constant 128 : i32
      %mul3A_242 = arith.muli %add3A_240, %mul3A_241 : i32
      %add3A_243 = arith.addi %mul3A_2, %mul3A_242 : i32
      %multiple_of3A_244 = tpu.assume_multiple %add3A_243, 8 : i32
      %dma_start3A_245 = tpu.memref_slice %arg2[%multiple_of3A_244] : memref<320000xi32, #tpu.memory_space<hbm>> -> memref<128xi32, #tpu.memory_space<hbm>>
      %dma_start3A_246 = tpu.memref_slice %arg2[%multiple_of3A_244] : memref<320000xi32, #tpu.memory_space<hbm>> -> memref<128xi32, #tpu.memory_space<hbm>>
      tpu.enqueue_dma source(%dma_start3A_246 : memref<128xi32, #tpu.memory_space<hbm>>) target(%arg11 : memref<128xi32, #tpu.memory_space<vmem>>) target_semaphore(%arg38 : memref<!tpu.dma_semaphore, #tpu.memory_space<semaphore_mem>>)
      %dma_start3A_247 = tpu.memref_slice %arg3[%multiple_of3A_244] : memref<320000xi32, #tpu.memory_space<hbm>> -> memref<128xi32, #tpu.memory_space<hbm>>
      %dma_start3A_248 = tpu.memref_slice %arg3[%multiple_of3A_244] : memref<320000xi32, #tpu.memory_space<hbm>> -> memref<128xi32, #tpu.memory_space<hbm>>
      tpu.enqueue_dma source(%dma_start3A_248 : memref<128xi32, #tpu.memory_space<hbm>>) target(%arg17 : memref<128xi32, #tpu.memory_space<vmem>>) target_semaphore(%arg38 : memref<!tpu.dma_semaphore, #tpu.memory_space<semaphore_mem>>)
      %mul3A_249 = arith.constant 6 : i32
      %mul3A_250 = arith.muli %mul3A_249, %scan3A_198 : i32
      %add3A_251 = arith.constant 4 : i32
      %add3A_252 = arith.addi %mul3A_250, %add3A_251 : i32
      %mul3A_253 = arith.constant 128 : i32
      %mul3A_254 = arith.muli %add3A_252, %mul3A_253 : i32
      %add3A_255 = arith.addi %mul3A_2, %mul3A_254 : i32
      %multiple_of3A_256 = tpu.assume_multiple %add3A_255, 8 : i32
      %dma_start3A_257 = tpu.memref_slice %arg2[%multiple_of3A_256] : memref<320000xi32, #tpu.memory_space<hbm>> -> memref<128xi32, #tpu.memory_space<hbm>>
      %dma_start3A_258 = tpu.memref_slice %arg2[%multiple_of3A_256] : memref<320000xi32, #tpu.memory_space<hbm>> -> memref<128xi32, #tpu.memory_space<hbm>>
      tpu.enqueue_dma source(%dma_start3A_258 : memref<128xi32, #tpu.memory_space<hbm>>) target(%arg12 : memref<128xi32, #tpu.memory_space<vmem>>) target_semaphore(%arg38 : memref<!tpu.dma_semaphore, #tpu.memory_space<semaphore_mem>>)
      %dma_start3A_259 = tpu.memref_slice %arg3[%multiple_of3A_256] : memref<320000xi32, #tpu.memory_space<hbm>> -> memref<128xi32, #tpu.memory_space<hbm>>
      %dma_start3A_260 = tpu.memref_slice %arg3[%multiple_of3A_256] : memref<320000xi32, #tpu.memory_space<hbm>> -> memref<128xi32, #tpu.memory_space<hbm>>
      tpu.enqueue_dma source(%dma_start3A_260 : memref<128xi32, #tpu.memory_space<hbm>>) target(%arg18 : memref<128xi32, #tpu.memory_space<vmem>>) target_semaphore(%arg38 : memref<!tpu.dma_semaphore, #tpu.memory_space<semaphore_mem>>)
      %mul3A_261 = arith.constant 6 : i32
      %mul3A_262 = arith.muli %mul3A_261, %scan3A_198 : i32
      %add3A_263 = arith.constant 5 : i32
      %add3A_264 = arith.addi %mul3A_262, %add3A_263 : i32
      %mul3A_265 = arith.constant 128 : i32
      %mul3A_266 = arith.muli %add3A_264, %mul3A_265 : i32
      %add3A_267 = arith.addi %mul3A_2, %mul3A_266 : i32
      %multiple_of3A_268 = tpu.assume_multiple %add3A_267, 8 : i32
      %dma_start3A_269 = tpu.memref_slice %arg2[%multiple_of3A_268] : memref<320000xi32, #tpu.memory_space<hbm>> -> memref<128xi32, #tpu.memory_space<hbm>>
      %dma_start3A_270 = tpu.memref_slice %arg2[%multiple_of3A_268] : memref<320000xi32, #tpu.memory_space<hbm>> -> memref<128xi32, #tpu.memory_space<hbm>>
      tpu.enqueue_dma source(%dma_start3A_270 : memref<128xi32, #tpu.memory_space<hbm>>) target(%arg13 : memref<128xi32, #tpu.memory_space<vmem>>) target_semaphore(%arg38 : memref<!tpu.dma_semaphore, #tpu.memory_space<semaphore_mem>>)
      %dma_start3A_271 = tpu.memref_slice %arg3[%multiple_of3A_268] : memref<320000xi32, #tpu.memory_space<hbm>> -> memref<128xi32, #tpu.memory_space<hbm>>
      %dma_start3A_272 = tpu.memref_slice %arg3[%multiple_of3A_268] : memref<320000xi32, #tpu.memory_space<hbm>> -> memref<128xi32, #tpu.memory_space<hbm>>
      tpu.enqueue_dma source(%dma_start3A_272 : memref<128xi32, #tpu.memory_space<hbm>>) target(%arg19 : memref<128xi32, #tpu.memory_space<vmem>>) target_semaphore(%arg38 : memref<!tpu.dma_semaphore, #tpu.memory_space<semaphore_mem>>)
      %dma_wait3A_273 = tpu.memref_slice %arg2[%multiple_of3A] : memref<320000xi32, #tpu.memory_space<hbm>> -> memref<128xi32, #tpu.memory_space<hbm>>
      %dma_wait3A_274 = tpu.memref_slice %arg2[%multiple_of3A] : memref<320000xi32, #tpu.memory_space<hbm>> -> memref<128xi32, #tpu.memory_space<hbm>>
      tpu.wait_dma2 semaphore(%arg38 : memref<!tpu.dma_semaphore, #tpu.memory_space<semaphore_mem>>) src(%dma_wait3A_274 : memref<128xi32, #tpu.memory_space<hbm>>) dst(%arg8 : memref<128xi32, #tpu.memory_space<vmem>>)
      %dma_wait3A_275 = tpu.memref_slice %arg3[%multiple_of3A] : memref<320000xi32, #tpu.memory_space<hbm>> -> memref<128xi32, #tpu.memory_space<hbm>>
      %dma_wait3A_276 = tpu.memref_slice %arg3[%multiple_of3A] : memref<320000xi32, #tpu.memory_space<hbm>> -> memref<128xi32, #tpu.memory_space<hbm>>
      tpu.wait_dma2 semaphore(%arg38 : memref<!tpu.dma_semaphore, #tpu.memory_space<semaphore_mem>>) src(%dma_wait3A_276 : memref<128xi32, #tpu.memory_space<hbm>>) dst(%arg14 : memref<128xi32, #tpu.memory_space<vmem>>)
      %dma_wait3A_277 = tpu.memref_slice %arg2[%multiple_of3A_220] : memref<320000xi32, #tpu.memory_space<hbm>> -> memref<128xi32, #tpu.memory_space<hbm>>
      %dma_wait3A_278 = tpu.memref_slice %arg2[%multiple_of3A_220] : memref<320000xi32, #tpu.memory_space<hbm>> -> memref<128xi32, #tpu.memory_space<hbm>>
      tpu.wait_dma2 semaphore(%arg38 : memref<!tpu.dma_semaphore, #tpu.memory_space<semaphore_mem>>) src(%dma_wait3A_278 : memref<128xi32, #tpu.memory_space<hbm>>) dst(%arg9 : memref<128xi32, #tpu.memory_space<vmem>>)
      %dma_wait3A_279 = tpu.memref_slice %arg3[%multiple_of3A_220] : memref<320000xi32, #tpu.memory_space<hbm>> -> memref<128xi32, #tpu.memory_space<hbm>>
      %dma_wait3A_280 = tpu.memref_slice %arg3[%multiple_of3A_220] : memref<320000xi32, #tpu.memory_space<hbm>> -> memref<128xi32, #tpu.memory_space<hbm>>
      tpu.wait_dma2 semaphore(%arg38 : memref<!tpu.dma_semaphore, #tpu.memory_space<semaphore_mem>>) src(%dma_wait3A_280 : memref<128xi32, #tpu.memory_space<hbm>>) dst(%arg15 : memref<128xi32, #tpu.memory_space<vmem>>)
      %dma_wait3A_281 = tpu.memref_slice %arg2[%multiple_of3A_232] : memref<320000xi32, #tpu.memory_space<hbm>> -> memref<128xi32, #tpu.memory_space<hbm>>
      %dma_wait3A_282 = tpu.memref_slice %arg2[%multiple_of3A_232] : memref<320000xi32, #tpu.memory_space<hbm>> -> memref<128xi32, #tpu.memory_space<hbm>>
      tpu.wait_dma2 semaphore(%arg38 : memref<!tpu.dma_semaphore, #tpu.memory_space<semaphore_mem>>) src(%dma_wait3A_282 : memref<128xi32, #tpu.memory_space<hbm>>) dst(%arg10 : memref<128xi32, #tpu.memory_space<vmem>>)
      %dma_wait3A_283 = tpu.memref_slice %arg3[%multiple_of3A_232] : memref<320000xi32, #tpu.memory_space<hbm>> -> memref<128xi32, #tpu.memory_space<hbm>>
      %dma_wait3A_284 = tpu.memref_slice %arg3[%multiple_of3A_232] : memref<320000xi32, #tpu.memory_space<hbm>> -> memref<128xi32, #tpu.memory_space<hbm>>
      tpu.wait_dma2 semaphore(%arg38 : memref<!tpu.dma_semaphore, #tpu.memory_space<semaphore_mem>>) src(%dma_wait3A_284 : memref<128xi32, #tpu.memory_space<hbm>>) dst(%arg16 : memref<128xi32, #tpu.memory_space<vmem>>)
      %dma_wait3A_285 = tpu.memref_slice %arg2[%multiple_of3A_244] : memref<320000xi32, #tpu.memory_space<hbm>> -> memref<128xi32, #tpu.memory_space<hbm>>
      %dma_wait3A_286 = tpu.memref_slice %arg2[%multiple_of3A_244] : memref<320000xi32, #tpu.memory_space<hbm>> -> memref<128xi32, #tpu.memory_space<hbm>>
      tpu.wait_dma2 semaphore(%arg38 : memref<!tpu.dma_semaphore, #tpu.memory_space<semaphore_mem>>) src(%dma_wait3A_286 : memref<128xi32, #tpu.memory_space<hbm>>) dst(%arg11 : memref<128xi32, #tpu.memory_space<vmem>>)
      %dma_wait3A_287 = tpu.memref_slice %arg3[%multiple_of3A_244] : memref<320000xi32, #tpu.memory_space<hbm>> -> memref<128xi32, #tpu.memory_space<hbm>>
      %dma_wait3A_288 = tpu.memref_slice %arg3[%multiple_of3A_244] : memref<320000xi32, #tpu.memory_space<hbm>> -> memref<128xi32, #tpu.memory_space<hbm>>
      tpu.wait_dma2 semaphore(%arg38 : memref<!tpu.dma_semaphore, #tpu.memory_space<semaphore_mem>>) src(%dma_wait3A_288 : memref<128xi32, #tpu.memory_space<hbm>>) dst(%arg17 : memref<128xi32, #tpu.memory_space<vmem>>)
      %dma_wait3A_289 = tpu.memref_slice %arg2[%multiple_of3A_256] : memref<320000xi32, #tpu.memory_space<hbm>> -> memref<128xi32, #tpu.memory_space<hbm>>
      %dma_wait3A_290 = tpu.memref_slice %arg2[%multiple_of3A_256] : memref<320000xi32, #tpu.memory_space<hbm>> -> memref<128xi32, #tpu.memory_space<hbm>>
      tpu.wait_dma2 semaphore(%arg38 : memref<!tpu.dma_semaphore, #tpu.memory_space<semaphore_mem>>) src(%dma_wait3A_290 : memref<128xi32, #tpu.memory_space<hbm>>) dst(%arg12 : memref<128xi32, #tpu.memory_space<vmem>>)
      %dma_wait3A_291 = tpu.memref_slice %arg3[%multiple_of3A_256] : memref<320000xi32, #tpu.memory_space<hbm>> -> memref<128xi32, #tpu.memory_space<hbm>>
      %dma_wait3A_292 = tpu.memref_slice %arg3[%multiple_of3A_256] : memref<320000xi32, #tpu.memory_space<hbm>> -> memref<128xi32, #tpu.memory_space<hbm>>
      tpu.wait_dma2 semaphore(%arg38 : memref<!tpu.dma_semaphore, #tpu.memory_space<semaphore_mem>>) src(%dma_wait3A_292 : memref<128xi32, #tpu.memory_space<hbm>>) dst(%arg18 : memref<128xi32, #tpu.memory_space<vmem>>)
      %dma_wait3A_293 = tpu.memref_slice %arg2[%multiple_of3A_268] : memref<320000xi32, #tpu.memory_space<hbm>> -> memref<128xi32, #tpu.memory_space<hbm>>
      %dma_wait3A_294 = tpu.memref_slice %arg2[%multiple_of3A_268] : memref<320000xi32, #tpu.memory_space<hbm>> -> memref<128xi32, #tpu.memory_space<hbm>>
      tpu.wait_dma2 semaphore(%arg38 : memref<!tpu.dma_semaphore, #tpu.memory_space<semaphore_mem>>) src(%dma_wait3A_294 : memref<128xi32, #tpu.memory_space<hbm>>) dst(%arg13 : memref<128xi32, #tpu.memory_space<vmem>>)
      %dma_wait3A_295 = tpu.memref_slice %arg3[%multiple_of3A_268] : memref<320000xi32, #tpu.memory_space<hbm>> -> memref<128xi32, #tpu.memory_space<hbm>>
      %dma_wait3A_296 = tpu.memref_slice %arg3[%multiple_of3A_268] : memref<320000xi32, #tpu.memory_space<hbm>> -> memref<128xi32, #tpu.memory_space<hbm>>
      tpu.wait_dma2 semaphore(%arg38 : memref<!tpu.dma_semaphore, #tpu.memory_space<semaphore_mem>>) src(%dma_wait3A_296 : memref<128xi32, #tpu.memory_space<hbm>>) dst(%arg19 : memref<128xi32, #tpu.memory_space<vmem>>)
      %scan3A_297 = arith.constant 0 : i32
      %scan3A_298 = arith.constant 0 : i32
      %scan3A_299 = arith.constant 8 : i32
      %scan3A_300 = arith.addi %scan3A_298, %scan3A_299 : i32
      %scan3A_301 = arith.constant 1 : i32
      scf.for %scan3A_429 = %scan3A_298 to %scan3A_300 step %scan3A_301  : i32 {
        %mul3A_430 = arith.constant 16 : i32
        %mul3A_431 = arith.muli %scan3A_429, %mul3A_430 : i32
        %get3A_432 = arith.index_cast %mul3A_431 : i32 to index
        %get3A_433 = tpu.vector_load %arg8[%get3A_432] {strides = array<i32>} : memref<128xi32, #tpu.memory_space<vmem>>, vector<16xi32>,
        %mul3A_434 = arith.constant 16 : i32
        %mul3A_435 = vector.broadcast %mul3A_434 : i32 to vector<16xi32>
        %mul3A_436 = arith.muli %get3A_433, %mul3A_435 : vector<16xi32>
        %add3A_437 = arith.constant 0 : i32
        %add3A_438 = vector.broadcast %add3A_437 : i32 to vector<16xi32>
        %add3A_439 = arith.addi %mul3A_436, %add3A_438 : vector<16xi32>
        %gather3A_440 = tpu.vector_load_idx %arg7[%add3A_439] : memref<256xf32, #tpu.memory_space<vmem>>[vector<16xi32>], vector<16xf32>,
        %add3A_441 = arith.constant 8 : i32
        %add3A_442 = vector.broadcast %add3A_441 : i32 to vector<16xi32>
        %add3A_443 = arith.addi %mul3A_436, %add3A_442 : vector<16xi32>
        %gather3A_444 = tpu.vector_load_idx %arg7[%add3A_443] : memref<256xf32, #tpu.memory_space<vmem>>[vector<16xi32>], vector<16xf32>,
        %mul3A_445 = arith.constant 16 : i32
        %mul3A_446 = arith.muli %scan3A_429, %mul3A_445 : i32
        %add3A_447 = vector.broadcast %mul3A_446 : i32 to vector<16xi32>
        %add3A_448 = arith.addi %iota3A, %add3A_447 : vector<16xi32>
        %broadcast_in_dim3A_449 = arith.constant 0 : i32
        %broadcast_in_dim3A_450 = vector.broadcast %broadcast_in_dim3A_449 : i32 to vector<16xi32>
        tpu.vector_store_idx %arg26[%add3A_448, %broadcast_in_dim3A_450], %gather3A_440 : memref<128x8xf32, #tpu.memory_space<vmem>>[vector<16xi32>, vector<16xi32>], vector<16xf32>,
        %mul3A_451 = arith.constant 8 : i32
        %mul3A_452 = vector.broadcast %mul3A_451 : i32 to vector<16xi32>
        %mul3A_453 = arith.muli %iota3A, %mul3A_452 : vector<16xi32>
        %mul3A_454 = arith.constant 16 : i32
        %mul3A_455 = arith.muli %scan3A_429, %mul3A_454 : i32
        %mul3A_456 = arith.constant 8 : i32
        %mul3A_457 = arith.muli %mul3A_455, %mul3A_456 : i32
        %add3A_458 = arith.constant 0 : i32
        %add3A_459 = arith.addi %mul3A_457, %add3A_458 : i32
        %add3A_460 = vector.broadcast %add3A_459 : i32 to vector<16xi32>
        %add3A_461 = arith.addi %mul3A_453, %add3A_460 : vector<16xi32>
        %bitcast3A_462 = vector.bitcast %gather3A_444 : vector<16xf32> to vector<16xi32>
        tpu.vector_store_idx %arg20[%add3A_461], %bitcast3A_462 : memref<1024xi32, #tpu.memory_space<vmem>>[vector<16xi32>], vector<16xi32>,
        %add3A_463 = arith.constant 1 : i32
        %add3A_464 = vector.broadcast %add3A_463 : i32 to vector<16xi32>
        %add3A_465 = arith.addi %mul3A_436, %add3A_464 : vector<16xi32>
        %gather3A_466 = tpu.vector_load_idx %arg7[%add3A_465] : memref<256xf32, #tpu.memory_space<vmem>>[vector<16xi32>], vector<16xf32>,
        %add3A_467 = arith.constant 9 : i32
        %add3A_468 = vector.broadcast %add3A_467 : i32 to vector<16xi32>
        %add3A_469 = arith.addi %mul3A_436, %add3A_468 : vector<16xi32>
        %gather3A_470 = tpu.vector_load_idx %arg7[%add3A_469] : memref<256xf32, #tpu.memory_space<vmem>>[vector<16xi32>], vector<16xf32>,
        %mul3A_471 = arith.constant 16 : i32
        %mul3A_472 = arith.muli %scan3A_429, %mul3A_471 : i32
        %add3A_473 = vector.broadcast %mul3A_472 : i32 to vector<16xi32>
        %add3A_474 = arith.addi %iota3A, %add3A_473 : vector<16xi32>
        %broadcast_in_dim3A_475 = arith.constant 1 : i32
        %broadcast_in_dim3A_476 = vector.broadcast %broadcast_in_dim3A_475 : i32 to vector<16xi32>
        tpu.vector_store_idx %arg26[%add3A_474, %broadcast_in_dim3A_476], %gather3A_466 : memref<128x8xf32, #tpu.memory_space<vmem>>[vector<16xi32>, vector<16xi32>], vector<16xf32>,
        %mul3A_477 = arith.constant 8 : i32
        %mul3A_478 = vector.broadcast %mul3A_477 : i32 to vector<16xi32>
        %mul3A_479 = arith.muli %iota3A, %mul3A_478 : vector<16xi32>
        %mul3A_480 = arith.constant 16 : i32
        %mul3A_481 = arith.muli %scan3A_429, %mul3A_480 : i32
        %mul3A_482 = arith.constant 8 : i32
        %mul3A_483 = arith.muli %mul3A_481, %mul3A_482 : i32
        %add3A_484 = arith.constant 1 : i32
        %add3A_485 = arith.addi %mul3A_483, %add3A_484 : i32
        %add3A_486 = vector.broadcast %add3A_485 : i32 to vector<16xi32>
        %add3A_487 = arith.addi %mul3A_479, %add3A_486 : vector<16xi32>
        %bitcast3A_488 = vector.bitcast %gather3A_470 : vector<16xf32> to vector<16xi32>
        tpu.vector_store_idx %arg20[%add3A_487], %bitcast3A_488 : memref<1024xi32, #tpu.memory_space<vmem>>[vector<16xi32>], vector<16xi32>,
        %add3A_489 = arith.constant 2 : i32
        %add3A_490 = vector.broadcast %add3A_489 : i32 to vector<16xi32>
        %add3A_491 = arith.addi %mul3A_436, %add3A_490 : vector<16xi32>
        %gather3A_492 = tpu.vector_load_idx %arg7[%add3A_491] : memref<256xf32, #tpu.memory_space<vmem>>[vector<16xi32>], vector<16xf32>,
        %add3A_493 = arith.constant 10 : i32
        %add3A_494 = vector.broadcast %add3A_493 : i32 to vector<16xi32>
        %add3A_495 = arith.addi %mul3A_436, %add3A_494 : vector<16xi32>
        %gather3A_496 = tpu.vector_load_idx %arg7[%add3A_495] : memref<256xf32, #tpu.memory_space<vmem>>[vector<16xi32>], vector<16xf32>,
        %mul3A_497 = arith.constant 16 : i32
        %mul3A_498 = arith.muli %scan3A_429, %mul3A_497 : i32
        %add3A_499 = vector.broadcast %mul3A_498 : i32 to vector<16xi32>
        %add3A_500 = arith.addi %iota3A, %add3A_499 : vector<16xi32>
        %broadcast_in_dim3A_501 = arith.constant 2 : i32
        %broadcast_in_dim3A_502 = vector.broadcast %broadcast_in_dim3A_501 : i32 to vector<16xi32>
        tpu.vector_store_idx %arg26[%add3A_500, %broadcast_in_dim3A_502], %gather3A_492 : memref<128x8xf32, #tpu.memory_space<vmem>>[vector<16xi32>, vector<16xi32>], vector<16xf32>,
        %mul3A_503 = arith.constant 8 : i32
        %mul3A_504 = vector.broadcast %mul3A_503 : i32 to vector<16xi32>
        %mul3A_505 = arith.muli %iota3A, %mul3A_504 : vector<16xi32>
        %mul3A_506 = arith.constant 16 : i32
        %mul3A_507 = arith.muli %scan3A_429, %mul3A_506 : i32
        %mul3A_508 = arith.constant 8 : i32
        %mul3A_509 = arith.muli %mul3A_507, %mul3A_508 : i32
        %add3A_510 = arith.constant 2 : i32
        %add3A_511 = arith.addi %mul3A_509, %add3A_510 : i32
        %add3A_512 = vector.broadcast %add3A_511 : i32 to vector<16xi32>
        %add3A_513 = arith.addi %mul3A_505, %add3A_512 : vector<16xi32>
        %bitcast3A_514 = vector.bitcast %gather3A_496 : vector<16xf32> to vector<16xi32>
        tpu.vector_store_idx %arg20[%add3A_513], %bitcast3A_514 : memref<1024xi32, #tpu.memory_space<vmem>>[vector<16xi32>], vector<16xi32>,
        %add3A_515 = arith.constant 3 : i32
        %add3A_516 = vector.broadcast %add3A_515 : i32 to vector<16xi32>
        %add3A_517 = arith.addi %mul3A_436, %add3A_516 : vector<16xi32>
        %gather3A_518 = tpu.vector_load_idx %arg7[%add3A_517] : memref<256xf32, #tpu.memory_space<vmem>>[vector<16xi32>], vector<16xf32>,
        %add3A_519 = arith.constant 11 : i32
        %add3A_520 = vector.broadcast %add3A_519 : i32 to vector<16xi32>
        %add3A_521 = arith.addi %mul3A_436, %add3A_520 : vector<16xi32>
        %gather3A_522 = tpu.vector_load_idx %arg7[%add3A_521] : memref<256xf32, #tpu.memory_space<vmem>>[vector<16xi32>], vector<16xf32>,
        %mul3A_523 = arith.constant 16 : i32
        %mul3A_524 = arith.muli %scan3A_429, %mul3A_523 : i32
        %add3A_525 = vector.broadcast %mul3A_524 : i32 to vector<16xi32>
        %add3A_526 = arith.addi %iota3A, %add3A_525 : vector<16xi32>
        %broadcast_in_dim3A_527 = arith.constant 3 : i32
        %broadcast_in_dim3A_528 = vector.broadcast %broadcast_in_dim3A_527 : i32 to vector<16xi32>
        tpu.vector_store_idx %arg26[%add3A_526, %broadcast_in_dim3A_528], %gather3A_518 : memref<128x8xf32, #tpu.memory_space<vmem>>[vector<16xi32>, vector<16xi32>], vector<16xf32>,
        %mul3A_529 = arith.constant 8 : i32
        %mul3A_530 = vector.broadcast %mul3A_529 : i32 to vector<16xi32>
        %mul3A_531 = arith.muli %iota3A, %mul3A_530 : vector<16xi32>
        %mul3A_532 = arith.constant 16 : i32
        %mul3A_533 = arith.muli %scan3A_429, %mul3A_532 : i32
        %mul3A_534 = arith.constant 8 : i32
        %mul3A_535 = arith.muli %mul3A_533, %mul3A_534 : i32
        %add3A_536 = arith.constant 3 : i32
        %add3A_537 = arith.addi %mul3A_535, %add3A_536 : i32
        %add3A_538 = vector.broadcast %add3A_537 : i32 to vector<16xi32>
        %add3A_539 = arith.addi %mul3A_531, %add3A_538 : vector<16xi32>
        %bitcast3A_540 = vector.bitcast %gather3A_522 : vector<16xf32> to vector<16xi32>
        tpu.vector_store_idx %arg20[%add3A_539], %bitcast3A_540 : memref<1024xi32, #tpu.memory_space<vmem>>[vector<16xi32>], vector<16xi32>,
        %add3A_541 = arith.constant 4 : i32
        %add3A_542 = vector.broadcast %add3A_541 : i32 to vector<16xi32>
        %add3A_543 = arith.addi %mul3A_436, %add3A_542 : vector<16xi32>
        %gather3A_544 = tpu.vector_load_idx %arg7[%add3A_543] : memref<256xf32, #tpu.memory_space<vmem>>[vector<16xi32>], vector<16xf32>,
        %add3A_545 = arith.constant 12 : i32
        %add3A_546 = vector.broadcast %add3A_545 : i32 to vector<16xi32>
        %add3A_547 = arith.addi %mul3A_436, %add3A_546 : vector<16xi32>
        %gather3A_548 = tpu.vector_load_idx %arg7[%add3A_547] : memref<256xf32, #tpu.memory_space<vmem>>[vector<16xi32>], vector<16xf32>,
        %mul3A_549 = arith.constant 16 : i32
        %mul3A_550 = arith.muli %scan3A_429, %mul3A_549 : i32
        %add3A_551 = vector.broadcast %mul3A_550 : i32 to vector<16xi32>
        %add3A_552 = arith.addi %iota3A, %add3A_551 : vector<16xi32>
        %broadcast_in_dim3A_553 = arith.constant 4 : i32
        %broadcast_in_dim3A_554 = vector.broadcast %broadcast_in_dim3A_553 : i32 to vector<16xi32>
        tpu.vector_store_idx %arg26[%add3A_552, %broadcast_in_dim3A_554], %gather3A_544 : memref<128x8xf32, #tpu.memory_space<vmem>>[vector<16xi32>, vector<16xi32>], vector<16xf32>,
        %mul3A_555 = arith.constant 8 : i32
        %mul3A_556 = vector.broadcast %mul3A_555 : i32 to vector<16xi32>
        %mul3A_557 = arith.muli %iota3A, %mul3A_556 : vector<16xi32>
        %mul3A_558 = arith.constant 16 : i32
        %mul3A_559 = arith.muli %scan3A_429, %mul3A_558 : i32
        %mul3A_560 = arith.constant 8 : i32
        %mul3A_561 = arith.muli %mul3A_559, %mul3A_560 : i32
        %add3A_562 = arith.constant 4 : i32
        %add3A_563 = arith.addi %mul3A_561, %add3A_562 : i32
        %add3A_564 = vector.broadcast %add3A_563 : i32 to vector<16xi32>
        %add3A_565 = arith.addi %mul3A_557, %add3A_564 : vector<16xi32>
        %bitcast3A_566 = vector.bitcast %gather3A_548 : vector<16xf32> to vector<16xi32>
        tpu.vector_store_idx %arg20[%add3A_565], %bitcast3A_566 : memref<1024xi32, #tpu.memory_space<vmem>>[vector<16xi32>], vector<16xi32>,
        %add3A_567 = arith.constant 5 : i32
        %add3A_568 = vector.broadcast %add3A_567 : i32 to vector<16xi32>
        %add3A_569 = arith.addi %mul3A_436, %add3A_568 : vector<16xi32>
        %gather3A_570 = tpu.vector_load_idx %arg7[%add3A_569] : memref<256xf32, #tpu.memory_space<vmem>>[vector<16xi32>], vector<16xf32>,
        %add3A_571 = arith.constant 13 : i32
        %add3A_572 = vector.broadcast %add3A_571 : i32 to vector<16xi32>
        %add3A_573 = arith.addi %mul3A_436, %add3A_572 : vector<16xi32>
        %gather3A_574 = tpu.vector_load_idx %arg7[%add3A_573] : memref<256xf32, #tpu.memory_space<vmem>>[vector<16xi32>], vector<16xf32>,
        %mul3A_575 = arith.constant 16 : i32
        %mul3A_576 = arith.muli %scan3A_429, %mul3A_575 : i32
        %add3A_577 = vector.broadcast %mul3A_576 : i32 to vector<16xi32>
        %add3A_578 = arith.addi %iota3A, %add3A_577 : vector<16xi32>
        %broadcast_in_dim3A_579 = arith.constant 5 : i32
        %broadcast_in_dim3A_580 = vector.broadcast %broadcast_in_dim3A_579 : i32 to vector<16xi32>
        tpu.vector_store_idx %arg26[%add3A_578, %broadcast_in_dim3A_580], %gather3A_570 : memref<128x8xf32, #tpu.memory_space<vmem>>[vector<16xi32>, vector<16xi32>], vector<16xf32>,
        %mul3A_581 = arith.constant 8 : i32
        %mul3A_582 = vector.broadcast %mul3A_581 : i32 to vector<16xi32>
        %mul3A_583 = arith.muli %iota3A, %mul3A_582 : vector<16xi32>
        %mul3A_584 = arith.constant 16 : i32
        %mul3A_585 = arith.muli %scan3A_429, %mul3A_584 : i32
        %mul3A_586 = arith.constant 8 : i32
        %mul3A_587 = arith.muli %mul3A_585, %mul3A_586 : i32
        %add3A_588 = arith.constant 5 : i32
        %add3A_589 = arith.addi %mul3A_587, %add3A_588 : i32
        %add3A_590 = vector.broadcast %add3A_589 : i32 to vector<16xi32>
        %add3A_591 = arith.addi %mul3A_583, %add3A_590 : vector<16xi32>
        %bitcast3A_592 = vector.bitcast %gather3A_574 : vector<16xf32> to vector<16xi32>
        tpu.vector_store_idx %arg20[%add3A_591], %bitcast3A_592 : memref<1024xi32, #tpu.memory_space<vmem>>[vector<16xi32>], vector<16xi32>,
        %add3A_593 = arith.constant 6 : i32
        %add3A_594 = vector.broadcast %add3A_593 : i32 to vector<16xi32>
        %add3A_595 = arith.addi %mul3A_436, %add3A_594 : vector<16xi32>
        %gather3A_596 = tpu.vector_load_idx %arg7[%add3A_595] : memref<256xf32, #tpu.memory_space<vmem>>[vector<16xi32>], vector<16xf32>,
        %add3A_597 = arith.constant 14 : i32
        %add3A_598 = vector.broadcast %add3A_597 : i32 to vector<16xi32>
        %add3A_599 = arith.addi %mul3A_436, %add3A_598 : vector<16xi32>
        %gather3A_600 = tpu.vector_load_idx %arg7[%add3A_599] : memref<256xf32, #tpu.memory_space<vmem>>[vector<16xi32>], vector<16xf32>,
        %mul3A_601 = arith.constant 16 : i32
        %mul3A_602 = arith.muli %scan3A_429, %mul3A_601 : i32
        %add3A_603 = vector.broadcast %mul3A_602 : i32 to vector<16xi32>
        %add3A_604 = arith.addi %iota3A, %add3A_603 : vector<16xi32>
        %broadcast_in_dim3A_605 = arith.constant 6 : i32
        %broadcast_in_dim3A_606 = vector.broadcast %broadcast_in_dim3A_605 : i32 to vector<16xi32>
        tpu.vector_store_idx %arg26[%add3A_604, %broadcast_in_dim3A_606], %gather3A_596 : memref<128x8xf32, #tpu.memory_space<vmem>>[vector<16xi32>, vector<16xi32>], vector<16xf32>,
        %mul3A_607 = arith.constant 8 : i32
        %mul3A_608 = vector.broadcast %mul3A_607 : i32 to vector<16xi32>
        %mul3A_609 = arith.muli %iota3A, %mul3A_608 : vector<16xi32>
        %mul3A_610 = arith.constant 16 : i32
        %mul3A_611 = arith.muli %scan3A_429, %mul3A_610 : i32
        %mul3A_612 = arith.constant 8 : i32
        %mul3A_613 = arith.muli %mul3A_611, %mul3A_612 : i32
        %add3A_614 = arith.constant 6 : i32
        %add3A_615 = arith.addi %mul3A_613, %add3A_614 : i32
        %add3A_616 = vector.broadcast %add3A_615 : i32 to vector<16xi32>
        %add3A_617 = arith.addi %mul3A_609, %add3A_616 : vector<16xi32>
        %bitcast3A_618 = vector.bitcast %gather3A_600 : vector<16xf32> to vector<16xi32>
        tpu.vector_store_idx %arg20[%add3A_617], %bitcast3A_618 : memref<1024xi32, #tpu.memory_space<vmem>>[vector<16xi32>], vector<16xi32>,
        %add3A_619 = arith.constant 7 : i32
        %add3A_620 = vector.broadcast %add3A_619 : i32 to vector<16xi32>
        %add3A_621 = arith.addi %mul3A_436, %add3A_620 : vector<16xi32>
        %gather3A_622 = tpu.vector_load_idx %arg7[%add3A_621] : memref<256xf32, #tpu.memory_space<vmem>>[vector<16xi32>], vector<16xf32>,
        %add3A_623 = arith.constant 15 : i32
        %add3A_624 = vector.broadcast %add3A_623 : i32 to vector<16xi32>
        %add3A_625 = arith.addi %mul3A_436, %add3A_624 : vector<16xi32>
        %gather3A_626 = tpu.vector_load_idx %arg7[%add3A_625] : memref<256xf32, #tpu.memory_space<vmem>>[vector<16xi32>], vector<16xf32>,
        %mul3A_627 = arith.constant 16 : i32
        %mul3A_628 = arith.muli %scan3A_429, %mul3A_627 : i32
        %add3A_629 = vector.broadcast %mul3A_628 : i32 to vector<16xi32>
        %add3A_630 = arith.addi %iota3A, %add3A_629 : vector<16xi32>
        %broadcast_in_dim3A_631 = arith.constant 7 : i32
        %broadcast_in_dim3A_632 = vector.broadcast %broadcast_in_dim3A_631 : i32 to vector<16xi32>
        tpu.vector_store_idx %arg26[%add3A_630, %broadcast_in_dim3A_632], %gather3A_622 : memref<128x8xf32, #tpu.memory_space<vmem>>[vector<16xi32>, vector<16xi32>], vector<16xf32>,
        %mul3A_633 = arith.constant 8 : i32
        %mul3A_634 = vector.broadcast %mul3A_633 : i32 to vector<16xi32>
        %mul3A_635 = arith.muli %iota3A, %mul3A_634 : vector<16xi32>
        %mul3A_636 = arith.constant 16 : i32
        %mul3A_637 = arith.muli %scan3A_429, %mul3A_636 : i32
        %mul3A_638 = arith.constant 8 : i32
        %mul3A_639 = arith.muli %mul3A_637, %mul3A_638 : i32
        %add3A_640 = arith.constant 7 : i32
        %add3A_641 = arith.addi %mul3A_639, %add3A_640 : i32
        %add3A_642 = vector.broadcast %add3A_641 : i32 to vector<16xi32>
        %add3A_643 = arith.addi %mul3A_635, %add3A_642 : vector<16xi32>
        %bitcast3A_644 = vector.bitcast %gather3A_626 : vector<16xf32> to vector<16xi32>
        tpu.vector_store_idx %arg20[%add3A_643], %bitcast3A_644 : memref<1024xi32, #tpu.memory_space<vmem>>[vector<16xi32>], vector<16xi32>,
      }
      %scan3A_302 = arith.constant 8 : i32
      %scan3A_303 = arith.constant 0 : i32
      %scan3A_304 = arith.constant 0 : i32
      %scan3A_305 = arith.constant 8 : i32
      %scan3A_306 = arith.addi %scan3A_304, %scan3A_305 : i32
      %scan3A_307 = arith.constant 1 : i32
      scf.for %scan3A_429 = %scan3A_304 to %scan3A_306 step %scan3A_307  : i32 {
        %mul3A_430 = arith.constant 16 : i32
        %mul3A_431 = arith.muli %scan3A_429, %mul3A_430 : i32
        %get3A_432 = arith.index_cast %mul3A_431 : i32 to index
        %get3A_433 = tpu.vector_load %arg9[%get3A_432] {strides = array<i32>} : memref<128xi32, #tpu.memory_space<vmem>>, vector<16xi32>,
        %mul3A_434 = arith.constant 16 : i32
        %mul3A_435 = vector.broadcast %mul3A_434 : i32 to vector<16xi32>
        %mul3A_436 = arith.muli %get3A_433, %mul3A_435 : vector<16xi32>
        %add3A_437 = arith.constant 0 : i32
        %add3A_438 = vector.broadcast %add3A_437 : i32 to vector<16xi32>
        %add3A_439 = arith.addi %mul3A_436, %add3A_438 : vector<16xi32>
        %gather3A_440 = tpu.vector_load_idx %arg7[%add3A_439] : memref<256xf32, #tpu.memory_space<vmem>>[vector<16xi32>], vector<16xf32>,
        %add3A_441 = arith.constant 8 : i32
        %add3A_442 = vector.broadcast %add3A_441 : i32 to vector<16xi32>
        %add3A_443 = arith.addi %mul3A_436, %add3A_442 : vector<16xi32>
        %gather3A_444 = tpu.vector_load_idx %arg7[%add3A_443] : memref<256xf32, #tpu.memory_space<vmem>>[vector<16xi32>], vector<16xf32>,
        %mul3A_445 = arith.constant 16 : i32
        %mul3A_446 = arith.muli %scan3A_429, %mul3A_445 : i32
        %add3A_447 = vector.broadcast %mul3A_446 : i32 to vector<16xi32>
        %add3A_448 = arith.addi %iota3A, %add3A_447 : vector<16xi32>
        %broadcast_in_dim3A_449 = arith.constant 0 : i32
        %broadcast_in_dim3A_450 = vector.broadcast %broadcast_in_dim3A_449 : i32 to vector<16xi32>
        tpu.vector_store_idx %arg27[%add3A_448, %broadcast_in_dim3A_450], %gather3A_440 : memref<128x8xf32, #tpu.memory_space<vmem>>[vector<16xi32>, vector<16xi32>], vector<16xf32>,
        %mul3A_451 = arith.constant 8 : i32
        %mul3A_452 = vector.broadcast %mul3A_451 : i32 to vector<16xi32>
        %mul3A_453 = arith.muli %iota3A, %mul3A_452 : vector<16xi32>
        %mul3A_454 = arith.constant 16 : i32
        %mul3A_455 = arith.muli %scan3A_429, %mul3A_454 : i32
        %mul3A_456 = arith.constant 8 : i32
        %mul3A_457 = arith.muli %mul3A_455, %mul3A_456 : i32
        %add3A_458 = arith.constant 0 : i32
        %add3A_459 = arith.addi %mul3A_457, %add3A_458 : i32
        %add3A_460 = vector.broadcast %add3A_459 : i32 to vector<16xi32>
        %add3A_461 = arith.addi %mul3A_453, %add3A_460 : vector<16xi32>
        %bitcast3A_462 = vector.bitcast %gather3A_444 : vector<16xf32> to vector<16xi32>
        tpu.vector_store_idx %arg21[%add3A_461], %bitcast3A_462 : memref<1024xi32, #tpu.memory_space<vmem>>[vector<16xi32>], vector<16xi32>,
        %add3A_463 = arith.constant 1 : i32
        %add3A_464 = vector.broadcast %add3A_463 : i32 to vector<16xi32>
        %add3A_465 = arith.addi %mul3A_436, %add3A_464 : vector<16xi32>
        %gather3A_466 = tpu.vector_load_idx %arg7[%add3A_465] : memref<256xf32, #tpu.memory_space<vmem>>[vector<16xi32>], vector<16xf32>,
        %add3A_467 = arith.constant 9 : i32
        %add3A_468 = vector.broadcast %add3A_467 : i32 to vector<16xi32>
        %add3A_469 = arith.addi %mul3A_436, %add3A_468 : vector<16xi32>
        %gather3A_470 = tpu.vector_load_idx %arg7[%add3A_469] : memref<256xf32, #tpu.memory_space<vmem>>[vector<16xi32>], vector<16xf32>,
        %mul3A_471 = arith.constant 16 : i32
        %mul3A_472 = arith.muli %scan3A_429, %mul3A_471 : i32
        %add3A_473 = vector.broadcast %mul3A_472 : i32 to vector<16xi32>
        %add3A_474 = arith.addi %iota3A, %add3A_473 : vector<16xi32>
        %broadcast_in_dim3A_475 = arith.constant 1 : i32
        %broadcast_in_dim3A_476 = vector.broadcast %broadcast_in_dim3A_475 : i32 to vector<16xi32>
        tpu.vector_store_idx %arg27[%add3A_474, %broadcast_in_dim3A_476], %gather3A_466 : memref<128x8xf32, #tpu.memory_space<vmem>>[vector<16xi32>, vector<16xi32>], vector<16xf32>,
        %mul3A_477 = arith.constant 8 : i32
        %mul3A_478 = vector.broadcast %mul3A_477 : i32 to vector<16xi32>
        %mul3A_479 = arith.muli %iota3A, %mul3A_478 : vector<16xi32>
        %mul3A_480 = arith.constant 16 : i32
        %mul3A_481 = arith.muli %scan3A_429, %mul3A_480 : i32
        %mul3A_482 = arith.constant 8 : i32
        %mul3A_483 = arith.muli %mul3A_481, %mul3A_482 : i32
        %add3A_484 = arith.constant 1 : i32
        %add3A_485 = arith.addi %mul3A_483, %add3A_484 : i32
        %add3A_486 = vector.broadcast %add3A_485 : i32 to vector<16xi32>
        %add3A_487 = arith.addi %mul3A_479, %add3A_486 : vector<16xi32>
        %bitcast3A_488 = vector.bitcast %gather3A_470 : vector<16xf32> to vector<16xi32>
        tpu.vector_store_idx %arg21[%add3A_487], %bitcast3A_488 : memref<1024xi32, #tpu.memory_space<vmem>>[vector<16xi32>], vector<16xi32>,
        %add3A_489 = arith.constant 2 : i32
        %add3A_490 = vector.broadcast %add3A_489 : i32 to vector<16xi32>
        %add3A_491 = arith.addi %mul3A_436, %add3A_490 : vector<16xi32>
        %gather3A_492 = tpu.vector_load_idx %arg7[%add3A_491] : memref<256xf32, #tpu.memory_space<vmem>>[vector<16xi32>], vector<16xf32>,
        %add3A_493 = arith.constant 10 : i32
        %add3A_494 = vector.broadcast %add3A_493 : i32 to vector<16xi32>
        %add3A_495 = arith.addi %mul3A_436, %add3A_494 : vector<16xi32>
        %gather3A_496 = tpu.vector_load_idx %arg7[%add3A_495] : memref<256xf32, #tpu.memory_space<vmem>>[vector<16xi32>], vector<16xf32>,
        %mul3A_497 = arith.constant 16 : i32
        %mul3A_498 = arith.muli %scan3A_429, %mul3A_497 : i32
        %add3A_499 = vector.broadcast %mul3A_498 : i32 to vector<16xi32>
        %add3A_500 = arith.addi %iota3A, %add3A_499 : vector<16xi32>
        %broadcast_in_dim3A_501 = arith.constant 2 : i32
        %broadcast_in_dim3A_502 = vector.broadcast %broadcast_in_dim3A_501 : i32 to vector<16xi32>
        tpu.vector_store_idx %arg27[%add3A_500, %broadcast_in_dim3A_502], %gather3A_492 : memref<128x8xf32, #tpu.memory_space<vmem>>[vector<16xi32>, vector<16xi32>], vector<16xf32>,
        %mul3A_503 = arith.constant 8 : i32
        %mul3A_504 = vector.broadcast %mul3A_503 : i32 to vector<16xi32>
        %mul3A_505 = arith.muli %iota3A, %mul3A_504 : vector<16xi32>
        %mul3A_506 = arith.constant 16 : i32
        %mul3A_507 = arith.muli %scan3A_429, %mul3A_506 : i32
        %mul3A_508 = arith.constant 8 : i32
        %mul3A_509 = arith.muli %mul3A_507, %mul3A_508 : i32
        %add3A_510 = arith.constant 2 : i32
        %add3A_511 = arith.addi %mul3A_509, %add3A_510 : i32
        %add3A_512 = vector.broadcast %add3A_511 : i32 to vector<16xi32>
        %add3A_513 = arith.addi %mul3A_505, %add3A_512 : vector<16xi32>
        %bitcast3A_514 = vector.bitcast %gather3A_496 : vector<16xf32> to vector<16xi32>
        tpu.vector_store_idx %arg21[%add3A_513], %bitcast3A_514 : memref<1024xi32, #tpu.memory_space<vmem>>[vector<16xi32>], vector<16xi32>,
        %add3A_515 = arith.constant 3 : i32
        %add3A_516 = vector.broadcast %add3A_515 : i32 to vector<16xi32>
        %add3A_517 = arith.addi %mul3A_436, %add3A_516 : vector<16xi32>
        %gather3A_518 = tpu.vector_load_idx %arg7[%add3A_517] : memref<256xf32, #tpu.memory_space<vmem>>[vector<16xi32>], vector<16xf32>,
        %add3A_519 = arith.constant 11 : i32
        %add3A_520 = vector.broadcast %add3A_519 : i32 to vector<16xi32>
        %add3A_521 = arith.addi %mul3A_436, %add3A_520 : vector<16xi32>
        %gather3A_522 = tpu.vector_load_idx %arg7[%add3A_521] : memref<256xf32, #tpu.memory_space<vmem>>[vector<16xi32>], vector<16xf32>,
        %mul3A_523 = arith.constant 16 : i32
        %mul3A_524 = arith.muli %scan3A_429, %mul3A_523 : i32
        %add3A_525 = vector.broadcast %mul3A_524 : i32 to vector<16xi32>
        %add3A_526 = arith.addi %iota3A, %add3A_525 : vector<16xi32>
        %broadcast_in_dim3A_527 = arith.constant 3 : i32
        %broadcast_in_dim3A_528 = vector.broadcast %broadcast_in_dim3A_527 : i32 to vector<16xi32>
        tpu.vector_store_idx %arg27[%add3A_526, %broadcast_in_dim3A_528], %gather3A_518 : memref<128x8xf32, #tpu.memory_space<vmem>>[vector<16xi32>, vector<16xi32>], vector<16xf32>,
        %mul3A_529 = arith.constant 8 : i32
        %mul3A_530 = vector.broadcast %mul3A_529 : i32 to vector<16xi32>
        %mul3A_531 = arith.muli %iota3A, %mul3A_530 : vector<16xi32>
        %mul3A_532 = arith.constant 16 : i32
        %mul3A_533 = arith.muli %scan3A_429, %mul3A_532 : i32
        %mul3A_534 = arith.constant 8 : i32
        %mul3A_535 = arith.muli %mul3A_533, %mul3A_534 : i32
        %add3A_536 = arith.constant 3 : i32
        %add3A_537 = arith.addi %mul3A_535, %add3A_536 : i32
        %add3A_538 = vector.broadcast %add3A_537 : i32 to vector<16xi32>
        %add3A_539 = arith.addi %mul3A_531, %add3A_538 : vector<16xi32>
        %bitcast3A_540 = vector.bitcast %gather3A_522 : vector<16xf32> to vector<16xi32>
        tpu.vector_store_idx %arg21[%add3A_539], %bitcast3A_540 : memref<1024xi32, #tpu.memory_space<vmem>>[vector<16xi32>], vector<16xi32>,
        %add3A_541 = arith.constant 4 : i32
        %add3A_542 = vector.broadcast %add3A_541 : i32 to vector<16xi32>
        %add3A_543 = arith.addi %mul3A_436, %add3A_542 : vector<16xi32>
        %gather3A_544 = tpu.vector_load_idx %arg7[%add3A_543] : memref<256xf32, #tpu.memory_space<vmem>>[vector<16xi32>], vector<16xf32>,
        %add3A_545 = arith.constant 12 : i32
        %add3A_546 = vector.broadcast %add3A_545 : i32 to vector<16xi32>
        %add3A_547 = arith.addi %mul3A_436, %add3A_546 : vector<16xi32>
        %gather3A_548 = tpu.vector_load_idx %arg7[%add3A_547] : memref<256xf32, #tpu.memory_space<vmem>>[vector<16xi32>], vector<16xf32>,
        %mul3A_549 = arith.constant 16 : i32
        %mul3A_550 = arith.muli %scan3A_429, %mul3A_549 : i32
        %add3A_551 = vector.broadcast %mul3A_550 : i32 to vector<16xi32>
        %add3A_552 = arith.addi %iota3A, %add3A_551 : vector<16xi32>
        %broadcast_in_dim3A_553 = arith.constant 4 : i32
        %broadcast_in_dim3A_554 = vector.broadcast %broadcast_in_dim3A_553 : i32 to vector<16xi32>
        tpu.vector_store_idx %arg27[%add3A_552, %broadcast_in_dim3A_554], %gather3A_544 : memref<128x8xf32, #tpu.memory_space<vmem>>[vector<16xi32>, vector<16xi32>], vector<16xf32>,
        %mul3A_555 = arith.constant 8 : i32
        %mul3A_556 = vector.broadcast %mul3A_555 : i32 to vector<16xi32>
        %mul3A_557 = arith.muli %iota3A, %mul3A_556 : vector<16xi32>
        %mul3A_558 = arith.constant 16 : i32
        %mul3A_559 = arith.muli %scan3A_429, %mul3A_558 : i32
        %mul3A_560 = arith.constant 8 : i32
        %mul3A_561 = arith.muli %mul3A_559, %mul3A_560 : i32
        %add3A_562 = arith.constant 4 : i32
        %add3A_563 = arith.addi %mul3A_561, %add3A_562 : i32
        %add3A_564 = vector.broadcast %add3A_563 : i32 to vector<16xi32>
        %add3A_565 = arith.addi %mul3A_557, %add3A_564 : vector<16xi32>
        %bitcast3A_566 = vector.bitcast %gather3A_548 : vector<16xf32> to vector<16xi32>
        tpu.vector_store_idx %arg21[%add3A_565], %bitcast3A_566 : memref<1024xi32, #tpu.memory_space<vmem>>[vector<16xi32>], vector<16xi32>,
        %add3A_567 = arith.constant 5 : i32
        %add3A_568 = vector.broadcast %add3A_567 : i32 to vector<16xi32>
        %add3A_569 = arith.addi %mul3A_436, %add3A_568 : vector<16xi32>
        %gather3A_570 = tpu.vector_load_idx %arg7[%add3A_569] : memref<256xf32, #tpu.memory_space<vmem>>[vector<16xi32>], vector<16xf32>,
        %add3A_571 = arith.constant 13 : i32
        %add3A_572 = vector.broadcast %add3A_571 : i32 to vector<16xi32>
        %add3A_573 = arith.addi %mul3A_436, %add3A_572 : vector<16xi32>
        %gather3A_574 = tpu.vector_load_idx %arg7[%add3A_573] : memref<256xf32, #tpu.memory_space<vmem>>[vector<16xi32>], vector<16xf32>,
        %mul3A_575 = arith.constant 16 : i32
        %mul3A_576 = arith.muli %scan3A_429, %mul3A_575 : i32
        %add3A_577 = vector.broadcast %mul3A_576 : i32 to vector<16xi32>
        %add3A_578 = arith.addi %iota3A, %add3A_577 : vector<16xi32>
        %broadcast_in_dim3A_579 = arith.constant 5 : i32
        %broadcast_in_dim3A_580 = vector.broadcast %broadcast_in_dim3A_579 : i32 to vector<16xi32>
        tpu.vector_store_idx %arg27[%add3A_578, %broadcast_in_dim3A_580], %gather3A_570 : memref<128x8xf32, #tpu.memory_space<vmem>>[vector<16xi32>, vector<16xi32>], vector<16xf32>,
        %mul3A_581 = arith.constant 8 : i32
        %mul3A_582 = vector.broadcast %mul3A_581 : i32 to vector<16xi32>
        %mul3A_583 = arith.muli %iota3A, %mul3A_582 : vector<16xi32>
        %mul3A_584 = arith.constant 16 : i32
        %mul3A_585 = arith.muli %scan3A_429, %mul3A_584 : i32
        %mul3A_586 = arith.constant 8 : i32
        %mul3A_587 = arith.muli %mul3A_585, %mul3A_586 : i32
        %add3A_588 = arith.constant 5 : i32
        %add3A_589 = arith.addi %mul3A_587, %add3A_588 : i32
        %add3A_590 = vector.broadcast %add3A_589 : i32 to vector<16xi32>
        %add3A_591 = arith.addi %mul3A_583, %add3A_590 : vector<16xi32>
        %bitcast3A_592 = vector.bitcast %gather3A_574 : vector<16xf32> to vector<16xi32>
        tpu.vector_store_idx %arg21[%add3A_591], %bitcast3A_592 : memref<1024xi32, #tpu.memory_space<vmem>>[vector<16xi32>], vector<16xi32>,
        %add3A_593 = arith.constant 6 : i32
        %add3A_594 = vector.broadcast %add3A_593 : i32 to vector<16xi32>
        %add3A_595 = arith.addi %mul3A_436, %add3A_594 : vector<16xi32>
        %gather3A_596 = tpu.vector_load_idx %arg7[%add3A_595] : memref<256xf32, #tpu.memory_space<vmem>>[vector<16xi32>], vector<16xf32>,
        %add3A_597 = arith.constant 14 : i32
        %add3A_598 = vector.broadcast %add3A_597 : i32 to vector<16xi32>
        %add3A_599 = arith.addi %mul3A_436, %add3A_598 : vector<16xi32>
        %gather3A_600 = tpu.vector_load_idx %arg7[%add3A_599] : memref<256xf32, #tpu.memory_space<vmem>>[vector<16xi32>], vector<16xf32>,
        %mul3A_601 = arith.constant 16 : i32
        %mul3A_602 = arith.muli %scan3A_429, %mul3A_601 : i32
        %add3A_603 = vector.broadcast %mul3A_602 : i32 to vector<16xi32>
        %add3A_604 = arith.addi %iota3A, %add3A_603 : vector<16xi32>
        %broadcast_in_dim3A_605 = arith.constant 6 : i32
        %broadcast_in_dim3A_606 = vector.broadcast %broadcast_in_dim3A_605 : i32 to vector<16xi32>
        tpu.vector_store_idx %arg27[%add3A_604, %broadcast_in_dim3A_606], %gather3A_596 : memref<128x8xf32, #tpu.memory_space<vmem>>[vector<16xi32>, vector<16xi32>], vector<16xf32>,
        %mul3A_607 = arith.constant 8 : i32
        %mul3A_608 = vector.broadcast %mul3A_607 : i32 to vector<16xi32>
        %mul3A_609 = arith.muli %iota3A, %mul3A_608 : vector<16xi32>
        %mul3A_610 = arith.constant 16 : i32
        %mul3A_611 = arith.muli %scan3A_429, %mul3A_610 : i32
        %mul3A_612 = arith.constant 8 : i32
        %mul3A_613 = arith.muli %mul3A_611, %mul3A_612 : i32
        %add3A_614 = arith.constant 6 : i32
        %add3A_615 = arith.addi %mul3A_613, %add3A_614 : i32
        %add3A_616 = vector.broadcast %add3A_615 : i32 to vector<16xi32>
        %add3A_617 = arith.addi %mul3A_609, %add3A_616 : vector<16xi32>
        %bitcast3A_618 = vector.bitcast %gather3A_600 : vector<16xf32> to vector<16xi32>
        tpu.vector_store_idx %arg21[%add3A_617], %bitcast3A_618 : memref<1024xi32, #tpu.memory_space<vmem>>[vector<16xi32>], vector<16xi32>,
        %add3A_619 = arith.constant 7 : i32
        %add3A_620 = vector.broadcast %add3A_619 : i32 to vector<16xi32>
        %add3A_621 = arith.addi %mul3A_436, %add3A_620 : vector<16xi32>
        %gather3A_622 = tpu.vector_load_idx %arg7[%add3A_621] : memref<256xf32, #tpu.memory_space<vmem>>[vector<16xi32>], vector<16xf32>,
        %add3A_623 = arith.constant 15 : i32
        %add3A_624 = vector.broadcast %add3A_623 : i32 to vector<16xi32>
        %add3A_625 = arith.addi %mul3A_436, %add3A_624 : vector<16xi32>
        %gather3A_626 = tpu.vector_load_idx %arg7[%add3A_625] : memref<256xf32, #tpu.memory_space<vmem>>[vector<16xi32>], vector<16xf32>,
        %mul3A_627 = arith.constant 16 : i32
        %mul3A_628 = arith.muli %scan3A_429, %mul3A_627 : i32
        %add3A_629 = vector.broadcast %mul3A_628 : i32 to vector<16xi32>
        %add3A_630 = arith.addi %iota3A, %add3A_629 : vector<16xi32>
        %broadcast_in_dim3A_631 = arith.constant 7 : i32
        %broadcast_in_dim3A_632 = vector.broadcast %broadcast_in_dim3A_631 : i32 to vector<16xi32>
        tpu.vector_store_idx %arg27[%add3A_630, %broadcast_in_dim3A_632], %gather3A_622 : memref<128x8xf32, #tpu.memory_space<vmem>>[vector<16xi32>, vector<16xi32>], vector<16xf32>,
        %mul3A_633 = arith.constant 8 : i32
        %mul3A_634 = vector.broadcast %mul3A_633 : i32 to vector<16xi32>
        %mul3A_635 = arith.muli %iota3A, %mul3A_634 : vector<16xi32>
        %mul3A_636 = arith.constant 16 : i32
        %mul3A_637 = arith.muli %scan3A_429, %mul3A_636 : i32
        %mul3A_638 = arith.constant 8 : i32
        %mul3A_639 = arith.muli %mul3A_637, %mul3A_638 : i32
        %add3A_640 = arith.constant 7 : i32
        %add3A_641 = arith.addi %mul3A_639, %add3A_640 : i32
        %add3A_642 = vector.broadcast %add3A_641 : i32 to vector<16xi32>
        %add3A_643 = arith.addi %mul3A_635, %add3A_642 : vector<16xi32>
        %bitcast3A_644 = vector.bitcast %gather3A_626 : vector<16xf32> to vector<16xi32>
        tpu.vector_store_idx %arg21[%add3A_643], %bitcast3A_644 : memref<1024xi32, #tpu.memory_space<vmem>>[vector<16xi32>], vector<16xi32>,
      }
      %scan3A_308 = arith.constant 8 : i32
      %scan3A_309 = arith.constant 0 : i32
      %scan3A_310 = arith.constant 0 : i32
      %scan3A_311 = arith.constant 8 : i32
      %scan3A_312 = arith.addi %scan3A_310, %scan3A_311 : i32
      %scan3A_313 = arith.constant 1 : i32
      scf.for %scan3A_429 = %scan3A_310 to %scan3A_312 step %scan3A_313  : i32 {
        %mul3A_430 = arith.constant 16 : i32
        %mul3A_431 = arith.muli %scan3A_429, %mul3A_430 : i32
        %get3A_432 = arith.index_cast %mul3A_431 : i32 to index
        %get3A_433 = tpu.vector_load %arg10[%get3A_432] {strides = array<i32>} : memref<128xi32, #tpu.memory_space<vmem>>, vector<16xi32>,
        %mul3A_434 = arith.constant 16 : i32
        %mul3A_435 = vector.broadcast %mul3A_434 : i32 to vector<16xi32>
        %mul3A_436 = arith.muli %get3A_433, %mul3A_435 : vector<16xi32>
        %add3A_437 = arith.constant 0 : i32
        %add3A_438 = vector.broadcast %add3A_437 : i32 to vector<16xi32>
        %add3A_439 = arith.addi %mul3A_436, %add3A_438 : vector<16xi32>
        %gather3A_440 = tpu.vector_load_idx %arg7[%add3A_439] : memref<256xf32, #tpu.memory_space<vmem>>[vector<16xi32>], vector<16xf32>,
        %add3A_441 = arith.constant 8 : i32
        %add3A_442 = vector.broadcast %add3A_441 : i32 to vector<16xi32>
        %add3A_443 = arith.addi %mul3A_436, %add3A_442 : vector<16xi32>
        %gather3A_444 = tpu.vector_load_idx %arg7[%add3A_443] : memref<256xf32, #tpu.memory_space<vmem>>[vector<16xi32>], vector<16xf32>,
        %mul3A_445 = arith.constant 16 : i32
        %mul3A_446 = arith.muli %scan3A_429, %mul3A_445 : i32
        %add3A_447 = vector.broadcast %mul3A_446 : i32 to vector<16xi32>
        %add3A_448 = arith.addi %iota3A, %add3A_447 : vector<16xi32>
        %broadcast_in_dim3A_449 = arith.constant 0 : i32
        %broadcast_in_dim3A_450 = vector.broadcast %broadcast_in_dim3A_449 : i32 to vector<16xi32>
        tpu.vector_store_idx %arg28[%add3A_448, %broadcast_in_dim3A_450], %gather3A_440 : memref<128x8xf32, #tpu.memory_space<vmem>>[vector<16xi32>, vector<16xi32>], vector<16xf32>,
        %mul3A_451 = arith.constant 8 : i32
        %mul3A_452 = vector.broadcast %mul3A_451 : i32 to vector<16xi32>
        %mul3A_453 = arith.muli %iota3A, %mul3A_452 : vector<16xi32>
        %mul3A_454 = arith.constant 16 : i32
        %mul3A_455 = arith.muli %scan3A_429, %mul3A_454 : i32
        %mul3A_456 = arith.constant 8 : i32
        %mul3A_457 = arith.muli %mul3A_455, %mul3A_456 : i32
        %add3A_458 = arith.constant 0 : i32
        %add3A_459 = arith.addi %mul3A_457, %add3A_458 : i32
        %add3A_460 = vector.broadcast %add3A_459 : i32 to vector<16xi32>
        %add3A_461 = arith.addi %mul3A_453, %add3A_460 : vector<16xi32>
        %bitcast3A_462 = vector.bitcast %gather3A_444 : vector<16xf32> to vector<16xi32>
        tpu.vector_store_idx %arg22[%add3A_461], %bitcast3A_462 : memref<1024xi32, #tpu.memory_space<vmem>>[vector<16xi32>], vector<16xi32>,
        %add3A_463 = arith.constant 1 : i32
        %add3A_464 = vector.broadcast %add3A_463 : i32 to vector<16xi32>
        %add3A_465 = arith.addi %mul3A_436, %add3A_464 : vector<16xi32>
        %gather3A_466 = tpu.vector_load_idx %arg7[%add3A_465] : memref<256xf32, #tpu.memory_space<vmem>>[vector<16xi32>], vector<16xf32>,
        %add3A_467 = arith.constant 9 : i32
        %add3A_468 = vector.broadcast %add3A_467 : i32 to vector<16xi32>
        %add3A_469 = arith.addi %mul3A_436, %add3A_468 : vector<16xi32>
        %gather3A_470 = tpu.vector_load_idx %arg7[%add3A_469] : memref<256xf32, #tpu.memory_space<vmem>>[vector<16xi32>], vector<16xf32>,
        %mul3A_471 = arith.constant 16 : i32
        %mul3A_472 = arith.muli %scan3A_429, %mul3A_471 : i32
        %add3A_473 = vector.broadcast %mul3A_472 : i32 to vector<16xi32>
        %add3A_474 = arith.addi %iota3A, %add3A_473 : vector<16xi32>
        %broadcast_in_dim3A_475 = arith.constant 1 : i32
        %broadcast_in_dim3A_476 = vector.broadcast %broadcast_in_dim3A_475 : i32 to vector<16xi32>
        tpu.vector_store_idx %arg28[%add3A_474, %broadcast_in_dim3A_476], %gather3A_466 : memref<128x8xf32, #tpu.memory_space<vmem>>[vector<16xi32>, vector<16xi32>], vector<16xf32>,
        %mul3A_477 = arith.constant 8 : i32
        %mul3A_478 = vector.broadcast %mul3A_477 : i32 to vector<16xi32>
        %mul3A_479 = arith.muli %iota3A, %mul3A_478 : vector<16xi32>
        %mul3A_480 = arith.constant 16 : i32
        %mul3A_481 = arith.muli %scan3A_429, %mul3A_480 : i32
        %mul3A_482 = arith.constant 8 : i32
        %mul3A_483 = arith.muli %mul3A_481, %mul3A_482 : i32
        %add3A_484 = arith.constant 1 : i32
        %add3A_485 = arith.addi %mul3A_483, %add3A_484 : i32
        %add3A_486 = vector.broadcast %add3A_485 : i32 to vector<16xi32>
        %add3A_487 = arith.addi %mul3A_479, %add3A_486 : vector<16xi32>
        %bitcast3A_488 = vector.bitcast %gather3A_470 : vector<16xf32> to vector<16xi32>
        tpu.vector_store_idx %arg22[%add3A_487], %bitcast3A_488 : memref<1024xi32, #tpu.memory_space<vmem>>[vector<16xi32>], vector<16xi32>,
        %add3A_489 = arith.constant 2 : i32
        %add3A_490 = vector.broadcast %add3A_489 : i32 to vector<16xi32>
        %add3A_491 = arith.addi %mul3A_436, %add3A_490 : vector<16xi32>
        %gather3A_492 = tpu.vector_load_idx %arg7[%add3A_491] : memref<256xf32, #tpu.memory_space<vmem>>[vector<16xi32>], vector<16xf32>,
        %add3A_493 = arith.constant 10 : i32
        %add3A_494 = vector.broadcast %add3A_493 : i32 to vector<16xi32>
        %add3A_495 = arith.addi %mul3A_436, %add3A_494 : vector<16xi32>
        %gather3A_496 = tpu.vector_load_idx %arg7[%add3A_495] : memref<256xf32, #tpu.memory_space<vmem>>[vector<16xi32>], vector<16xf32>,
        %mul3A_497 = arith.constant 16 : i32
        %mul3A_498 = arith.muli %scan3A_429, %mul3A_497 : i32
        %add3A_499 = vector.broadcast %mul3A_498 : i32 to vector<16xi32>
        %add3A_500 = arith.addi %iota3A, %add3A_499 : vector<16xi32>
        %broadcast_in_dim3A_501 = arith.constant 2 : i32
        %broadcast_in_dim3A_502 = vector.broadcast %broadcast_in_dim3A_501 : i32 to vector<16xi32>
        tpu.vector_store_idx %arg28[%add3A_500, %broadcast_in_dim3A_502], %gather3A_492 : memref<128x8xf32, #tpu.memory_space<vmem>>[vector<16xi32>, vector<16xi32>], vector<16xf32>,
        %mul3A_503 = arith.constant 8 : i32
        %mul3A_504 = vector.broadcast %mul3A_503 : i32 to vector<16xi32>
        %mul3A_505 = arith.muli %iota3A, %mul3A_504 : vector<16xi32>
        %mul3A_506 = arith.constant 16 : i32
        %mul3A_507 = arith.muli %scan3A_429, %mul3A_506 : i32
        %mul3A_508 = arith.constant 8 : i32
        %mul3A_509 = arith.muli %mul3A_507, %mul3A_508 : i32
        %add3A_510 = arith.constant 2 : i32
        %add3A_511 = arith.addi %mul3A_509, %add3A_510 : i32
        %add3A_512 = vector.broadcast %add3A_511 : i32 to vector<16xi32>
        %add3A_513 = arith.addi %mul3A_505, %add3A_512 : vector<16xi32>
        %bitcast3A_514 = vector.bitcast %gather3A_496 : vector<16xf32> to vector<16xi32>
        tpu.vector_store_idx %arg22[%add3A_513], %bitcast3A_514 : memref<1024xi32, #tpu.memory_space<vmem>>[vector<16xi32>], vector<16xi32>,
        %add3A_515 = arith.constant 3 : i32
        %add3A_516 = vector.broadcast %add3A_515 : i32 to vector<16xi32>
        %add3A_517 = arith.addi %mul3A_436, %add3A_516 : vector<16xi32>
        %gather3A_518 = tpu.vector_load_idx %arg7[%add3A_517] : memref<256xf32, #tpu.memory_space<vmem>>[vector<16xi32>], vector<16xf32>,
        %add3A_519 = arith.constant 11 : i32
        %add3A_520 = vector.broadcast %add3A_519 : i32 to vector<16xi32>
        %add3A_521 = arith.addi %mul3A_436, %add3A_520 : vector<16xi32>
        %gather3A_522 = tpu.vector_load_idx %arg7[%add3A_521] : memref<256xf32, #tpu.memory_space<vmem>>[vector<16xi32>], vector<16xf32>,
        %mul3A_523 = arith.constant 16 : i32
        %mul3A_524 = arith.muli %scan3A_429, %mul3A_523 : i32
        %add3A_525 = vector.broadcast %mul3A_524 : i32 to vector<16xi32>
        %add3A_526 = arith.addi %iota3A, %add3A_525 : vector<16xi32>
        %broadcast_in_dim3A_527 = arith.constant 3 : i32
        %broadcast_in_dim3A_528 = vector.broadcast %broadcast_in_dim3A_527 : i32 to vector<16xi32>
        tpu.vector_store_idx %arg28[%add3A_526, %broadcast_in_dim3A_528], %gather3A_518 : memref<128x8xf32, #tpu.memory_space<vmem>>[vector<16xi32>, vector<16xi32>], vector<16xf32>,
        %mul3A_529 = arith.constant 8 : i32
        %mul3A_530 = vector.broadcast %mul3A_529 : i32 to vector<16xi32>
        %mul3A_531 = arith.muli %iota3A, %mul3A_530 : vector<16xi32>
        %mul3A_532 = arith.constant 16 : i32
        %mul3A_533 = arith.muli %scan3A_429, %mul3A_532 : i32
        %mul3A_534 = arith.constant 8 : i32
        %mul3A_535 = arith.muli %mul3A_533, %mul3A_534 : i32
        %add3A_536 = arith.constant 3 : i32
        %add3A_537 = arith.addi %mul3A_535, %add3A_536 : i32
        %add3A_538 = vector.broadcast %add3A_537 : i32 to vector<16xi32>
        %add3A_539 = arith.addi %mul3A_531, %add3A_538 : vector<16xi32>
        %bitcast3A_540 = vector.bitcast %gather3A_522 : vector<16xf32> to vector<16xi32>
        tpu.vector_store_idx %arg22[%add3A_539], %bitcast3A_540 : memref<1024xi32, #tpu.memory_space<vmem>>[vector<16xi32>], vector<16xi32>,
        %add3A_541 = arith.constant 4 : i32
        %add3A_542 = vector.broadcast %add3A_541 : i32 to vector<16xi32>
        %add3A_543 = arith.addi %mul3A_436, %add3A_542 : vector<16xi32>
        %gather3A_544 = tpu.vector_load_idx %arg7[%add3A_543] : memref<256xf32, #tpu.memory_space<vmem>>[vector<16xi32>], vector<16xf32>,
        %add3A_545 = arith.constant 12 : i32
        %add3A_546 = vector.broadcast %add3A_545 : i32 to vector<16xi32>
        %add3A_547 = arith.addi %mul3A_436, %add3A_546 : vector<16xi32>
        %gather3A_548 = tpu.vector_load_idx %arg7[%add3A_547] : memref<256xf32, #tpu.memory_space<vmem>>[vector<16xi32>], vector<16xf32>,
        %mul3A_549 = arith.constant 16 : i32
        %mul3A_550 = arith.muli %scan3A_429, %mul3A_549 : i32
        %add3A_551 = vector.broadcast %mul3A_550 : i32 to vector<16xi32>
        %add3A_552 = arith.addi %iota3A, %add3A_551 : vector<16xi32>
        %broadcast_in_dim3A_553 = arith.constant 4 : i32
        %broadcast_in_dim3A_554 = vector.broadcast %broadcast_in_dim3A_553 : i32 to vector<16xi32>
        tpu.vector_store_idx %arg28[%add3A_552, %broadcast_in_dim3A_554], %gather3A_544 : memref<128x8xf32, #tpu.memory_space<vmem>>[vector<16xi32>, vector<16xi32>], vector<16xf32>,
        %mul3A_555 = arith.constant 8 : i32
        %mul3A_556 = vector.broadcast %mul3A_555 : i32 to vector<16xi32>
        %mul3A_557 = arith.muli %iota3A, %mul3A_556 : vector<16xi32>
        %mul3A_558 = arith.constant 16 : i32
        %mul3A_559 = arith.muli %scan3A_429, %mul3A_558 : i32
        %mul3A_560 = arith.constant 8 : i32
        %mul3A_561 = arith.muli %mul3A_559, %mul3A_560 : i32
        %add3A_562 = arith.constant 4 : i32
        %add3A_563 = arith.addi %mul3A_561, %add3A_562 : i32
        %add3A_564 = vector.broadcast %add3A_563 : i32 to vector<16xi32>
        %add3A_565 = arith.addi %mul3A_557, %add3A_564 : vector<16xi32>
        %bitcast3A_566 = vector.bitcast %gather3A_548 : vector<16xf32> to vector<16xi32>
        tpu.vector_store_idx %arg22[%add3A_565], %bitcast3A_566 : memref<1024xi32, #tpu.memory_space<vmem>>[vector<16xi32>], vector<16xi32>,
        %add3A_567 = arith.constant 5 : i32
        %add3A_568 = vector.broadcast %add3A_567 : i32 to vector<16xi32>
        %add3A_569 = arith.addi %mul3A_436, %add3A_568 : vector<16xi32>
        %gather3A_570 = tpu.vector_load_idx %arg7[%add3A_569] : memref<256xf32, #tpu.memory_space<vmem>>[vector<16xi32>], vector<16xf32>,
        %add3A_571 = arith.constant 13 : i32
        %add3A_572 = vector.broadcast %add3A_571 : i32 to vector<16xi32>
        %add3A_573 = arith.addi %mul3A_436, %add3A_572 : vector<16xi32>
        %gather3A_574 = tpu.vector_load_idx %arg7[%add3A_573] : memref<256xf32, #tpu.memory_space<vmem>>[vector<16xi32>], vector<16xf32>,
        %mul3A_575 = arith.constant 16 : i32
        %mul3A_576 = arith.muli %scan3A_429, %mul3A_575 : i32
        %add3A_577 = vector.broadcast %mul3A_576 : i32 to vector<16xi32>
        %add3A_578 = arith.addi %iota3A, %add3A_577 : vector<16xi32>
        %broadcast_in_dim3A_579 = arith.constant 5 : i32
        %broadcast_in_dim3A_580 = vector.broadcast %broadcast_in_dim3A_579 : i32 to vector<16xi32>
        tpu.vector_store_idx %arg28[%add3A_578, %broadcast_in_dim3A_580], %gather3A_570 : memref<128x8xf32, #tpu.memory_space<vmem>>[vector<16xi32>, vector<16xi32>], vector<16xf32>,
        %mul3A_581 = arith.constant 8 : i32
        %mul3A_582 = vector.broadcast %mul3A_581 : i32 to vector<16xi32>
        %mul3A_583 = arith.muli %iota3A, %mul3A_582 : vector<16xi32>
        %mul3A_584 = arith.constant 16 : i32
        %mul3A_585 = arith.muli %scan3A_429, %mul3A_584 : i32
        %mul3A_586 = arith.constant 8 : i32
        %mul3A_587 = arith.muli %mul3A_585, %mul3A_586 : i32
        %add3A_588 = arith.constant 5 : i32
        %add3A_589 = arith.addi %mul3A_587, %add3A_588 : i32
        %add3A_590 = vector.broadcast %add3A_589 : i32 to vector<16xi32>
        %add3A_591 = arith.addi %mul3A_583, %add3A_590 : vector<16xi32>
        %bitcast3A_592 = vector.bitcast %gather3A_574 : vector<16xf32> to vector<16xi32>
        tpu.vector_store_idx %arg22[%add3A_591], %bitcast3A_592 : memref<1024xi32, #tpu.memory_space<vmem>>[vector<16xi32>], vector<16xi32>,
        %add3A_593 = arith.constant 6 : i32
        %add3A_594 = vector.broadcast %add3A_593 : i32 to vector<16xi32>
        %add3A_595 = arith.addi %mul3A_436, %add3A_594 : vector<16xi32>
        %gather3A_596 = tpu.vector_load_idx %arg7[%add3A_595] : memref<256xf32, #tpu.memory_space<vmem>>[vector<16xi32>], vector<16xf32>,
        %add3A_597 = arith.constant 14 : i32
        %add3A_598 = vector.broadcast %add3A_597 : i32 to vector<16xi32>
        %add3A_599 = arith.addi %mul3A_436, %add3A_598 : vector<16xi32>
        %gather3A_600 = tpu.vector_load_idx %arg7[%add3A_599] : memref<256xf32, #tpu.memory_space<vmem>>[vector<16xi32>], vector<16xf32>,
        %mul3A_601 = arith.constant 16 : i32
        %mul3A_602 = arith.muli %scan3A_429, %mul3A_601 : i32
        %add3A_603 = vector.broadcast %mul3A_602 : i32 to vector<16xi32>
        %add3A_604 = arith.addi %iota3A, %add3A_603 : vector<16xi32>
        %broadcast_in_dim3A_605 = arith.constant 6 : i32
        %broadcast_in_dim3A_606 = vector.broadcast %broadcast_in_dim3A_605 : i32 to vector<16xi32>
        tpu.vector_store_idx %arg28[%add3A_604, %broadcast_in_dim3A_606], %gather3A_596 : memref<128x8xf32, #tpu.memory_space<vmem>>[vector<16xi32>, vector<16xi32>], vector<16xf32>,
        %mul3A_607 = arith.constant 8 : i32
        %mul3A_608 = vector.broadcast %mul3A_607 : i32 to vector<16xi32>
        %mul3A_609 = arith.muli %iota3A, %mul3A_608 : vector<16xi32>
        %mul3A_610 = arith.constant 16 : i32
        %mul3A_611 = arith.muli %scan3A_429, %mul3A_610 : i32
        %mul3A_612 = arith.constant 8 : i32
        %mul3A_613 = arith.muli %mul3A_611, %mul3A_612 : i32
        %add3A_614 = arith.constant 6 : i32
        %add3A_615 = arith.addi %mul3A_613, %add3A_614 : i32
        %add3A_616 = vector.broadcast %add3A_615 : i32 to vector<16xi32>
        %add3A_617 = arith.addi %mul3A_609, %add3A_616 : vector<16xi32>
        %bitcast3A_618 = vector.bitcast %gather3A_600 : vector<16xf32> to vector<16xi32>
        tpu.vector_store_idx %arg22[%add3A_617], %bitcast3A_618 : memref<1024xi32, #tpu.memory_space<vmem>>[vector<16xi32>], vector<16xi32>,
        %add3A_619 = arith.constant 7 : i32
        %add3A_620 = vector.broadcast %add3A_619 : i32 to vector<16xi32>
        %add3A_621 = arith.addi %mul3A_436, %add3A_620 : vector<16xi32>
        %gather3A_622 = tpu.vector_load_idx %arg7[%add3A_621] : memref<256xf32, #tpu.memory_space<vmem>>[vector<16xi32>], vector<16xf32>,
        %add3A_623 = arith.constant 15 : i32
        %add3A_624 = vector.broadcast %add3A_623 : i32 to vector<16xi32>
        %add3A_625 = arith.addi %mul3A_436, %add3A_624 : vector<16xi32>
        %gather3A_626 = tpu.vector_load_idx %arg7[%add3A_625] : memref<256xf32, #tpu.memory_space<vmem>>[vector<16xi32>], vector<16xf32>,
        %mul3A_627 = arith.constant 16 : i32
        %mul3A_628 = arith.muli %scan3A_429, %mul3A_627 : i32
        %add3A_629 = vector.broadcast %mul3A_628 : i32 to vector<16xi32>
        %add3A_630 = arith.addi %iota3A, %add3A_629 : vector<16xi32>
        %broadcast_in_dim3A_631 = arith.constant 7 : i32
        %broadcast_in_dim3A_632 = vector.broadcast %broadcast_in_dim3A_631 : i32 to vector<16xi32>
        tpu.vector_store_idx %arg28[%add3A_630, %broadcast_in_dim3A_632], %gather3A_622 : memref<128x8xf32, #tpu.memory_space<vmem>>[vector<16xi32>, vector<16xi32>], vector<16xf32>,
        %mul3A_633 = arith.constant 8 : i32
        %mul3A_634 = vector.broadcast %mul3A_633 : i32 to vector<16xi32>
        %mul3A_635 = arith.muli %iota3A, %mul3A_634 : vector<16xi32>
        %mul3A_636 = arith.constant 16 : i32
        %mul3A_637 = arith.muli %scan3A_429, %mul3A_636 : i32
        %mul3A_638 = arith.constant 8 : i32
        %mul3A_639 = arith.muli %mul3A_637, %mul3A_638 : i32
        %add3A_640 = arith.constant 7 : i32
        %add3A_641 = arith.addi %mul3A_639, %add3A_640 : i32
        %add3A_642 = vector.broadcast %add3A_641 : i32 to vector<16xi32>
        %add3A_643 = arith.addi %mul3A_635, %add3A_642 : vector<16xi32>
        %bitcast3A_644 = vector.bitcast %gather3A_626 : vector<16xf32> to vector<16xi32>
        tpu.vector_store_idx %arg22[%add3A_643], %bitcast3A_644 : memref<1024xi32, #tpu.memory_space<vmem>>[vector<16xi32>], vector<16xi32>,
      }
      %scan3A_314 = arith.constant 8 : i32
      %scan3A_315 = arith.constant 0 : i32
      %scan3A_316 = arith.constant 0 : i32
      %scan3A_317 = arith.constant 8 : i32
      %scan3A_318 = arith.addi %scan3A_316, %scan3A_317 : i32
      %scan3A_319 = arith.constant 1 : i32
      scf.for %scan3A_429 = %scan3A_316 to %scan3A_318 step %scan3A_319  : i32 {
        %mul3A_430 = arith.constant 16 : i32
        %mul3A_431 = arith.muli %scan3A_429, %mul3A_430 : i32
        %get3A_432 = arith.index_cast %mul3A_431 : i32 to index
        %get3A_433 = tpu.vector_load %arg11[%get3A_432] {strides = array<i32>} : memref<128xi32, #tpu.memory_space<vmem>>, vector<16xi32>,
        %mul3A_434 = arith.constant 16 : i32
        %mul3A_435 = vector.broadcast %mul3A_434 : i32 to vector<16xi32>
        %mul3A_436 = arith.muli %get3A_433, %mul3A_435 : vector<16xi32>
        %add3A_437 = arith.constant 0 : i32
        %add3A_438 = vector.broadcast %add3A_437 : i32 to vector<16xi32>
        %add3A_439 = arith.addi %mul3A_436, %add3A_438 : vector<16xi32>
        %gather3A_440 = tpu.vector_load_idx %arg7[%add3A_439] : memref<256xf32, #tpu.memory_space<vmem>>[vector<16xi32>], vector<16xf32>,
        %add3A_441 = arith.constant 8 : i32
        %add3A_442 = vector.broadcast %add3A_441 : i32 to vector<16xi32>
        %add3A_443 = arith.addi %mul3A_436, %add3A_442 : vector<16xi32>
        %gather3A_444 = tpu.vector_load_idx %arg7[%add3A_443] : memref<256xf32, #tpu.memory_space<vmem>>[vector<16xi32>], vector<16xf32>,
        %mul3A_445 = arith.constant 16 : i32
        %mul3A_446 = arith.muli %scan3A_429, %mul3A_445 : i32
        %add3A_447 = vector.broadcast %mul3A_446 : i32 to vector<16xi32>
        %add3A_448 = arith.addi %iota3A, %add3A_447 : vector<16xi32>
        %broadcast_in_dim3A_449 = arith.constant 0 : i32
        %broadcast_in_dim3A_450 = vector.broadcast %broadcast_in_dim3A_449 : i32 to vector<16xi32>
        tpu.vector_store_idx %arg29[%add3A_448, %broadcast_in_dim3A_450], %gather3A_440 : memref<128x8xf32, #tpu.memory_space<vmem>>[vector<16xi32>, vector<16xi32>], vector<16xf32>,
        %mul3A_451 = arith.constant 8 : i32
        %mul3A_452 = vector.broadcast %mul3A_451 : i32 to vector<16xi32>
        %mul3A_453 = arith.muli %iota3A, %mul3A_452 : vector<16xi32>
        %mul3A_454 = arith.constant 16 : i32
        %mul3A_455 = arith.muli %scan3A_429, %mul3A_454 : i32
        %mul3A_456 = arith.constant 8 : i32
        %mul3A_457 = arith.muli %mul3A_455, %mul3A_456 : i32
        %add3A_458 = arith.constant 0 : i32
        %add3A_459 = arith.addi %mul3A_457, %add3A_458 : i32
        %add3A_460 = vector.broadcast %add3A_459 : i32 to vector<16xi32>
        %add3A_461 = arith.addi %mul3A_453, %add3A_460 : vector<16xi32>
        %bitcast3A_462 = vector.bitcast %gather3A_444 : vector<16xf32> to vector<16xi32>
        tpu.vector_store_idx %arg23[%add3A_461], %bitcast3A_462 : memref<1024xi32, #tpu.memory_space<vmem>>[vector<16xi32>], vector<16xi32>,
        %add3A_463 = arith.constant 1 : i32
        %add3A_464 = vector.broadcast %add3A_463 : i32 to vector<16xi32>
        %add3A_465 = arith.addi %mul3A_436, %add3A_464 : vector<16xi32>
        %gather3A_466 = tpu.vector_load_idx %arg7[%add3A_465] : memref<256xf32, #tpu.memory_space<vmem>>[vector<16xi32>], vector<16xf32>,
        %add3A_467 = arith.constant 9 : i32
        %add3A_468 = vector.broadcast %add3A_467 : i32 to vector<16xi32>
        %add3A_469 = arith.addi %mul3A_436, %add3A_468 : vector<16xi32>
        %gather3A_470 = tpu.vector_load_idx %arg7[%add3A_469] : memref<256xf32, #tpu.memory_space<vmem>>[vector<16xi32>], vector<16xf32>,
        %mul3A_471 = arith.constant 16 : i32
        %mul3A_472 = arith.muli %scan3A_429, %mul3A_471 : i32
        %add3A_473 = vector.broadcast %mul3A_472 : i32 to vector<16xi32>
        %add3A_474 = arith.addi %iota3A, %add3A_473 : vector<16xi32>
        %broadcast_in_dim3A_475 = arith.constant 1 : i32
        %broadcast_in_dim3A_476 = vector.broadcast %broadcast_in_dim3A_475 : i32 to vector<16xi32>
        tpu.vector_store_idx %arg29[%add3A_474, %broadcast_in_dim3A_476], %gather3A_466 : memref<128x8xf32, #tpu.memory_space<vmem>>[vector<16xi32>, vector<16xi32>], vector<16xf32>,
        %mul3A_477 = arith.constant 8 : i32
        %mul3A_478 = vector.broadcast %mul3A_477 : i32 to vector<16xi32>
        %mul3A_479 = arith.muli %iota3A, %mul3A_478 : vector<16xi32>
        %mul3A_480 = arith.constant 16 : i32
        %mul3A_481 = arith.muli %scan3A_429, %mul3A_480 : i32
        %mul3A_482 = arith.constant 8 : i32
        %mul3A_483 = arith.muli %mul3A_481, %mul3A_482 : i32
        %add3A_484 = arith.constant 1 : i32
        %add3A_485 = arith.addi %mul3A_483, %add3A_484 : i32
        %add3A_486 = vector.broadcast %add3A_485 : i32 to vector<16xi32>
        %add3A_487 = arith.addi %mul3A_479, %add3A_486 : vector<16xi32>
        %bitcast3A_488 = vector.bitcast %gather3A_470 : vector<16xf32> to vector<16xi32>
        tpu.vector_store_idx %arg23[%add3A_487], %bitcast3A_488 : memref<1024xi32, #tpu.memory_space<vmem>>[vector<16xi32>], vector<16xi32>,
        %add3A_489 = arith.constant 2 : i32
        %add3A_490 = vector.broadcast %add3A_489 : i32 to vector<16xi32>
        %add3A_491 = arith.addi %mul3A_436, %add3A_490 : vector<16xi32>
        %gather3A_492 = tpu.vector_load_idx %arg7[%add3A_491] : memref<256xf32, #tpu.memory_space<vmem>>[vector<16xi32>], vector<16xf32>,
        %add3A_493 = arith.constant 10 : i32
        %add3A_494 = vector.broadcast %add3A_493 : i32 to vector<16xi32>
        %add3A_495 = arith.addi %mul3A_436, %add3A_494 : vector<16xi32>
        %gather3A_496 = tpu.vector_load_idx %arg7[%add3A_495] : memref<256xf32, #tpu.memory_space<vmem>>[vector<16xi32>], vector<16xf32>,
        %mul3A_497 = arith.constant 16 : i32
        %mul3A_498 = arith.muli %scan3A_429, %mul3A_497 : i32
        %add3A_499 = vector.broadcast %mul3A_498 : i32 to vector<16xi32>
        %add3A_500 = arith.addi %iota3A, %add3A_499 : vector<16xi32>
        %broadcast_in_dim3A_501 = arith.constant 2 : i32
        %broadcast_in_dim3A_502 = vector.broadcast %broadcast_in_dim3A_501 : i32 to vector<16xi32>
        tpu.vector_store_idx %arg29[%add3A_500, %broadcast_in_dim3A_502], %gather3A_492 : memref<128x8xf32, #tpu.memory_space<vmem>>[vector<16xi32>, vector<16xi32>], vector<16xf32>,
        %mul3A_503 = arith.constant 8 : i32
        %mul3A_504 = vector.broadcast %mul3A_503 : i32 to vector<16xi32>
        %mul3A_505 = arith.muli %iota3A, %mul3A_504 : vector<16xi32>
        %mul3A_506 = arith.constant 16 : i32
        %mul3A_507 = arith.muli %scan3A_429, %mul3A_506 : i32
        %mul3A_508 = arith.constant 8 : i32
        %mul3A_509 = arith.muli %mul3A_507, %mul3A_508 : i32
        %add3A_510 = arith.constant 2 : i32
        %add3A_511 = arith.addi %mul3A_509, %add3A_510 : i32
        %add3A_512 = vector.broadcast %add3A_511 : i32 to vector<16xi32>
        %add3A_513 = arith.addi %mul3A_505, %add3A_512 : vector<16xi32>
        %bitcast3A_514 = vector.bitcast %gather3A_496 : vector<16xf32> to vector<16xi32>
        tpu.vector_store_idx %arg23[%add3A_513], %bitcast3A_514 : memref<1024xi32, #tpu.memory_space<vmem>>[vector<16xi32>], vector<16xi32>,
        %add3A_515 = arith.constant 3 : i32
        %add3A_516 = vector.broadcast %add3A_515 : i32 to vector<16xi32>
        %add3A_517 = arith.addi %mul3A_436, %add3A_516 : vector<16xi32>
        %gather3A_518 = tpu.vector_load_idx %arg7[%add3A_517] : memref<256xf32, #tpu.memory_space<vmem>>[vector<16xi32>], vector<16xf32>,
        %add3A_519 = arith.constant 11 : i32
        %add3A_520 = vector.broadcast %add3A_519 : i32 to vector<16xi32>
        %add3A_521 = arith.addi %mul3A_436, %add3A_520 : vector<16xi32>
        %gather3A_522 = tpu.vector_load_idx %arg7[%add3A_521] : memref<256xf32, #tpu.memory_space<vmem>>[vector<16xi32>], vector<16xf32>,
        %mul3A_523 = arith.constant 16 : i32
        %mul3A_524 = arith.muli %scan3A_429, %mul3A_523 : i32
        %add3A_525 = vector.broadcast %mul3A_524 : i32 to vector<16xi32>
        %add3A_526 = arith.addi %iota3A, %add3A_525 : vector<16xi32>
        %broadcast_in_dim3A_527 = arith.constant 3 : i32
        %broadcast_in_dim3A_528 = vector.broadcast %broadcast_in_dim3A_527 : i32 to vector<16xi32>
        tpu.vector_store_idx %arg29[%add3A_526, %broadcast_in_dim3A_528], %gather3A_518 : memref<128x8xf32, #tpu.memory_space<vmem>>[vector<16xi32>, vector<16xi32>], vector<16xf32>,
        %mul3A_529 = arith.constant 8 : i32
        %mul3A_530 = vector.broadcast %mul3A_529 : i32 to vector<16xi32>
        %mul3A_531 = arith.muli %iota3A, %mul3A_530 : vector<16xi32>
        %mul3A_532 = arith.constant 16 : i32
        %mul3A_533 = arith.muli %scan3A_429, %mul3A_532 : i32
        %mul3A_534 = arith.constant 8 : i32
        %mul3A_535 = arith.muli %mul3A_533, %mul3A_534 : i32
        %add3A_536 = arith.constant 3 : i32
        %add3A_537 = arith.addi %mul3A_535, %add3A_536 : i32
        %add3A_538 = vector.broadcast %add3A_537 : i32 to vector<16xi32>
        %add3A_539 = arith.addi %mul3A_531, %add3A_538 : vector<16xi32>
        %bitcast3A_540 = vector.bitcast %gather3A_522 : vector<16xf32> to vector<16xi32>
        tpu.vector_store_idx %arg23[%add3A_539], %bitcast3A_540 : memref<1024xi32, #tpu.memory_space<vmem>>[vector<16xi32>], vector<16xi32>,
        %add3A_541 = arith.constant 4 : i32
        %add3A_542 = vector.broadcast %add3A_541 : i32 to vector<16xi32>
        %add3A_543 = arith.addi %mul3A_436, %add3A_542 : vector<16xi32>
        %gather3A_544 = tpu.vector_load_idx %arg7[%add3A_543] : memref<256xf32, #tpu.memory_space<vmem>>[vector<16xi32>], vector<16xf32>,
        %add3A_545 = arith.constant 12 : i32
        %add3A_546 = vector.broadcast %add3A_545 : i32 to vector<16xi32>
        %add3A_547 = arith.addi %mul3A_436, %add3A_546 : vector<16xi32>
        %gather3A_548 = tpu.vector_load_idx %arg7[%add3A_547] : memref<256xf32, #tpu.memory_space<vmem>>[vector<16xi32>], vector<16xf32>,
        %mul3A_549 = arith.constant 16 : i32
        %mul3A_550 = arith.muli %scan3A_429, %mul3A_549 : i32
        %add3A_551 = vector.broadcast %mul3A_550 : i32 to vector<16xi32>
        %add3A_552 = arith.addi %iota3A, %add3A_551 : vector<16xi32>
        %broadcast_in_dim3A_553 = arith.constant 4 : i32
        %broadcast_in_dim3A_554 = vector.broadcast %broadcast_in_dim3A_553 : i32 to vector<16xi32>
        tpu.vector_store_idx %arg29[%add3A_552, %broadcast_in_dim3A_554], %gather3A_544 : memref<128x8xf32, #tpu.memory_space<vmem>>[vector<16xi32>, vector<16xi32>], vector<16xf32>,
        %mul3A_555 = arith.constant 8 : i32
        %mul3A_556 = vector.broadcast %mul3A_555 : i32 to vector<16xi32>
        %mul3A_557 = arith.muli %iota3A, %mul3A_556 : vector<16xi32>
        %mul3A_558 = arith.constant 16 : i32
        %mul3A_559 = arith.muli %scan3A_429, %mul3A_558 : i32
        %mul3A_560 = arith.constant 8 : i32
        %mul3A_561 = arith.muli %mul3A_559, %mul3A_560 : i32
        %add3A_562 = arith.constant 4 : i32
        %add3A_563 = arith.addi %mul3A_561, %add3A_562 : i32
        %add3A_564 = vector.broadcast %add3A_563 : i32 to vector<16xi32>
        %add3A_565 = arith.addi %mul3A_557, %add3A_564 : vector<16xi32>
        %bitcast3A_566 = vector.bitcast %gather3A_548 : vector<16xf32> to vector<16xi32>
        tpu.vector_store_idx %arg23[%add3A_565], %bitcast3A_566 : memref<1024xi32, #tpu.memory_space<vmem>>[vector<16xi32>], vector<16xi32>,
        %add3A_567 = arith.constant 5 : i32
        %add3A_568 = vector.broadcast %add3A_567 : i32 to vector<16xi32>
        %add3A_569 = arith.addi %mul3A_436, %add3A_568 : vector<16xi32>
        %gather3A_570 = tpu.vector_load_idx %arg7[%add3A_569] : memref<256xf32, #tpu.memory_space<vmem>>[vector<16xi32>], vector<16xf32>,
        %add3A_571 = arith.constant 13 : i32
        %add3A_572 = vector.broadcast %add3A_571 : i32 to vector<16xi32>
        %add3A_573 = arith.addi %mul3A_436, %add3A_572 : vector<16xi32>
        %gather3A_574 = tpu.vector_load_idx %arg7[%add3A_573] : memref<256xf32, #tpu.memory_space<vmem>>[vector<16xi32>], vector<16xf32>,
        %mul3A_575 = arith.constant 16 : i32
        %mul3A_576 = arith.muli %scan3A_429, %mul3A_575 : i32
        %add3A_577 = vector.broadcast %mul3A_576 : i32 to vector<16xi32>
        %add3A_578 = arith.addi %iota3A, %add3A_577 : vector<16xi32>
        %broadcast_in_dim3A_579 = arith.constant 5 : i32
        %broadcast_in_dim3A_580 = vector.broadcast %broadcast_in_dim3A_579 : i32 to vector<16xi32>
        tpu.vector_store_idx %arg29[%add3A_578, %broadcast_in_dim3A_580], %gather3A_570 : memref<128x8xf32, #tpu.memory_space<vmem>>[vector<16xi32>, vector<16xi32>], vector<16xf32>,
        %mul3A_581 = arith.constant 8 : i32
        %mul3A_582 = vector.broadcast %mul3A_581 : i32 to vector<16xi32>
        %mul3A_583 = arith.muli %iota3A, %mul3A_582 : vector<16xi32>
        %mul3A_584 = arith.constant 16 : i32
        %mul3A_585 = arith.muli %scan3A_429, %mul3A_584 : i32
        %mul3A_586 = arith.constant 8 : i32
        %mul3A_587 = arith.muli %mul3A_585, %mul3A_586 : i32
        %add3A_588 = arith.constant 5 : i32
        %add3A_589 = arith.addi %mul3A_587, %add3A_588 : i32
        %add3A_590 = vector.broadcast %add3A_589 : i32 to vector<16xi32>
        %add3A_591 = arith.addi %mul3A_583, %add3A_590 : vector<16xi32>
        %bitcast3A_592 = vector.bitcast %gather3A_574 : vector<16xf32> to vector<16xi32>
        tpu.vector_store_idx %arg23[%add3A_591], %bitcast3A_592 : memref<1024xi32, #tpu.memory_space<vmem>>[vector<16xi32>], vector<16xi32>,
        %add3A_593 = arith.constant 6 : i32
        %add3A_594 = vector.broadcast %add3A_593 : i32 to vector<16xi32>
        %add3A_595 = arith.addi %mul3A_436, %add3A_594 : vector<16xi32>
        %gather3A_596 = tpu.vector_load_idx %arg7[%add3A_595] : memref<256xf32, #tpu.memory_space<vmem>>[vector<16xi32>], vector<16xf32>,
        %add3A_597 = arith.constant 14 : i32
        %add3A_598 = vector.broadcast %add3A_597 : i32 to vector<16xi32>
        %add3A_599 = arith.addi %mul3A_436, %add3A_598 : vector<16xi32>
        %gather3A_600 = tpu.vector_load_idx %arg7[%add3A_599] : memref<256xf32, #tpu.memory_space<vmem>>[vector<16xi32>], vector<16xf32>,
        %mul3A_601 = arith.constant 16 : i32
        %mul3A_602 = arith.muli %scan3A_429, %mul3A_601 : i32
        %add3A_603 = vector.broadcast %mul3A_602 : i32 to vector<16xi32>
        %add3A_604 = arith.addi %iota3A, %add3A_603 : vector<16xi32>
        %broadcast_in_dim3A_605 = arith.constant 6 : i32
        %broadcast_in_dim3A_606 = vector.broadcast %broadcast_in_dim3A_605 : i32 to vector<16xi32>
        tpu.vector_store_idx %arg29[%add3A_604, %broadcast_in_dim3A_606], %gather3A_596 : memref<128x8xf32, #tpu.memory_space<vmem>>[vector<16xi32>, vector<16xi32>], vector<16xf32>,
        %mul3A_607 = arith.constant 8 : i32
        %mul3A_608 = vector.broadcast %mul3A_607 : i32 to vector<16xi32>
        %mul3A_609 = arith.muli %iota3A, %mul3A_608 : vector<16xi32>
        %mul3A_610 = arith.constant 16 : i32
        %mul3A_611 = arith.muli %scan3A_429, %mul3A_610 : i32
        %mul3A_612 = arith.constant 8 : i32
        %mul3A_613 = arith.muli %mul3A_611, %mul3A_612 : i32
        %add3A_614 = arith.constant 6 : i32
        %add3A_615 = arith.addi %mul3A_613, %add3A_614 : i32
        %add3A_616 = vector.broadcast %add3A_615 : i32 to vector<16xi32>
        %add3A_617 = arith.addi %mul3A_609, %add3A_616 : vector<16xi32>
        %bitcast3A_618 = vector.bitcast %gather3A_600 : vector<16xf32> to vector<16xi32>
        tpu.vector_store_idx %arg23[%add3A_617], %bitcast3A_618 : memref<1024xi32, #tpu.memory_space<vmem>>[vector<16xi32>], vector<16xi32>,
        %add3A_619 = arith.constant 7 : i32
        %add3A_620 = vector.broadcast %add3A_619 : i32 to vector<16xi32>
        %add3A_621 = arith.addi %mul3A_436, %add3A_620 : vector<16xi32>
        %gather3A_622 = tpu.vector_load_idx %arg7[%add3A_621] : memref<256xf32, #tpu.memory_space<vmem>>[vector<16xi32>], vector<16xf32>,
        %add3A_623 = arith.constant 15 : i32
        %add3A_624 = vector.broadcast %add3A_623 : i32 to vector<16xi32>
        %add3A_625 = arith.addi %mul3A_436, %add3A_624 : vector<16xi32>
        %gather3A_626 = tpu.vector_load_idx %arg7[%add3A_625] : memref<256xf32, #tpu.memory_space<vmem>>[vector<16xi32>], vector<16xf32>,
        %mul3A_627 = arith.constant 16 : i32
        %mul3A_628 = arith.muli %scan3A_429, %mul3A_627 : i32
        %add3A_629 = vector.broadcast %mul3A_628 : i32 to vector<16xi32>
        %add3A_630 = arith.addi %iota3A, %add3A_629 : vector<16xi32>
        %broadcast_in_dim3A_631 = arith.constant 7 : i32
        %broadcast_in_dim3A_632 = vector.broadcast %broadcast_in_dim3A_631 : i32 to vector<16xi32>
        tpu.vector_store_idx %arg29[%add3A_630, %broadcast_in_dim3A_632], %gather3A_622 : memref<128x8xf32, #tpu.memory_space<vmem>>[vector<16xi32>, vector<16xi32>], vector<16xf32>,
        %mul3A_633 = arith.constant 8 : i32
        %mul3A_634 = vector.broadcast %mul3A_633 : i32 to vector<16xi32>
        %mul3A_635 = arith.muli %iota3A, %mul3A_634 : vector<16xi32>
        %mul3A_636 = arith.constant 16 : i32
        %mul3A_637 = arith.muli %scan3A_429, %mul3A_636 : i32
        %mul3A_638 = arith.constant 8 : i32
        %mul3A_639 = arith.muli %mul3A_637, %mul3A_638 : i32
        %add3A_640 = arith.constant 7 : i32
        %add3A_641 = arith.addi %mul3A_639, %add3A_640 : i32
        %add3A_642 = vector.broadcast %add3A_641 : i32 to vector<16xi32>
        %add3A_643 = arith.addi %mul3A_635, %add3A_642 : vector<16xi32>
        %bitcast3A_644 = vector.bitcast %gather3A_626 : vector<16xf32> to vector<16xi32>
        tpu.vector_store_idx %arg23[%add3A_643], %bitcast3A_644 : memref<1024xi32, #tpu.memory_space<vmem>>[vector<16xi32>], vector<16xi32>,
      }
      %scan3A_320 = arith.constant 8 : i32
      %scan3A_321 = arith.constant 0 : i32
      %scan3A_322 = arith.constant 0 : i32
      %scan3A_323 = arith.constant 8 : i32
      %scan3A_324 = arith.addi %scan3A_322, %scan3A_323 : i32
      %scan3A_325 = arith.constant 1 : i32
      scf.for %scan3A_429 = %scan3A_322 to %scan3A_324 step %scan3A_325  : i32 {
        %mul3A_430 = arith.constant 16 : i32
        %mul3A_431 = arith.muli %scan3A_429, %mul3A_430 : i32
        %get3A_432 = arith.index_cast %mul3A_431 : i32 to index
        %get3A_433 = tpu.vector_load %arg12[%get3A_432] {strides = array<i32>} : memref<128xi32, #tpu.memory_space<vmem>>, vector<16xi32>,
        %mul3A_434 = arith.constant 16 : i32
        %mul3A_435 = vector.broadcast %mul3A_434 : i32 to vector<16xi32>
        %mul3A_436 = arith.muli %get3A_433, %mul3A_435 : vector<16xi32>
        %add3A_437 = arith.constant 0 : i32
        %add3A_438 = vector.broadcast %add3A_437 : i32 to vector<16xi32>
        %add3A_439 = arith.addi %mul3A_436, %add3A_438 : vector<16xi32>
        %gather3A_440 = tpu.vector_load_idx %arg7[%add3A_439] : memref<256xf32, #tpu.memory_space<vmem>>[vector<16xi32>], vector<16xf32>,
        %add3A_441 = arith.constant 8 : i32
        %add3A_442 = vector.broadcast %add3A_441 : i32 to vector<16xi32>
        %add3A_443 = arith.addi %mul3A_436, %add3A_442 : vector<16xi32>
        %gather3A_444 = tpu.vector_load_idx %arg7[%add3A_443] : memref<256xf32, #tpu.memory_space<vmem>>[vector<16xi32>], vector<16xf32>,
        %mul3A_445 = arith.constant 16 : i32
        %mul3A_446 = arith.muli %scan3A_429, %mul3A_445 : i32
        %add3A_447 = vector.broadcast %mul3A_446 : i32 to vector<16xi32>
        %add3A_448 = arith.addi %iota3A, %add3A_447 : vector<16xi32>
        %broadcast_in_dim3A_449 = arith.constant 0 : i32
        %broadcast_in_dim3A_450 = vector.broadcast %broadcast_in_dim3A_449 : i32 to vector<16xi32>
        tpu.vector_store_idx %arg30[%add3A_448, %broadcast_in_dim3A_450], %gather3A_440 : memref<128x8xf32, #tpu.memory_space<vmem>>[vector<16xi32>, vector<16xi32>], vector<16xf32>,
        %mul3A_451 = arith.constant 8 : i32
        %mul3A_452 = vector.broadcast %mul3A_451 : i32 to vector<16xi32>
        %mul3A_453 = arith.muli %iota3A, %mul3A_452 : vector<16xi32>
        %mul3A_454 = arith.constant 16 : i32
        %mul3A_455 = arith.muli %scan3A_429, %mul3A_454 : i32
        %mul3A_456 = arith.constant 8 : i32
        %mul3A_457 = arith.muli %mul3A_455, %mul3A_456 : i32
        %add3A_458 = arith.constant 0 : i32
        %add3A_459 = arith.addi %mul3A_457, %add3A_458 : i32
        %add3A_460 = vector.broadcast %add3A_459 : i32 to vector<16xi32>
        %add3A_461 = arith.addi %mul3A_453, %add3A_460 : vector<16xi32>
        %bitcast3A_462 = vector.bitcast %gather3A_444 : vector<16xf32> to vector<16xi32>
        tpu.vector_store_idx %arg24[%add3A_461], %bitcast3A_462 : memref<1024xi32, #tpu.memory_space<vmem>>[vector<16xi32>], vector<16xi32>,
        %add3A_463 = arith.constant 1 : i32
        %add3A_464 = vector.broadcast %add3A_463 : i32 to vector<16xi32>
        %add3A_465 = arith.addi %mul3A_436, %add3A_464 : vector<16xi32>
        %gather3A_466 = tpu.vector_load_idx %arg7[%add3A_465] : memref<256xf32, #tpu.memory_space<vmem>>[vector<16xi32>], vector<16xf32>,
        %add3A_467 = arith.constant 9 : i32
        %add3A_468 = vector.broadcast %add3A_467 : i32 to vector<16xi32>
        %add3A_469 = arith.addi %mul3A_436, %add3A_468 : vector<16xi32>
        %gather3A_470 = tpu.vector_load_idx %arg7[%add3A_469] : memref<256xf32, #tpu.memory_space<vmem>>[vector<16xi32>], vector<16xf32>,
        %mul3A_471 = arith.constant 16 : i32
        %mul3A_472 = arith.muli %scan3A_429, %mul3A_471 : i32
        %add3A_473 = vector.broadcast %mul3A_472 : i32 to vector<16xi32>
        %add3A_474 = arith.addi %iota3A, %add3A_473 : vector<16xi32>
        %broadcast_in_dim3A_475 = arith.constant 1 : i32
        %broadcast_in_dim3A_476 = vector.broadcast %broadcast_in_dim3A_475 : i32 to vector<16xi32>
        tpu.vector_store_idx %arg30[%add3A_474, %broadcast_in_dim3A_476], %gather3A_466 : memref<128x8xf32, #tpu.memory_space<vmem>>[vector<16xi32>, vector<16xi32>], vector<16xf32>,
        %mul3A_477 = arith.constant 8 : i32
        %mul3A_478 = vector.broadcast %mul3A_477 : i32 to vector<16xi32>
        %mul3A_479 = arith.muli %iota3A, %mul3A_478 : vector<16xi32>
        %mul3A_480 = arith.constant 16 : i32
        %mul3A_481 = arith.muli %scan3A_429, %mul3A_480 : i32
        %mul3A_482 = arith.constant 8 : i32
        %mul3A_483 = arith.muli %mul3A_481, %mul3A_482 : i32
        %add3A_484 = arith.constant 1 : i32
        %add3A_485 = arith.addi %mul3A_483, %add3A_484 : i32
        %add3A_486 = vector.broadcast %add3A_485 : i32 to vector<16xi32>
        %add3A_487 = arith.addi %mul3A_479, %add3A_486 : vector<16xi32>
        %bitcast3A_488 = vector.bitcast %gather3A_470 : vector<16xf32> to vector<16xi32>
        tpu.vector_store_idx %arg24[%add3A_487], %bitcast3A_488 : memref<1024xi32, #tpu.memory_space<vmem>>[vector<16xi32>], vector<16xi32>,
        %add3A_489 = arith.constant 2 : i32
        %add3A_490 = vector.broadcast %add3A_489 : i32 to vector<16xi32>
        %add3A_491 = arith.addi %mul3A_436, %add3A_490 : vector<16xi32>
        %gather3A_492 = tpu.vector_load_idx %arg7[%add3A_491] : memref<256xf32, #tpu.memory_space<vmem>>[vector<16xi32>], vector<16xf32>,
        %add3A_493 = arith.constant 10 : i32
        %add3A_494 = vector.broadcast %add3A_493 : i32 to vector<16xi32>
        %add3A_495 = arith.addi %mul3A_436, %add3A_494 : vector<16xi32>
        %gather3A_496 = tpu.vector_load_idx %arg7[%add3A_495] : memref<256xf32, #tpu.memory_space<vmem>>[vector<16xi32>], vector<16xf32>,
        %mul3A_497 = arith.constant 16 : i32
        %mul3A_498 = arith.muli %scan3A_429, %mul3A_497 : i32
        %add3A_499 = vector.broadcast %mul3A_498 : i32 to vector<16xi32>
        %add3A_500 = arith.addi %iota3A, %add3A_499 : vector<16xi32>
        %broadcast_in_dim3A_501 = arith.constant 2 : i32
        %broadcast_in_dim3A_502 = vector.broadcast %broadcast_in_dim3A_501 : i32 to vector<16xi32>
        tpu.vector_store_idx %arg30[%add3A_500, %broadcast_in_dim3A_502], %gather3A_492 : memref<128x8xf32, #tpu.memory_space<vmem>>[vector<16xi32>, vector<16xi32>], vector<16xf32>,
        %mul3A_503 = arith.constant 8 : i32
        %mul3A_504 = vector.broadcast %mul3A_503 : i32 to vector<16xi32>
        %mul3A_505 = arith.muli %iota3A, %mul3A_504 : vector<16xi32>
        %mul3A_506 = arith.constant 16 : i32
        %mul3A_507 = arith.muli %scan3A_429, %mul3A_506 : i32
        %mul3A_508 = arith.constant 8 : i32
        %mul3A_509 = arith.muli %mul3A_507, %mul3A_508 : i32
        %add3A_510 = arith.constant 2 : i32
        %add3A_511 = arith.addi %mul3A_509, %add3A_510 : i32
        %add3A_512 = vector.broadcast %add3A_511 : i32 to vector<16xi32>
        %add3A_513 = arith.addi %mul3A_505, %add3A_512 : vector<16xi32>
        %bitcast3A_514 = vector.bitcast %gather3A_496 : vector<16xf32> to vector<16xi32>
        tpu.vector_store_idx %arg24[%add3A_513], %bitcast3A_514 : memref<1024xi32, #tpu.memory_space<vmem>>[vector<16xi32>], vector<16xi32>,
        %add3A_515 = arith.constant 3 : i32
        %add3A_516 = vector.broadcast %add3A_515 : i32 to vector<16xi32>
        %add3A_517 = arith.addi %mul3A_436, %add3A_516 : vector<16xi32>
        %gather3A_518 = tpu.vector_load_idx %arg7[%add3A_517] : memref<256xf32, #tpu.memory_space<vmem>>[vector<16xi32>], vector<16xf32>,
        %add3A_519 = arith.constant 11 : i32
        %add3A_520 = vector.broadcast %add3A_519 : i32 to vector<16xi32>
        %add3A_521 = arith.addi %mul3A_436, %add3A_520 : vector<16xi32>
        %gather3A_522 = tpu.vector_load_idx %arg7[%add3A_521] : memref<256xf32, #tpu.memory_space<vmem>>[vector<16xi32>], vector<16xf32>,
        %mul3A_523 = arith.constant 16 : i32
        %mul3A_524 = arith.muli %scan3A_429, %mul3A_523 : i32
        %add3A_525 = vector.broadcast %mul3A_524 : i32 to vector<16xi32>
        %add3A_526 = arith.addi %iota3A, %add3A_525 : vector<16xi32>
        %broadcast_in_dim3A_527 = arith.constant 3 : i32
        %broadcast_in_dim3A_528 = vector.broadcast %broadcast_in_dim3A_527 : i32 to vector<16xi32>
        tpu.vector_store_idx %arg30[%add3A_526, %broadcast_in_dim3A_528], %gather3A_518 : memref<128x8xf32, #tpu.memory_space<vmem>>[vector<16xi32>, vector<16xi32>], vector<16xf32>,
        %mul3A_529 = arith.constant 8 : i32
        %mul3A_530 = vector.broadcast %mul3A_529 : i32 to vector<16xi32>
        %mul3A_531 = arith.muli %iota3A, %mul3A_530 : vector<16xi32>
        %mul3A_532 = arith.constant 16 : i32
        %mul3A_533 = arith.muli %scan3A_429, %mul3A_532 : i32
        %mul3A_534 = arith.constant 8 : i32
        %mul3A_535 = arith.muli %mul3A_533, %mul3A_534 : i32
        %add3A_536 = arith.constant 3 : i32
        %add3A_537 = arith.addi %mul3A_535, %add3A_536 : i32
        %add3A_538 = vector.broadcast %add3A_537 : i32 to vector<16xi32>
        %add3A_539 = arith.addi %mul3A_531, %add3A_538 : vector<16xi32>
        %bitcast3A_540 = vector.bitcast %gather3A_522 : vector<16xf32> to vector<16xi32>
        tpu.vector_store_idx %arg24[%add3A_539], %bitcast3A_540 : memref<1024xi32, #tpu.memory_space<vmem>>[vector<16xi32>], vector<16xi32>,
        %add3A_541 = arith.constant 4 : i32
        %add3A_542 = vector.broadcast %add3A_541 : i32 to vector<16xi32>
        %add3A_543 = arith.addi %mul3A_436, %add3A_542 : vector<16xi32>
        %gather3A_544 = tpu.vector_load_idx %arg7[%add3A_543] : memref<256xf32, #tpu.memory_space<vmem>>[vector<16xi32>], vector<16xf32>,
        %add3A_545 = arith.constant 12 : i32
        %add3A_546 = vector.broadcast %add3A_545 : i32 to vector<16xi32>
        %add3A_547 = arith.addi %mul3A_436, %add3A_546 : vector<16xi32>
        %gather3A_548 = tpu.vector_load_idx %arg7[%add3A_547] : memref<256xf32, #tpu.memory_space<vmem>>[vector<16xi32>], vector<16xf32>,
        %mul3A_549 = arith.constant 16 : i32
        %mul3A_550 = arith.muli %scan3A_429, %mul3A_549 : i32
        %add3A_551 = vector.broadcast %mul3A_550 : i32 to vector<16xi32>
        %add3A_552 = arith.addi %iota3A, %add3A_551 : vector<16xi32>
        %broadcast_in_dim3A_553 = arith.constant 4 : i32
        %broadcast_in_dim3A_554 = vector.broadcast %broadcast_in_dim3A_553 : i32 to vector<16xi32>
        tpu.vector_store_idx %arg30[%add3A_552, %broadcast_in_dim3A_554], %gather3A_544 : memref<128x8xf32, #tpu.memory_space<vmem>>[vector<16xi32>, vector<16xi32>], vector<16xf32>,
        %mul3A_555 = arith.constant 8 : i32
        %mul3A_556 = vector.broadcast %mul3A_555 : i32 to vector<16xi32>
        %mul3A_557 = arith.muli %iota3A, %mul3A_556 : vector<16xi32>
        %mul3A_558 = arith.constant 16 : i32
        %mul3A_559 = arith.muli %scan3A_429, %mul3A_558 : i32
        %mul3A_560 = arith.constant 8 : i32
        %mul3A_561 = arith.muli %mul3A_559, %mul3A_560 : i32
        %add3A_562 = arith.constant 4 : i32
        %add3A_563 = arith.addi %mul3A_561, %add3A_562 : i32
        %add3A_564 = vector.broadcast %add3A_563 : i32 to vector<16xi32>
        %add3A_565 = arith.addi %mul3A_557, %add3A_564 : vector<16xi32>
        %bitcast3A_566 = vector.bitcast %gather3A_548 : vector<16xf32> to vector<16xi32>
        tpu.vector_store_idx %arg24[%add3A_565], %bitcast3A_566 : memref<1024xi32, #tpu.memory_space<vmem>>[vector<16xi32>], vector<16xi32>,
        %add3A_567 = arith.constant 5 : i32
        %add3A_568 = vector.broadcast %add3A_567 : i32 to vector<16xi32>
        %add3A_569 = arith.addi %mul3A_436, %add3A_568 : vector<16xi32>
        %gather3A_570 = tpu.vector_load_idx %arg7[%add3A_569] : memref<256xf32, #tpu.memory_space<vmem>>[vector<16xi32>], vector<16xf32>,
        %add3A_571 = arith.constant 13 : i32
        %add3A_572 = vector.broadcast %add3A_571 : i32 to vector<16xi32>
        %add3A_573 = arith.addi %mul3A_436, %add3A_572 : vector<16xi32>
        %gather3A_574 = tpu.vector_load_idx %arg7[%add3A_573] : memref<256xf32, #tpu.memory_space<vmem>>[vector<16xi32>], vector<16xf32>,
        %mul3A_575 = arith.constant 16 : i32
        %mul3A_576 = arith.muli %scan3A_429, %mul3A_575 : i32
        %add3A_577 = vector.broadcast %mul3A_576 : i32 to vector<16xi32>
        %add3A_578 = arith.addi %iota3A, %add3A_577 : vector<16xi32>
        %broadcast_in_dim3A_579 = arith.constant 5 : i32
        %broadcast_in_dim3A_580 = vector.broadcast %broadcast_in_dim3A_579 : i32 to vector<16xi32>
        tpu.vector_store_idx %arg30[%add3A_578, %broadcast_in_dim3A_580], %gather3A_570 : memref<128x8xf32, #tpu.memory_space<vmem>>[vector<16xi32>, vector<16xi32>], vector<16xf32>,
        %mul3A_581 = arith.constant 8 : i32
        %mul3A_582 = vector.broadcast %mul3A_581 : i32 to vector<16xi32>
        %mul3A_583 = arith.muli %iota3A, %mul3A_582 : vector<16xi32>
        %mul3A_584 = arith.constant 16 : i32
        %mul3A_585 = arith.muli %scan3A_429, %mul3A_584 : i32
        %mul3A_586 = arith.constant 8 : i32
        %mul3A_587 = arith.muli %mul3A_585, %mul3A_586 : i32
        %add3A_588 = arith.constant 5 : i32
        %add3A_589 = arith.addi %mul3A_587, %add3A_588 : i32
        %add3A_590 = vector.broadcast %add3A_589 : i32 to vector<16xi32>
        %add3A_591 = arith.addi %mul3A_583, %add3A_590 : vector<16xi32>
        %bitcast3A_592 = vector.bitcast %gather3A_574 : vector<16xf32> to vector<16xi32>
        tpu.vector_store_idx %arg24[%add3A_591], %bitcast3A_592 : memref<1024xi32, #tpu.memory_space<vmem>>[vector<16xi32>], vector<16xi32>,
        %add3A_593 = arith.constant 6 : i32
        %add3A_594 = vector.broadcast %add3A_593 : i32 to vector<16xi32>
        %add3A_595 = arith.addi %mul3A_436, %add3A_594 : vector<16xi32>
        %gather3A_596 = tpu.vector_load_idx %arg7[%add3A_595] : memref<256xf32, #tpu.memory_space<vmem>>[vector<16xi32>], vector<16xf32>,
        %add3A_597 = arith.constant 14 : i32
        %add3A_598 = vector.broadcast %add3A_597 : i32 to vector<16xi32>
        %add3A_599 = arith.addi %mul3A_436, %add3A_598 : vector<16xi32>
        %gather3A_600 = tpu.vector_load_idx %arg7[%add3A_599] : memref<256xf32, #tpu.memory_space<vmem>>[vector<16xi32>], vector<16xf32>,
        %mul3A_601 = arith.constant 16 : i32
        %mul3A_602 = arith.muli %scan3A_429, %mul3A_601 : i32
        %add3A_603 = vector.broadcast %mul3A_602 : i32 to vector<16xi32>
        %add3A_604 = arith.addi %iota3A, %add3A_603 : vector<16xi32>
        %broadcast_in_dim3A_605 = arith.constant 6 : i32
        %broadcast_in_dim3A_606 = vector.broadcast %broadcast_in_dim3A_605 : i32 to vector<16xi32>
        tpu.vector_store_idx %arg30[%add3A_604, %broadcast_in_dim3A_606], %gather3A_596 : memref<128x8xf32, #tpu.memory_space<vmem>>[vector<16xi32>, vector<16xi32>], vector<16xf32>,
        %mul3A_607 = arith.constant 8 : i32
        %mul3A_608 = vector.broadcast %mul3A_607 : i32 to vector<16xi32>
        %mul3A_609 = arith.muli %iota3A, %mul3A_608 : vector<16xi32>
        %mul3A_610 = arith.constant 16 : i32
        %mul3A_611 = arith.muli %scan3A_429, %mul3A_610 : i32
        %mul3A_612 = arith.constant 8 : i32
        %mul3A_613 = arith.muli %mul3A_611, %mul3A_612 : i32
        %add3A_614 = arith.constant 6 : i32
        %add3A_615 = arith.addi %mul3A_613, %add3A_614 : i32
        %add3A_616 = vector.broadcast %add3A_615 : i32 to vector<16xi32>
        %add3A_617 = arith.addi %mul3A_609, %add3A_616 : vector<16xi32>
        %bitcast3A_618 = vector.bitcast %gather3A_600 : vector<16xf32> to vector<16xi32>
        tpu.vector_store_idx %arg24[%add3A_617], %bitcast3A_618 : memref<1024xi32, #tpu.memory_space<vmem>>[vector<16xi32>], vector<16xi32>,
        %add3A_619 = arith.constant 7 : i32
        %add3A_620 = vector.broadcast %add3A_619 : i32 to vector<16xi32>
        %add3A_621 = arith.addi %mul3A_436, %add3A_620 : vector<16xi32>
        %gather3A_622 = tpu.vector_load_idx %arg7[%add3A_621] : memref<256xf32, #tpu.memory_space<vmem>>[vector<16xi32>], vector<16xf32>,
        %add3A_623 = arith.constant 15 : i32
        %add3A_624 = vector.broadcast %add3A_623 : i32 to vector<16xi32>
        %add3A_625 = arith.addi %mul3A_436, %add3A_624 : vector<16xi32>
        %gather3A_626 = tpu.vector_load_idx %arg7[%add3A_625] : memref<256xf32, #tpu.memory_space<vmem>>[vector<16xi32>], vector<16xf32>,
        %mul3A_627 = arith.constant 16 : i32
        %mul3A_628 = arith.muli %scan3A_429, %mul3A_627 : i32
        %add3A_629 = vector.broadcast %mul3A_628 : i32 to vector<16xi32>
        %add3A_630 = arith.addi %iota3A, %add3A_629 : vector<16xi32>
        %broadcast_in_dim3A_631 = arith.constant 7 : i32
        %broadcast_in_dim3A_632 = vector.broadcast %broadcast_in_dim3A_631 : i32 to vector<16xi32>
        tpu.vector_store_idx %arg30[%add3A_630, %broadcast_in_dim3A_632], %gather3A_622 : memref<128x8xf32, #tpu.memory_space<vmem>>[vector<16xi32>, vector<16xi32>], vector<16xf32>,
        %mul3A_633 = arith.constant 8 : i32
        %mul3A_634 = vector.broadcast %mul3A_633 : i32 to vector<16xi32>
        %mul3A_635 = arith.muli %iota3A, %mul3A_634 : vector<16xi32>
        %mul3A_636 = arith.constant 16 : i32
        %mul3A_637 = arith.muli %scan3A_429, %mul3A_636 : i32
        %mul3A_638 = arith.constant 8 : i32
        %mul3A_639 = arith.muli %mul3A_637, %mul3A_638 : i32
        %add3A_640 = arith.constant 7 : i32
        %add3A_641 = arith.addi %mul3A_639, %add3A_640 : i32
        %add3A_642 = vector.broadcast %add3A_641 : i32 to vector<16xi32>
        %add3A_643 = arith.addi %mul3A_635, %add3A_642 : vector<16xi32>
        %bitcast3A_644 = vector.bitcast %gather3A_626 : vector<16xf32> to vector<16xi32>
        tpu.vector_store_idx %arg24[%add3A_643], %bitcast3A_644 : memref<1024xi32, #tpu.memory_space<vmem>>[vector<16xi32>], vector<16xi32>,
      }
      %scan3A_326 = arith.constant 8 : i32
      %scan3A_327 = arith.constant 0 : i32
      %scan3A_328 = arith.constant 0 : i32
      %scan3A_329 = arith.constant 8 : i32
      %scan3A_330 = arith.addi %scan3A_328, %scan3A_329 : i32
      %scan3A_331 = arith.constant 1 : i32
      scf.for %scan3A_429 = %scan3A_328 to %scan3A_330 step %scan3A_331  : i32 {
        %mul3A_430 = arith.constant 16 : i32
        %mul3A_431 = arith.muli %scan3A_429, %mul3A_430 : i32
        %get3A_432 = arith.index_cast %mul3A_431 : i32 to index
        %get3A_433 = tpu.vector_load %arg13[%get3A_432] {strides = array<i32>} : memref<128xi32, #tpu.memory_space<vmem>>, vector<16xi32>,
        %mul3A_434 = arith.constant 16 : i32
        %mul3A_435 = vector.broadcast %mul3A_434 : i32 to vector<16xi32>
        %mul3A_436 = arith.muli %get3A_433, %mul3A_435 : vector<16xi32>
        %add3A_437 = arith.constant 0 : i32
        %add3A_438 = vector.broadcast %add3A_437 : i32 to vector<16xi32>
        %add3A_439 = arith.addi %mul3A_436, %add3A_438 : vector<16xi32>
        %gather3A_440 = tpu.vector_load_idx %arg7[%add3A_439] : memref<256xf32, #tpu.memory_space<vmem>>[vector<16xi32>], vector<16xf32>,
        %add3A_441 = arith.constant 8 : i32
        %add3A_442 = vector.broadcast %add3A_441 : i32 to vector<16xi32>
        %add3A_443 = arith.addi %mul3A_436, %add3A_442 : vector<16xi32>
        %gather3A_444 = tpu.vector_load_idx %arg7[%add3A_443] : memref<256xf32, #tpu.memory_space<vmem>>[vector<16xi32>], vector<16xf32>,
        %mul3A_445 = arith.constant 16 : i32
        %mul3A_446 = arith.muli %scan3A_429, %mul3A_445 : i32
        %add3A_447 = vector.broadcast %mul3A_446 : i32 to vector<16xi32>
        %add3A_448 = arith.addi %iota3A, %add3A_447 : vector<16xi32>
        %broadcast_in_dim3A_449 = arith.constant 0 : i32
        %broadcast_in_dim3A_450 = vector.broadcast %broadcast_in_dim3A_449 : i32 to vector<16xi32>
        tpu.vector_store_idx %arg31[%add3A_448, %broadcast_in_dim3A_450], %gather3A_440 : memref<128x8xf32, #tpu.memory_space<vmem>>[vector<16xi32>, vector<16xi32>], vector<16xf32>,
        %mul3A_451 = arith.constant 8 : i32
        %mul3A_452 = vector.broadcast %mul3A_451 : i32 to vector<16xi32>
        %mul3A_453 = arith.muli %iota3A, %mul3A_452 : vector<16xi32>
        %mul3A_454 = arith.constant 16 : i32
        %mul3A_455 = arith.muli %scan3A_429, %mul3A_454 : i32
        %mul3A_456 = arith.constant 8 : i32
        %mul3A_457 = arith.muli %mul3A_455, %mul3A_456 : i32
        %add3A_458 = arith.constant 0 : i32
        %add3A_459 = arith.addi %mul3A_457, %add3A_458 : i32
        %add3A_460 = vector.broadcast %add3A_459 : i32 to vector<16xi32>
        %add3A_461 = arith.addi %mul3A_453, %add3A_460 : vector<16xi32>
        %bitcast3A_462 = vector.bitcast %gather3A_444 : vector<16xf32> to vector<16xi32>
        tpu.vector_store_idx %arg25[%add3A_461], %bitcast3A_462 : memref<1024xi32, #tpu.memory_space<vmem>>[vector<16xi32>], vector<16xi32>,
        %add3A_463 = arith.constant 1 : i32
        %add3A_464 = vector.broadcast %add3A_463 : i32 to vector<16xi32>
        %add3A_465 = arith.addi %mul3A_436, %add3A_464 : vector<16xi32>
        %gather3A_466 = tpu.vector_load_idx %arg7[%add3A_465] : memref<256xf32, #tpu.memory_space<vmem>>[vector<16xi32>], vector<16xf32>,
        %add3A_467 = arith.constant 9 : i32
        %add3A_468 = vector.broadcast %add3A_467 : i32 to vector<16xi32>
        %add3A_469 = arith.addi %mul3A_436, %add3A_468 : vector<16xi32>
        %gather3A_470 = tpu.vector_load_idx %arg7[%add3A_469] : memref<256xf32, #tpu.memory_space<vmem>>[vector<16xi32>], vector<16xf32>,
        %mul3A_471 = arith.constant 16 : i32
        %mul3A_472 = arith.muli %scan3A_429, %mul3A_471 : i32
        %add3A_473 = vector.broadcast %mul3A_472 : i32 to vector<16xi32>
        %add3A_474 = arith.addi %iota3A, %add3A_473 : vector<16xi32>
        %broadcast_in_dim3A_475 = arith.constant 1 : i32
        %broadcast_in_dim3A_476 = vector.broadcast %broadcast_in_dim3A_475 : i32 to vector<16xi32>
        tpu.vector_store_idx %arg31[%add3A_474, %broadcast_in_dim3A_476], %gather3A_466 : memref<128x8xf32, #tpu.memory_space<vmem>>[vector<16xi32>, vector<16xi32>], vector<16xf32>,
        %mul3A_477 = arith.constant 8 : i32
        %mul3A_478 = vector.broadcast %mul3A_477 : i32 to vector<16xi32>
        %mul3A_479 = arith.muli %iota3A, %mul3A_478 : vector<16xi32>
        %mul3A_480 = arith.constant 16 : i32
        %mul3A_481 = arith.muli %scan3A_429, %mul3A_480 : i32
        %mul3A_482 = arith.constant 8 : i32
        %mul3A_483 = arith.muli %mul3A_481, %mul3A_482 : i32
        %add3A_484 = arith.constant 1 : i32
        %add3A_485 = arith.addi %mul3A_483, %add3A_484 : i32
        %add3A_486 = vector.broadcast %add3A_485 : i32 to vector<16xi32>
        %add3A_487 = arith.addi %mul3A_479, %add3A_486 : vector<16xi32>
        %bitcast3A_488 = vector.bitcast %gather3A_470 : vector<16xf32> to vector<16xi32>
        tpu.vector_store_idx %arg25[%add3A_487], %bitcast3A_488 : memref<1024xi32, #tpu.memory_space<vmem>>[vector<16xi32>], vector<16xi32>,
        %add3A_489 = arith.constant 2 : i32
        %add3A_490 = vector.broadcast %add3A_489 : i32 to vector<16xi32>
        %add3A_491 = arith.addi %mul3A_436, %add3A_490 : vector<16xi32>
        %gather3A_492 = tpu.vector_load_idx %arg7[%add3A_491] : memref<256xf32, #tpu.memory_space<vmem>>[vector<16xi32>], vector<16xf32>,
        %add3A_493 = arith.constant 10 : i32
        %add3A_494 = vector.broadcast %add3A_493 : i32 to vector<16xi32>
        %add3A_495 = arith.addi %mul3A_436, %add3A_494 : vector<16xi32>
        %gather3A_496 = tpu.vector_load_idx %arg7[%add3A_495] : memref<256xf32, #tpu.memory_space<vmem>>[vector<16xi32>], vector<16xf32>,
        %mul3A_497 = arith.constant 16 : i32
        %mul3A_498 = arith.muli %scan3A_429, %mul3A_497 : i32
        %add3A_499 = vector.broadcast %mul3A_498 : i32 to vector<16xi32>
        %add3A_500 = arith.addi %iota3A, %add3A_499 : vector<16xi32>
        %broadcast_in_dim3A_501 = arith.constant 2 : i32
        %broadcast_in_dim3A_502 = vector.broadcast %broadcast_in_dim3A_501 : i32 to vector<16xi32>
        tpu.vector_store_idx %arg31[%add3A_500, %broadcast_in_dim3A_502], %gather3A_492 : memref<128x8xf32, #tpu.memory_space<vmem>>[vector<16xi32>, vector<16xi32>], vector<16xf32>,
        %mul3A_503 = arith.constant 8 : i32
        %mul3A_504 = vector.broadcast %mul3A_503 : i32 to vector<16xi32>
        %mul3A_505 = arith.muli %iota3A, %mul3A_504 : vector<16xi32>
        %mul3A_506 = arith.constant 16 : i32
        %mul3A_507 = arith.muli %scan3A_429, %mul3A_506 : i32
        %mul3A_508 = arith.constant 8 : i32
        %mul3A_509 = arith.muli %mul3A_507, %mul3A_508 : i32
        %add3A_510 = arith.constant 2 : i32
        %add3A_511 = arith.addi %mul3A_509, %add3A_510 : i32
        %add3A_512 = vector.broadcast %add3A_511 : i32 to vector<16xi32>
        %add3A_513 = arith.addi %mul3A_505, %add3A_512 : vector<16xi32>
        %bitcast3A_514 = vector.bitcast %gather3A_496 : vector<16xf32> to vector<16xi32>
        tpu.vector_store_idx %arg25[%add3A_513], %bitcast3A_514 : memref<1024xi32, #tpu.memory_space<vmem>>[vector<16xi32>], vector<16xi32>,
        %add3A_515 = arith.constant 3 : i32
        %add3A_516 = vector.broadcast %add3A_515 : i32 to vector<16xi32>
        %add3A_517 = arith.addi %mul3A_436, %add3A_516 : vector<16xi32>
        %gather3A_518 = tpu.vector_load_idx %arg7[%add3A_517] : memref<256xf32, #tpu.memory_space<vmem>>[vector<16xi32>], vector<16xf32>,
        %add3A_519 = arith.constant 11 : i32
        %add3A_520 = vector.broadcast %add3A_519 : i32 to vector<16xi32>
        %add3A_521 = arith.addi %mul3A_436, %add3A_520 : vector<16xi32>
        %gather3A_522 = tpu.vector_load_idx %arg7[%add3A_521] : memref<256xf32, #tpu.memory_space<vmem>>[vector<16xi32>], vector<16xf32>,
        %mul3A_523 = arith.constant 16 : i32
        %mul3A_524 = arith.muli %scan3A_429, %mul3A_523 : i32
        %add3A_525 = vector.broadcast %mul3A_524 : i32 to vector<16xi32>
        %add3A_526 = arith.addi %iota3A, %add3A_525 : vector<16xi32>
        %broadcast_in_dim3A_527 = arith.constant 3 : i32
        %broadcast_in_dim3A_528 = vector.broadcast %broadcast_in_dim3A_527 : i32 to vector<16xi32>
        tpu.vector_store_idx %arg31[%add3A_526, %broadcast_in_dim3A_528], %gather3A_518 : memref<128x8xf32, #tpu.memory_space<vmem>>[vector<16xi32>, vector<16xi32>], vector<16xf32>,
        %mul3A_529 = arith.constant 8 : i32
        %mul3A_530 = vector.broadcast %mul3A_529 : i32 to vector<16xi32>
        %mul3A_531 = arith.muli %iota3A, %mul3A_530 : vector<16xi32>
        %mul3A_532 = arith.constant 16 : i32
        %mul3A_533 = arith.muli %scan3A_429, %mul3A_532 : i32
        %mul3A_534 = arith.constant 8 : i32
        %mul3A_535 = arith.muli %mul3A_533, %mul3A_534 : i32
        %add3A_536 = arith.constant 3 : i32
        %add3A_537 = arith.addi %mul3A_535, %add3A_536 : i32
        %add3A_538 = vector.broadcast %add3A_537 : i32 to vector<16xi32>
        %add3A_539 = arith.addi %mul3A_531, %add3A_538 : vector<16xi32>
        %bitcast3A_540 = vector.bitcast %gather3A_522 : vector<16xf32> to vector<16xi32>
        tpu.vector_store_idx %arg25[%add3A_539], %bitcast3A_540 : memref<1024xi32, #tpu.memory_space<vmem>>[vector<16xi32>], vector<16xi32>,
        %add3A_541 = arith.constant 4 : i32
        %add3A_542 = vector.broadcast %add3A_541 : i32 to vector<16xi32>
        %add3A_543 = arith.addi %mul3A_436, %add3A_542 : vector<16xi32>
        %gather3A_544 = tpu.vector_load_idx %arg7[%add3A_543] : memref<256xf32, #tpu.memory_space<vmem>>[vector<16xi32>], vector<16xf32>,
        %add3A_545 = arith.constant 12 : i32
        %add3A_546 = vector.broadcast %add3A_545 : i32 to vector<16xi32>
        %add3A_547 = arith.addi %mul3A_436, %add3A_546 : vector<16xi32>
        %gather3A_548 = tpu.vector_load_idx %arg7[%add3A_547] : memref<256xf32, #tpu.memory_space<vmem>>[vector<16xi32>], vector<16xf32>,
        %mul3A_549 = arith.constant 16 : i32
        %mul3A_550 = arith.muli %scan3A_429, %mul3A_549 : i32
        %add3A_551 = vector.broadcast %mul3A_550 : i32 to vector<16xi32>
        %add3A_552 = arith.addi %iota3A, %add3A_551 : vector<16xi32>
        %broadcast_in_dim3A_553 = arith.constant 4 : i32
        %broadcast_in_dim3A_554 = vector.broadcast %broadcast_in_dim3A_553 : i32 to vector<16xi32>
        tpu.vector_store_idx %arg31[%add3A_552, %broadcast_in_dim3A_554], %gather3A_544 : memref<128x8xf32, #tpu.memory_space<vmem>>[vector<16xi32>, vector<16xi32>], vector<16xf32>,
        %mul3A_555 = arith.constant 8 : i32
        %mul3A_556 = vector.broadcast %mul3A_555 : i32 to vector<16xi32>
        %mul3A_557 = arith.muli %iota3A, %mul3A_556 : vector<16xi32>
        %mul3A_558 = arith.constant 16 : i32
        %mul3A_559 = arith.muli %scan3A_429, %mul3A_558 : i32
        %mul3A_560 = arith.constant 8 : i32
        %mul3A_561 = arith.muli %mul3A_559, %mul3A_560 : i32
        %add3A_562 = arith.constant 4 : i32
        %add3A_563 = arith.addi %mul3A_561, %add3A_562 : i32
        %add3A_564 = vector.broadcast %add3A_563 : i32 to vector<16xi32>
        %add3A_565 = arith.addi %mul3A_557, %add3A_564 : vector<16xi32>
        %bitcast3A_566 = vector.bitcast %gather3A_548 : vector<16xf32> to vector<16xi32>
        tpu.vector_store_idx %arg25[%add3A_565], %bitcast3A_566 : memref<1024xi32, #tpu.memory_space<vmem>>[vector<16xi32>], vector<16xi32>,
        %add3A_567 = arith.constant 5 : i32
        %add3A_568 = vector.broadcast %add3A_567 : i32 to vector<16xi32>
        %add3A_569 = arith.addi %mul3A_436, %add3A_568 : vector<16xi32>
        %gather3A_570 = tpu.vector_load_idx %arg7[%add3A_569] : memref<256xf32, #tpu.memory_space<vmem>>[vector<16xi32>], vector<16xf32>,
        %add3A_571 = arith.constant 13 : i32
        %add3A_572 = vector.broadcast %add3A_571 : i32 to vector<16xi32>
        %add3A_573 = arith.addi %mul3A_436, %add3A_572 : vector<16xi32>
        %gather3A_574 = tpu.vector_load_idx %arg7[%add3A_573] : memref<256xf32, #tpu.memory_space<vmem>>[vector<16xi32>], vector<16xf32>,
        %mul3A_575 = arith.constant 16 : i32
        %mul3A_576 = arith.muli %scan3A_429, %mul3A_575 : i32
        %add3A_577 = vector.broadcast %mul3A_576 : i32 to vector<16xi32>
        %add3A_578 = arith.addi %iota3A, %add3A_577 : vector<16xi32>
        %broadcast_in_dim3A_579 = arith.constant 5 : i32
        %broadcast_in_dim3A_580 = vector.broadcast %broadcast_in_dim3A_579 : i32 to vector<16xi32>
        tpu.vector_store_idx %arg31[%add3A_578, %broadcast_in_dim3A_580], %gather3A_570 : memref<128x8xf32, #tpu.memory_space<vmem>>[vector<16xi32>, vector<16xi32>], vector<16xf32>,
        %mul3A_581 = arith.constant 8 : i32
        %mul3A_582 = vector.broadcast %mul3A_581 : i32 to vector<16xi32>
        %mul3A_583 = arith.muli %iota3A, %mul3A_582 : vector<16xi32>
        %mul3A_584 = arith.constant 16 : i32
        %mul3A_585 = arith.muli %scan3A_429, %mul3A_584 : i32
        %mul3A_586 = arith.constant 8 : i32
        %mul3A_587 = arith.muli %mul3A_585, %mul3A_586 : i32
        %add3A_588 = arith.constant 5 : i32
        %add3A_589 = arith.addi %mul3A_587, %add3A_588 : i32
        %add3A_590 = vector.broadcast %add3A_589 : i32 to vector<16xi32>
        %add3A_591 = arith.addi %mul3A_583, %add3A_590 : vector<16xi32>
        %bitcast3A_592 = vector.bitcast %gather3A_574 : vector<16xf32> to vector<16xi32>
        tpu.vector_store_idx %arg25[%add3A_591], %bitcast3A_592 : memref<1024xi32, #tpu.memory_space<vmem>>[vector<16xi32>], vector<16xi32>,
        %add3A_593 = arith.constant 6 : i32
        %add3A_594 = vector.broadcast %add3A_593 : i32 to vector<16xi32>
        %add3A_595 = arith.addi %mul3A_436, %add3A_594 : vector<16xi32>
        %gather3A_596 = tpu.vector_load_idx %arg7[%add3A_595] : memref<256xf32, #tpu.memory_space<vmem>>[vector<16xi32>], vector<16xf32>,
        %add3A_597 = arith.constant 14 : i32
        %add3A_598 = vector.broadcast %add3A_597 : i32 to vector<16xi32>
        %add3A_599 = arith.addi %mul3A_436, %add3A_598 : vector<16xi32>
        %gather3A_600 = tpu.vector_load_idx %arg7[%add3A_599] : memref<256xf32, #tpu.memory_space<vmem>>[vector<16xi32>], vector<16xf32>,
        %mul3A_601 = arith.constant 16 : i32
        %mul3A_602 = arith.muli %scan3A_429, %mul3A_601 : i32
        %add3A_603 = vector.broadcast %mul3A_602 : i32 to vector<16xi32>
        %add3A_604 = arith.addi %iota3A, %add3A_603 : vector<16xi32>
        %broadcast_in_dim3A_605 = arith.constant 6 : i32
        %broadcast_in_dim3A_606 = vector.broadcast %broadcast_in_dim3A_605 : i32 to vector<16xi32>
        tpu.vector_store_idx %arg31[%add3A_604, %broadcast_in_dim3A_606], %gather3A_596 : memref<128x8xf32, #tpu.memory_space<vmem>>[vector<16xi32>, vector<16xi32>], vector<16xf32>,
        %mul3A_607 = arith.constant 8 : i32
        %mul3A_608 = vector.broadcast %mul3A_607 : i32 to vector<16xi32>
        %mul3A_609 = arith.muli %iota3A, %mul3A_608 : vector<16xi32>
        %mul3A_610 = arith.constant 16 : i32
        %mul3A_611 = arith.muli %scan3A_429, %mul3A_610 : i32
        %mul3A_612 = arith.constant 8 : i32
        %mul3A_613 = arith.muli %mul3A_611, %mul3A_612 : i32
        %add3A_614 = arith.constant 6 : i32
        %add3A_615 = arith.addi %mul3A_613, %add3A_614 : i32
        %add3A_616 = vector.broadcast %add3A_615 : i32 to vector<16xi32>
        %add3A_617 = arith.addi %mul3A_609, %add3A_616 : vector<16xi32>
        %bitcast3A_618 = vector.bitcast %gather3A_600 : vector<16xf32> to vector<16xi32>
        tpu.vector_store_idx %arg25[%add3A_617], %bitcast3A_618 : memref<1024xi32, #tpu.memory_space<vmem>>[vector<16xi32>], vector<16xi32>,
        %add3A_619 = arith.constant 7 : i32
        %add3A_620 = vector.broadcast %add3A_619 : i32 to vector<16xi32>
        %add3A_621 = arith.addi %mul3A_436, %add3A_620 : vector<16xi32>
        %gather3A_622 = tpu.vector_load_idx %arg7[%add3A_621] : memref<256xf32, #tpu.memory_space<vmem>>[vector<16xi32>], vector<16xf32>,
        %add3A_623 = arith.constant 15 : i32
        %add3A_624 = vector.broadcast %add3A_623 : i32 to vector<16xi32>
        %add3A_625 = arith.addi %mul3A_436, %add3A_624 : vector<16xi32>
        %gather3A_626 = tpu.vector_load_idx %arg7[%add3A_625] : memref<256xf32, #tpu.memory_space<vmem>>[vector<16xi32>], vector<16xf32>,
        %mul3A_627 = arith.constant 16 : i32
        %mul3A_628 = arith.muli %scan3A_429, %mul3A_627 : i32
        %add3A_629 = vector.broadcast %mul3A_628 : i32 to vector<16xi32>
        %add3A_630 = arith.addi %iota3A, %add3A_629 : vector<16xi32>
        %broadcast_in_dim3A_631 = arith.constant 7 : i32
        %broadcast_in_dim3A_632 = vector.broadcast %broadcast_in_dim3A_631 : i32 to vector<16xi32>
        tpu.vector_store_idx %arg31[%add3A_630, %broadcast_in_dim3A_632], %gather3A_622 : memref<128x8xf32, #tpu.memory_space<vmem>>[vector<16xi32>, vector<16xi32>], vector<16xf32>,
        %mul3A_633 = arith.constant 8 : i32
        %mul3A_634 = vector.broadcast %mul3A_633 : i32 to vector<16xi32>
        %mul3A_635 = arith.muli %iota3A, %mul3A_634 : vector<16xi32>
        %mul3A_636 = arith.constant 16 : i32
        %mul3A_637 = arith.muli %scan3A_429, %mul3A_636 : i32
        %mul3A_638 = arith.constant 8 : i32
        %mul3A_639 = arith.muli %mul3A_637, %mul3A_638 : i32
        %add3A_640 = arith.constant 7 : i32
        %add3A_641 = arith.addi %mul3A_639, %add3A_640 : i32
        %add3A_642 = vector.broadcast %add3A_641 : i32 to vector<16xi32>
        %add3A_643 = arith.addi %mul3A_635, %add3A_642 : vector<16xi32>
        %bitcast3A_644 = vector.bitcast %gather3A_626 : vector<16xf32> to vector<16xi32>
        tpu.vector_store_idx %arg25[%add3A_643], %bitcast3A_644 : memref<1024xi32, #tpu.memory_space<vmem>>[vector<16xi32>], vector<16xi32>,
      }
      %scan3A_332 = arith.constant 8 : i32
      %mul3A_333 = arith.constant 6 : i32
      %mul3A_334 = arith.muli %mul3A_333, %scan3A_198 : i32
      %add3A_335 = arith.constant 0 : i32
      %add3A_336 = arith.addi %mul3A_334, %add3A_335 : i32
      %mul3A_337 = arith.constant 128 : i32
      %mul3A_338 = arith.muli %add3A_336, %mul3A_337 : i32
      %add3A_339 = arith.addi %mul3A_2, %mul3A_338 : i32
      %multiple_of3A_340 = tpu.assume_multiple %add3A_339, 8 : i32
      %mul3A_341 = arith.constant 8 : i32
      %mul3A_342 = arith.muli %multiple_of3A_340, %mul3A_341 : i32
      %multiple_of3A_343 = tpu.assume_multiple %mul3A_342, 8 : i32
      %dma_start3A_344 = tpu.memref_slice %arg5[%multiple_of3A_343] : memref<2560000xi32, #tpu.memory_space<hbm>> -> memref<1024xi32, #tpu.memory_space<hbm>>
      %dma_start3A_345 = tpu.memref_slice %arg5[%multiple_of3A_343] : memref<2560000xi32, #tpu.memory_space<hbm>> -> memref<1024xi32, #tpu.memory_space<hbm>>
      tpu.enqueue_dma source(%arg20 : memref<1024xi32, #tpu.memory_space<vmem>>) target(%dma_start3A_345 : memref<1024xi32, #tpu.memory_space<hbm>>) target_semaphore(%arg39 : memref<!tpu.dma_semaphore, #tpu.memory_space<semaphore_mem>>)
      %dma_start3A_346 = arith.constant 0 : i32
      %dma_start3A_347 = arith.constant 0 : i32
      %dma_start3A_348 = tpu.memref_slice %arg37[%dma_start3A_346, %dma_start3A_347] : memref<512x8xf32, #tpu.memory_space<vmem_shared>> -> memref<512x8xf32, #tpu.memory_space<vmem_shared>>
      tpu.enqueue_indirect_dma source(%arg26 : memref<128x8xf32, #tpu.memory_space<vmem>>) target(%dma_start3A_348 : memref<512x8xf32, #tpu.memory_space<vmem_shared>>) offsets(%arg14 : memref<128xi32, #tpu.memory_space<vmem>>) semaphore(%arg40 : memref<!tpu.dma_semaphore, #tpu.memory_space<semaphore_mem>>) {add = true}
      %mul3A_349 = arith.constant 6 : i32
      %mul3A_350 = arith.muli %mul3A_349, %scan3A_198 : i32
      %add3A_351 = arith.constant 1 : i32
      %add3A_352 = arith.addi %mul3A_350, %add3A_351 : i32
      %mul3A_353 = arith.constant 128 : i32
      %mul3A_354 = arith.muli %add3A_352, %mul3A_353 : i32
      %add3A_355 = arith.addi %mul3A_2, %mul3A_354 : i32
      %multiple_of3A_356 = tpu.assume_multiple %add3A_355, 8 : i32
      %mul3A_357 = arith.constant 8 : i32
      %mul3A_358 = arith.muli %multiple_of3A_356, %mul3A_357 : i32
      %multiple_of3A_359 = tpu.assume_multiple %mul3A_358, 8 : i32
      %dma_start3A_360 = tpu.memref_slice %arg5[%multiple_of3A_359] : memref<2560000xi32, #tpu.memory_space<hbm>> -> memref<1024xi32, #tpu.memory_space<hbm>>
      %dma_start3A_361 = tpu.memref_slice %arg5[%multiple_of3A_359] : memref<2560000xi32, #tpu.memory_space<hbm>> -> memref<1024xi32, #tpu.memory_space<hbm>>
      tpu.enqueue_dma source(%arg21 : memref<1024xi32, #tpu.memory_space<vmem>>) target(%dma_start3A_361 : memref<1024xi32, #tpu.memory_space<hbm>>) target_semaphore(%arg39 : memref<!tpu.dma_semaphore, #tpu.memory_space<semaphore_mem>>)
      %dma_start3A_362 = arith.constant 0 : i32
      %dma_start3A_363 = arith.constant 0 : i32
      %dma_start3A_364 = tpu.memref_slice %arg37[%dma_start3A_362, %dma_start3A_363] : memref<512x8xf32, #tpu.memory_space<vmem_shared>> -> memref<512x8xf32, #tpu.memory_space<vmem_shared>>
      tpu.enqueue_indirect_dma source(%arg27 : memref<128x8xf32, #tpu.memory_space<vmem>>) target(%dma_start3A_364 : memref<512x8xf32, #tpu.memory_space<vmem_shared>>) offsets(%arg15 : memref<128xi32, #tpu.memory_space<vmem>>) semaphore(%arg40 : memref<!tpu.dma_semaphore, #tpu.memory_space<semaphore_mem>>) {add = true}
      %mul3A_365 = arith.constant 6 : i32
      %mul3A_366 = arith.muli %mul3A_365, %scan3A_198 : i32
      %add3A_367 = arith.constant 2 : i32
      %add3A_368 = arith.addi %mul3A_366, %add3A_367 : i32
      %mul3A_369 = arith.constant 128 : i32
      %mul3A_370 = arith.muli %add3A_368, %mul3A_369 : i32
      %add3A_371 = arith.addi %mul3A_2, %mul3A_370 : i32
      %multiple_of3A_372 = tpu.assume_multiple %add3A_371, 8 : i32
      %mul3A_373 = arith.constant 8 : i32
      %mul3A_374 = arith.muli %multiple_of3A_372, %mul3A_373 : i32
      %multiple_of3A_375 = tpu.assume_multiple %mul3A_374, 8 : i32
      %dma_start3A_376 = tpu.memref_slice %arg5[%multiple_of3A_375] : memref<2560000xi32, #tpu.memory_space<hbm>> -> memref<1024xi32, #tpu.memory_space<hbm>>
      %dma_start3A_377 = tpu.memref_slice %arg5[%multiple_of3A_375] : memref<2560000xi32, #tpu.memory_space<hbm>> -> memref<1024xi32, #tpu.memory_space<hbm>>
      tpu.enqueue_dma source(%arg22 : memref<1024xi32, #tpu.memory_space<vmem>>) target(%dma_start3A_377 : memref<1024xi32, #tpu.memory_space<hbm>>) target_semaphore(%arg39 : memref<!tpu.dma_semaphore, #tpu.memory_space<semaphore_mem>>)
      %dma_start3A_378 = arith.constant 0 : i32
      %dma_start3A_379 = arith.constant 0 : i32
      %dma_start3A_380 = tpu.memref_slice %arg37[%dma_start3A_378, %dma_start3A_379] : memref<512x8xf32, #tpu.memory_space<vmem_shared>> -> memref<512x8xf32, #tpu.memory_space<vmem_shared>>
      tpu.enqueue_indirect_dma source(%arg28 : memref<128x8xf32, #tpu.memory_space<vmem>>) target(%dma_start3A_380 : memref<512x8xf32, #tpu.memory_space<vmem_shared>>) offsets(%arg16 : memref<128xi32, #tpu.memory_space<vmem>>) semaphore(%arg40 : memref<!tpu.dma_semaphore, #tpu.memory_space<semaphore_mem>>) {add = true}
      %mul3A_381 = arith.constant 6 : i32
      %mul3A_382 = arith.muli %mul3A_381, %scan3A_198 : i32
      %add3A_383 = arith.constant 3 : i32
      %add3A_384 = arith.addi %mul3A_382, %add3A_383 : i32
      %mul3A_385 = arith.constant 128 : i32
      %mul3A_386 = arith.muli %add3A_384, %mul3A_385 : i32
      %add3A_387 = arith.addi %mul3A_2, %mul3A_386 : i32
      %multiple_of3A_388 = tpu.assume_multiple %add3A_387, 8 : i32
      %mul3A_389 = arith.constant 8 : i32
      %mul3A_390 = arith.muli %multiple_of3A_388, %mul3A_389 : i32
      %multiple_of3A_391 = tpu.assume_multiple %mul3A_390, 8 : i32
      %dma_start3A_392 = tpu.memref_slice %arg5[%multiple_of3A_391] : memref<2560000xi32, #tpu.memory_space<hbm>> -> memref<1024xi32, #tpu.memory_space<hbm>>
      %dma_start3A_393 = tpu.memref_slice %arg5[%multiple_of3A_391] : memref<2560000xi32, #tpu.memory_space<hbm>> -> memref<1024xi32, #tpu.memory_space<hbm>>
      tpu.enqueue_dma source(%arg23 : memref<1024xi32, #tpu.memory_space<vmem>>) target(%dma_start3A_393 : memref<1024xi32, #tpu.memory_space<hbm>>) target_semaphore(%arg39 : memref<!tpu.dma_semaphore, #tpu.memory_space<semaphore_mem>>)
      %dma_start3A_394 = arith.constant 0 : i32
      %dma_start3A_395 = arith.constant 0 : i32
      %dma_start3A_396 = tpu.memref_slice %arg37[%dma_start3A_394, %dma_start3A_395] : memref<512x8xf32, #tpu.memory_space<vmem_shared>> -> memref<512x8xf32, #tpu.memory_space<vmem_shared>>
      tpu.enqueue_indirect_dma source(%arg29 : memref<128x8xf32, #tpu.memory_space<vmem>>) target(%dma_start3A_396 : memref<512x8xf32, #tpu.memory_space<vmem_shared>>) offsets(%arg17 : memref<128xi32, #tpu.memory_space<vmem>>) semaphore(%arg40 : memref<!tpu.dma_semaphore, #tpu.memory_space<semaphore_mem>>) {add = true}
      %mul3A_397 = arith.constant 6 : i32
      %mul3A_398 = arith.muli %mul3A_397, %scan3A_198 : i32
      %add3A_399 = arith.constant 4 : i32
      %add3A_400 = arith.addi %mul3A_398, %add3A_399 : i32
      %mul3A_401 = arith.constant 128 : i32
      %mul3A_402 = arith.muli %add3A_400, %mul3A_401 : i32
      %add3A_403 = arith.addi %mul3A_2, %mul3A_402 : i32
      %multiple_of3A_404 = tpu.assume_multiple %add3A_403, 8 : i32
      %mul3A_405 = arith.constant 8 : i32
      %mul3A_406 = arith.muli %multiple_of3A_404, %mul3A_405 : i32
      %multiple_of3A_407 = tpu.assume_multiple %mul3A_406, 8 : i32
      %dma_start3A_408 = tpu.memref_slice %arg5[%multiple_of3A_407] : memref<2560000xi32, #tpu.memory_space<hbm>> -> memref<1024xi32, #tpu.memory_space<hbm>>
      %dma_start3A_409 = tpu.memref_slice %arg5[%multiple_of3A_407] : memref<2560000xi32, #tpu.memory_space<hbm>> -> memref<1024xi32, #tpu.memory_space<hbm>>
      tpu.enqueue_dma source(%arg24 : memref<1024xi32, #tpu.memory_space<vmem>>) target(%dma_start3A_409 : memref<1024xi32, #tpu.memory_space<hbm>>) target_semaphore(%arg39 : memref<!tpu.dma_semaphore, #tpu.memory_space<semaphore_mem>>)
      %dma_start3A_410 = arith.constant 0 : i32
      %dma_start3A_411 = arith.constant 0 : i32
      %dma_start3A_412 = tpu.memref_slice %arg37[%dma_start3A_410, %dma_start3A_411] : memref<512x8xf32, #tpu.memory_space<vmem_shared>> -> memref<512x8xf32, #tpu.memory_space<vmem_shared>>
      tpu.enqueue_indirect_dma source(%arg30 : memref<128x8xf32, #tpu.memory_space<vmem>>) target(%dma_start3A_412 : memref<512x8xf32, #tpu.memory_space<vmem_shared>>) offsets(%arg18 : memref<128xi32, #tpu.memory_space<vmem>>) semaphore(%arg40 : memref<!tpu.dma_semaphore, #tpu.memory_space<semaphore_mem>>) {add = true}
      %mul3A_413 = arith.constant 6 : i32
      %mul3A_414 = arith.muli %mul3A_413, %scan3A_198 : i32
      %add3A_415 = arith.constant 5 : i32
      %add3A_416 = arith.addi %mul3A_414, %add3A_415 : i32
      %mul3A_417 = arith.constant 128 : i32
      %mul3A_418 = arith.muli %add3A_416, %mul3A_417 : i32
      %add3A_419 = arith.addi %mul3A_2, %mul3A_418 : i32
      %multiple_of3A_420 = tpu.assume_multiple %add3A_419, 8 : i32
      %mul3A_421 = arith.constant 8 : i32
      %mul3A_422 = arith.muli %multiple_of3A_420, %mul3A_421 : i32
      %multiple_of3A_423 = tpu.assume_multiple %mul3A_422, 8 : i32
      %dma_start3A_424 = tpu.memref_slice %arg5[%multiple_of3A_423] : memref<2560000xi32, #tpu.memory_space<hbm>> -> memref<1024xi32, #tpu.memory_space<hbm>>
      %dma_start3A_425 = tpu.memref_slice %arg5[%multiple_of3A_423] : memref<2560000xi32, #tpu.memory_space<hbm>> -> memref<1024xi32, #tpu.memory_space<hbm>>
      tpu.enqueue_dma source(%arg25 : memref<1024xi32, #tpu.memory_space<vmem>>) target(%dma_start3A_425 : memref<1024xi32, #tpu.memory_space<hbm>>) target_semaphore(%arg39 : memref<!tpu.dma_semaphore, #tpu.memory_space<semaphore_mem>>)
      %dma_start3A_426 = arith.constant 0 : i32
      %dma_start3A_427 = arith.constant 0 : i32
      %dma_start3A_428 = tpu.memref_slice %arg37[%dma_start3A_426, %dma_start3A_427] : memref<512x8xf32, #tpu.memory_space<vmem_shared>> -> memref<512x8xf32, #tpu.memory_space<vmem_shared>>
      tpu.enqueue_indirect_dma source(%arg31 : memref<128x8xf32, #tpu.memory_space<vmem>>) target(%dma_start3A_428 : memref<512x8xf32, #tpu.memory_space<vmem_shared>>) offsets(%arg19 : memref<128xi32, #tpu.memory_space<vmem>>) semaphore(%arg40 : memref<!tpu.dma_semaphore, #tpu.memory_space<semaphore_mem>>) {add = true}
    }
    %scan3A_9 = arith.constant 13 : i32
    %dma_wait3A = arith.constant 0 : i32
    %dma_wait3A_10 = tpu.memref_slice %arg5[%dma_wait3A] : memref<2560000xi32, #tpu.memory_space<hbm>> -> memref<1024xi32, #tpu.memory_space<hbm>>
    %dma_wait3A_11 = arith.constant 0 : i32
    %dma_wait3A_12 = tpu.memref_slice %arg5[%dma_wait3A_11] : memref<2560000xi32, #tpu.memory_space<hbm>> -> memref<1024xi32, #tpu.memory_space<hbm>>
    tpu.wait_dma2 semaphore(%arg39 : memref<!tpu.dma_semaphore, #tpu.memory_space<semaphore_mem>>) src(%arg20 : memref<1024xi32, #tpu.memory_space<vmem>>) dst(%dma_wait3A_12 : memref<1024xi32, #tpu.memory_space<hbm>>)
    %dma_wait3A_13 = arith.constant 0 : i32
    %dma_wait3A_14 = arith.constant 0 : i32
    %dma_wait3A_15 = tpu.memref_slice %arg37[%dma_wait3A_13, %dma_wait3A_14] : memref<512x8xf32, #tpu.memory_space<vmem_shared>> -> memref<512x8xf32, #tpu.memory_space<vmem_shared>>
    tpu.wait_indirect_dma semaphore(%arg40 : memref<!tpu.dma_semaphore, #tpu.memory_space<semaphore_mem>>) src(%arg26 : memref<128x8xf32, #tpu.memory_space<vmem>>) dst(%dma_wait3A_15 : memref<512x8xf32, #tpu.memory_space<vmem_shared>>)
    %dma_wait3A_16 = arith.constant 0 : i32
    %dma_wait3A_17 = tpu.memref_slice %arg5[%dma_wait3A_16] : memref<2560000xi32, #tpu.memory_space<hbm>> -> memref<1024xi32, #tpu.memory_space<hbm>>
    %dma_wait3A_18 = arith.constant 0 : i32
    %dma_wait3A_19 = tpu.memref_slice %arg5[%dma_wait3A_18] : memref<2560000xi32, #tpu.memory_space<hbm>> -> memref<1024xi32, #tpu.memory_space<hbm>>
    tpu.wait_dma2 semaphore(%arg39 : memref<!tpu.dma_semaphore, #tpu.memory_space<semaphore_mem>>) src(%arg20 : memref<1024xi32, #tpu.memory_space<vmem>>) dst(%dma_wait3A_19 : memref<1024xi32, #tpu.memory_space<hbm>>)
    %dma_wait3A_20 = arith.constant 0 : i32
    %dma_wait3A_21 = arith.constant 0 : i32
    %dma_wait3A_22 = tpu.memref_slice %arg37[%dma_wait3A_20, %dma_wait3A_21] : memref<512x8xf32, #tpu.memory_space<vmem_shared>> -> memref<512x8xf32, #tpu.memory_space<vmem_shared>>
    tpu.wait_indirect_dma semaphore(%arg40 : memref<!tpu.dma_semaphore, #tpu.memory_space<semaphore_mem>>) src(%arg26 : memref<128x8xf32, #tpu.memory_space<vmem>>) dst(%dma_wait3A_22 : memref<512x8xf32, #tpu.memory_space<vmem_shared>>)
    %dma_wait3A_23 = arith.constant 0 : i32
    %dma_wait3A_24 = tpu.memref_slice %arg5[%dma_wait3A_23] : memref<2560000xi32, #tpu.memory_space<hbm>> -> memref<1024xi32, #tpu.memory_space<hbm>>
    %dma_wait3A_25 = arith.constant 0 : i32
    %dma_wait3A_26 = tpu.memref_slice %arg5[%dma_wait3A_25] : memref<2560000xi32, #tpu.memory_space<hbm>> -> memref<1024xi32, #tpu.memory_space<hbm>>
    tpu.wait_dma2 semaphore(%arg39 : memref<!tpu.dma_semaphore, #tpu.memory_space<semaphore_mem>>) src(%arg20 : memref<1024xi32, #tpu.memory_space<vmem>>) dst(%dma_wait3A_26 : memref<1024xi32, #tpu.memory_space<hbm>>)
    %dma_wait3A_27 = arith.constant 0 : i32
    %dma_wait3A_28 = arith.constant 0 : i32
    %dma_wait3A_29 = tpu.memref_slice %arg37[%dma_wait3A_27, %dma_wait3A_28] : memref<512x8xf32, #tpu.memory_space<vmem_shared>> -> memref<512x8xf32, #tpu.memory_space<vmem_shared>>
    tpu.wait_indirect_dma semaphore(%arg40 : memref<!tpu.dma_semaphore, #tpu.memory_space<semaphore_mem>>) src(%arg26 : memref<128x8xf32, #tpu.memory_space<vmem>>) dst(%dma_wait3A_29 : memref<512x8xf32, #tpu.memory_space<vmem_shared>>)
    %dma_wait3A_30 = arith.constant 0 : i32
    %dma_wait3A_31 = tpu.memref_slice %arg5[%dma_wait3A_30] : memref<2560000xi32, #tpu.memory_space<hbm>> -> memref<1024xi32, #tpu.memory_space<hbm>>
    %dma_wait3A_32 = arith.constant 0 : i32
    %dma_wait3A_33 = tpu.memref_slice %arg5[%dma_wait3A_32] : memref<2560000xi32, #tpu.memory_space<hbm>> -> memref<1024xi32, #tpu.memory_space<hbm>>
    tpu.wait_dma2 semaphore(%arg39 : memref<!tpu.dma_semaphore, #tpu.memory_space<semaphore_mem>>) src(%arg20 : memref<1024xi32, #tpu.memory_space<vmem>>) dst(%dma_wait3A_33 : memref<1024xi32, #tpu.memory_space<hbm>>)
    %dma_wait3A_34 = arith.constant 0 : i32
    %dma_wait3A_35 = arith.constant 0 : i32
    %dma_wait3A_36 = tpu.memref_slice %arg37[%dma_wait3A_34, %dma_wait3A_35] : memref<512x8xf32, #tpu.memory_space<vmem_shared>> -> memref<512x8xf32, #tpu.memory_space<vmem_shared>>
    tpu.wait_indirect_dma semaphore(%arg40 : memref<!tpu.dma_semaphore, #tpu.memory_space<semaphore_mem>>) src(%arg26 : memref<128x8xf32, #tpu.memory_space<vmem>>) dst(%dma_wait3A_36 : memref<512x8xf32, #tpu.memory_space<vmem_shared>>)
    %dma_wait3A_37 = arith.constant 0 : i32
    %dma_wait3A_38 = tpu.memref_slice %arg5[%dma_wait3A_37] : memref<2560000xi32, #tpu.memory_space<hbm>> -> memref<1024xi32, #tpu.memory_space<hbm>>
    %dma_wait3A_39 = arith.constant 0 : i32
    %dma_wait3A_40 = tpu.memref_slice %arg5[%dma_wait3A_39] : memref<2560000xi32, #tpu.memory_space<hbm>> -> memref<1024xi32, #tpu.memory_space<hbm>>
    tpu.wait_dma2 semaphore(%arg39 : memref<!tpu.dma_semaphore, #tpu.memory_space<semaphore_mem>>) src(%arg20 : memref<1024xi32, #tpu.memory_space<vmem>>) dst(%dma_wait3A_40 : memref<1024xi32, #tpu.memory_space<hbm>>)
    %dma_wait3A_41 = arith.constant 0 : i32
    %dma_wait3A_42 = arith.constant 0 : i32
    %dma_wait3A_43 = tpu.memref_slice %arg37[%dma_wait3A_41, %dma_wait3A_42] : memref<512x8xf32, #tpu.memory_space<vmem_shared>> -> memref<512x8xf32, #tpu.memory_space<vmem_shared>>
    tpu.wait_indirect_dma semaphore(%arg40 : memref<!tpu.dma_semaphore, #tpu.memory_space<semaphore_mem>>) src(%arg26 : memref<128x8xf32, #tpu.memory_space<vmem>>) dst(%dma_wait3A_43 : memref<512x8xf32, #tpu.memory_space<vmem_shared>>)
    %dma_wait3A_44 = arith.constant 0 : i32
    %dma_wait3A_45 = tpu.memref_slice %arg5[%dma_wait3A_44] : memref<2560000xi32, #tpu.memory_space<hbm>> -> memref<1024xi32, #tpu.memory_space<hbm>>
    %dma_wait3A_46 = arith.constant 0 : i32
    %dma_wait3A_47 = tpu.memref_slice %arg5[%dma_wait3A_46] : memref<2560000xi32, #tpu.memory_space<hbm>> -> memref<1024xi32, #tpu.memory_space<hbm>>
    tpu.wait_dma2 semaphore(%arg39 : memref<!tpu.dma_semaphore, #tpu.memory_space<semaphore_mem>>) src(%arg20 : memref<1024xi32, #tpu.memory_space<vmem>>) dst(%dma_wait3A_47 : memref<1024xi32, #tpu.memory_space<hbm>>)
    %dma_wait3A_48 = arith.constant 0 : i32
    %dma_wait3A_49 = arith.constant 0 : i32
    %dma_wait3A_50 = tpu.memref_slice %arg37[%dma_wait3A_48, %dma_wait3A_49] : memref<512x8xf32, #tpu.memory_space<vmem_shared>> -> memref<512x8xf32, #tpu.memory_space<vmem_shared>>
    tpu.wait_indirect_dma semaphore(%arg40 : memref<!tpu.dma_semaphore, #tpu.memory_space<semaphore_mem>>) src(%arg26 : memref<128x8xf32, #tpu.memory_space<vmem>>) dst(%dma_wait3A_50 : memref<512x8xf32, #tpu.memory_space<vmem_shared>>)
    %add3A_51 = arith.constant 9984 : i32
    %add3A_52 = arith.addi %mul3A_2, %add3A_51 : i32
    "tpu.region"() ({
      %run_scoped3A = tpu.sem_alloc : memref<!tpu.dma_semaphore, #tpu.memory_space<semaphore_mem>>
      %dma_start3A = tpu.memref_slice %arg2[%add3A_52] : memref<320000xi32, #tpu.memory_space<hbm>> -> memref<16xi32, #tpu.memory_space<hbm>>
      %dma_start3A_198 = tpu.memref_slice %arg2[%add3A_52] : memref<320000xi32, #tpu.memory_space<hbm>> -> memref<16xi32, #tpu.memory_space<hbm>>
      tpu.enqueue_dma source(%dma_start3A_198 : memref<16xi32, #tpu.memory_space<hbm>>) target(%arg33 : memref<16xi32, #tpu.memory_space<vmem>>) target_semaphore(%run_scoped3A : memref<!tpu.dma_semaphore, #tpu.memory_space<semaphore_mem>>)
      %dma_wait3A_199 = tpu.memref_slice %arg2[%add3A_52] : memref<320000xi32, #tpu.memory_space<hbm>> -> memref<16xi32, #tpu.memory_space<hbm>>
      %dma_wait3A_200 = tpu.memref_slice %arg2[%add3A_52] : memref<320000xi32, #tpu.memory_space<hbm>> -> memref<16xi32, #tpu.memory_space<hbm>>
      tpu.wait_dma2 semaphore(%run_scoped3A : memref<!tpu.dma_semaphore, #tpu.memory_space<semaphore_mem>>) src(%dma_wait3A_200 : memref<16xi32, #tpu.memory_space<hbm>>) dst(%arg33 : memref<16xi32, #tpu.memory_space<vmem>>)
      tpu.yield
    }) : () -> ()
    "tpu.region"() ({
      %run_scoped3A = tpu.sem_alloc : memref<!tpu.dma_semaphore, #tpu.memory_space<semaphore_mem>>
      %dma_start3A = tpu.memref_slice %arg3[%add3A_52] : memref<320000xi32, #tpu.memory_space<hbm>> -> memref<16xi32, #tpu.memory_space<hbm>>
      %dma_start3A_198 = tpu.memref_slice %arg3[%add3A_52] : memref<320000xi32, #tpu.memory_space<hbm>> -> memref<16xi32, #tpu.memory_space<hbm>>
      tpu.enqueue_dma source(%dma_start3A_198 : memref<16xi32, #tpu.memory_space<hbm>>) target(%arg34 : memref<16xi32, #tpu.memory_space<vmem>>) target_semaphore(%run_scoped3A : memref<!tpu.dma_semaphore, #tpu.memory_space<semaphore_mem>>)
      %dma_wait3A_199 = tpu.memref_slice %arg3[%add3A_52] : memref<320000xi32, #tpu.memory_space<hbm>> -> memref<16xi32, #tpu.memory_space<hbm>>
      %dma_wait3A_200 = tpu.memref_slice %arg3[%add3A_52] : memref<320000xi32, #tpu.memory_space<hbm>> -> memref<16xi32, #tpu.memory_space<hbm>>
      tpu.wait_dma2 semaphore(%run_scoped3A : memref<!tpu.dma_semaphore, #tpu.memory_space<semaphore_mem>>) src(%dma_wait3A_200 : memref<16xi32, #tpu.memory_space<hbm>>) dst(%arg34 : memref<16xi32, #tpu.memory_space<vmem>>)
      tpu.yield
    }) : () -> ()
    %get3A = arith.constant 0 : index
    %get3A_53 = tpu.vector_load %arg33[%get3A] {strides = array<i32>} : memref<16xi32, #tpu.memory_space<vmem>>, vector<16xi32>,
    %mul3A_54 = arith.constant 16 : i32
    %mul3A_55 = vector.broadcast %mul3A_54 : i32 to vector<16xi32>
    %mul3A_56 = arith.muli %get3A_53, %mul3A_55 : vector<16xi32>
    %add3A_57 = arith.constant 0 : i32
    %add3A_58 = vector.broadcast %add3A_57 : i32 to vector<16xi32>
    %add3A_59 = arith.addi %mul3A_56, %add3A_58 : vector<16xi32>
    %gather3A = tpu.vector_load_idx %arg7[%add3A_59] : memref<256xf32, #tpu.memory_space<vmem>>[vector<16xi32>], vector<16xf32>,
    %add3A_60 = arith.constant 8 : i32
    %add3A_61 = vector.broadcast %add3A_60 : i32 to vector<16xi32>
    %add3A_62 = arith.addi %mul3A_56, %add3A_61 : vector<16xi32>
    %gather3A_63 = tpu.vector_load_idx %arg7[%add3A_62] : memref<256xf32, #tpu.memory_space<vmem>>[vector<16xi32>], vector<16xf32>,
    %broadcast_in_dim3A = arith.constant 0 : i32
    %broadcast_in_dim3A_64 = vector.broadcast %broadcast_in_dim3A : i32 to vector<16xi32>
    tpu.vector_store_idx %arg36[%iota3A, %broadcast_in_dim3A_64], %gather3A : memref<16x8xf32, #tpu.memory_space<vmem>>[vector<16xi32>, vector<16xi32>], vector<16xf32>,
    %mul3A_65 = arith.constant 8 : i32
    %mul3A_66 = vector.broadcast %mul3A_65 : i32 to vector<16xi32>
    %mul3A_67 = arith.muli %iota3A, %mul3A_66 : vector<16xi32>
    %add3A_68 = arith.constant 0 : i32
    %add3A_69 = vector.broadcast %add3A_68 : i32 to vector<16xi32>
    %add3A_70 = arith.addi %mul3A_67, %add3A_69 : vector<16xi32>
    %bitcast3A = vector.bitcast %gather3A_63 : vector<16xf32> to vector<16xi32>
    tpu.vector_store_idx %arg35[%add3A_70], %bitcast3A : memref<128xi32, #tpu.memory_space<vmem>>[vector<16xi32>], vector<16xi32>,
    %add3A_71 = arith.constant 1 : i32
    %add3A_72 = vector.broadcast %add3A_71 : i32 to vector<16xi32>
    %add3A_73 = arith.addi %mul3A_56, %add3A_72 : vector<16xi32>
    %gather3A_74 = tpu.vector_load_idx %arg7[%add3A_73] : memref<256xf32, #tpu.memory_space<vmem>>[vector<16xi32>], vector<16xf32>,
    %add3A_75 = arith.constant 9 : i32
    %add3A_76 = vector.broadcast %add3A_75 : i32 to vector<16xi32>
    %add3A_77 = arith.addi %mul3A_56, %add3A_76 : vector<16xi32>
    %gather3A_78 = tpu.vector_load_idx %arg7[%add3A_77] : memref<256xf32, #tpu.memory_space<vmem>>[vector<16xi32>], vector<16xf32>,
    %broadcast_in_dim3A_79 = arith.constant 1 : i32
    %broadcast_in_dim3A_80 = vector.broadcast %broadcast_in_dim3A_79 : i32 to vector<16xi32>
    tpu.vector_store_idx %arg36[%iota3A, %broadcast_in_dim3A_80], %gather3A_74 : memref<16x8xf32, #tpu.memory_space<vmem>>[vector<16xi32>, vector<16xi32>], vector<16xf32>,
    %mul3A_81 = arith.constant 8 : i32
    %mul3A_82 = vector.broadcast %mul3A_81 : i32 to vector<16xi32>
    %mul3A_83 = arith.muli %iota3A, %mul3A_82 : vector<16xi32>
    %add3A_84 = arith.constant 1 : i32
    %add3A_85 = vector.broadcast %add3A_84 : i32 to vector<16xi32>
    %add3A_86 = arith.addi %mul3A_83, %add3A_85 : vector<16xi32>
    %bitcast3A_87 = vector.bitcast %gather3A_78 : vector<16xf32> to vector<16xi32>
    tpu.vector_store_idx %arg35[%add3A_86], %bitcast3A_87 : memref<128xi32, #tpu.memory_space<vmem>>[vector<16xi32>], vector<16xi32>,
    %add3A_88 = arith.constant 2 : i32
    %add3A_89 = vector.broadcast %add3A_88 : i32 to vector<16xi32>
    %add3A_90 = arith.addi %mul3A_56, %add3A_89 : vector<16xi32>
    %gather3A_91 = tpu.vector_load_idx %arg7[%add3A_90] : memref<256xf32, #tpu.memory_space<vmem>>[vector<16xi32>], vector<16xf32>,
    %add3A_92 = arith.constant 10 : i32
    %add3A_93 = vector.broadcast %add3A_92 : i32 to vector<16xi32>
    %add3A_94 = arith.addi %mul3A_56, %add3A_93 : vector<16xi32>
    %gather3A_95 = tpu.vector_load_idx %arg7[%add3A_94] : memref<256xf32, #tpu.memory_space<vmem>>[vector<16xi32>], vector<16xf32>,
    %broadcast_in_dim3A_96 = arith.constant 2 : i32
    %broadcast_in_dim3A_97 = vector.broadcast %broadcast_in_dim3A_96 : i32 to vector<16xi32>
    tpu.vector_store_idx %arg36[%iota3A, %broadcast_in_dim3A_97], %gather3A_91 : memref<16x8xf32, #tpu.memory_space<vmem>>[vector<16xi32>, vector<16xi32>], vector<16xf32>,
    %mul3A_98 = arith.constant 8 : i32
    %mul3A_99 = vector.broadcast %mul3A_98 : i32 to vector<16xi32>
    %mul3A_100 = arith.muli %iota3A, %mul3A_99 : vector<16xi32>
    %add3A_101 = arith.constant 2 : i32
    %add3A_102 = vector.broadcast %add3A_101 : i32 to vector<16xi32>
    %add3A_103 = arith.addi %mul3A_100, %add3A_102 : vector<16xi32>
    %bitcast3A_104 = vector.bitcast %gather3A_95 : vector<16xf32> to vector<16xi32>
    tpu.vector_store_idx %arg35[%add3A_103], %bitcast3A_104 : memref<128xi32, #tpu.memory_space<vmem>>[vector<16xi32>], vector<16xi32>,
    %add3A_105 = arith.constant 3 : i32
    %add3A_106 = vector.broadcast %add3A_105 : i32 to vector<16xi32>
    %add3A_107 = arith.addi %mul3A_56, %add3A_106 : vector<16xi32>
    %gather3A_108 = tpu.vector_load_idx %arg7[%add3A_107] : memref<256xf32, #tpu.memory_space<vmem>>[vector<16xi32>], vector<16xf32>,
    %add3A_109 = arith.constant 11 : i32
    %add3A_110 = vector.broadcast %add3A_109 : i32 to vector<16xi32>
    %add3A_111 = arith.addi %mul3A_56, %add3A_110 : vector<16xi32>
    %gather3A_112 = tpu.vector_load_idx %arg7[%add3A_111] : memref<256xf32, #tpu.memory_space<vmem>>[vector<16xi32>], vector<16xf32>,
    %broadcast_in_dim3A_113 = arith.constant 3 : i32
    %broadcast_in_dim3A_114 = vector.broadcast %broadcast_in_dim3A_113 : i32 to vector<16xi32>
    tpu.vector_store_idx %arg36[%iota3A, %broadcast_in_dim3A_114], %gather3A_108 : memref<16x8xf32, #tpu.memory_space<vmem>>[vector<16xi32>, vector<16xi32>], vector<16xf32>,
    %mul3A_115 = arith.constant 8 : i32
    %mul3A_116 = vector.broadcast %mul3A_115 : i32 to vector<16xi32>
    %mul3A_117 = arith.muli %iota3A, %mul3A_116 : vector<16xi32>
    %add3A_118 = arith.constant 3 : i32
    %add3A_119 = vector.broadcast %add3A_118 : i32 to vector<16xi32>
    %add3A_120 = arith.addi %mul3A_117, %add3A_119 : vector<16xi32>
    %bitcast3A_121 = vector.bitcast %gather3A_112 : vector<16xf32> to vector<16xi32>
    tpu.vector_store_idx %arg35[%add3A_120], %bitcast3A_121 : memref<128xi32, #tpu.memory_space<vmem>>[vector<16xi32>], vector<16xi32>,
    %add3A_122 = arith.constant 4 : i32
    %add3A_123 = vector.broadcast %add3A_122 : i32 to vector<16xi32>
    %add3A_124 = arith.addi %mul3A_56, %add3A_123 : vector<16xi32>
    %gather3A_125 = tpu.vector_load_idx %arg7[%add3A_124] : memref<256xf32, #tpu.memory_space<vmem>>[vector<16xi32>], vector<16xf32>,
    %add3A_126 = arith.constant 12 : i32
    %add3A_127 = vector.broadcast %add3A_126 : i32 to vector<16xi32>
    %add3A_128 = arith.addi %mul3A_56, %add3A_127 : vector<16xi32>
    %gather3A_129 = tpu.vector_load_idx %arg7[%add3A_128] : memref<256xf32, #tpu.memory_space<vmem>>[vector<16xi32>], vector<16xf32>,
    %broadcast_in_dim3A_130 = arith.constant 4 : i32
    %broadcast_in_dim3A_131 = vector.broadcast %broadcast_in_dim3A_130 : i32 to vector<16xi32>
    tpu.vector_store_idx %arg36[%iota3A, %broadcast_in_dim3A_131], %gather3A_125 : memref<16x8xf32, #tpu.memory_space<vmem>>[vector<16xi32>, vector<16xi32>], vector<16xf32>,
    %mul3A_132 = arith.constant 8 : i32
    %mul3A_133 = vector.broadcast %mul3A_132 : i32 to vector<16xi32>
    %mul3A_134 = arith.muli %iota3A, %mul3A_133 : vector<16xi32>
    %add3A_135 = arith.constant 4 : i32
    %add3A_136 = vector.broadcast %add3A_135 : i32 to vector<16xi32>
    %add3A_137 = arith.addi %mul3A_134, %add3A_136 : vector<16xi32>
    %bitcast3A_138 = vector.bitcast %gather3A_129 : vector<16xf32> to vector<16xi32>
    tpu.vector_store_idx %arg35[%add3A_137], %bitcast3A_138 : memref<128xi32, #tpu.memory_space<vmem>>[vector<16xi32>], vector<16xi32>,
    %add3A_139 = arith.constant 5 : i32
    %add3A_140 = vector.broadcast %add3A_139 : i32 to vector<16xi32>
    %add3A_141 = arith.addi %mul3A_56, %add3A_140 : vector<16xi32>
    %gather3A_142 = tpu.vector_load_idx %arg7[%add3A_141] : memref<256xf32, #tpu.memory_space<vmem>>[vector<16xi32>], vector<16xf32>,
    %add3A_143 = arith.constant 13 : i32
    %add3A_144 = vector.broadcast %add3A_143 : i32 to vector<16xi32>
    %add3A_145 = arith.addi %mul3A_56, %add3A_144 : vector<16xi32>
    %gather3A_146 = tpu.vector_load_idx %arg7[%add3A_145] : memref<256xf32, #tpu.memory_space<vmem>>[vector<16xi32>], vector<16xf32>,
    %broadcast_in_dim3A_147 = arith.constant 5 : i32
    %broadcast_in_dim3A_148 = vector.broadcast %broadcast_in_dim3A_147 : i32 to vector<16xi32>
    tpu.vector_store_idx %arg36[%iota3A, %broadcast_in_dim3A_148], %gather3A_142 : memref<16x8xf32, #tpu.memory_space<vmem>>[vector<16xi32>, vector<16xi32>], vector<16xf32>,
    %mul3A_149 = arith.constant 8 : i32
    %mul3A_150 = vector.broadcast %mul3A_149 : i32 to vector<16xi32>
    %mul3A_151 = arith.muli %iota3A, %mul3A_150 : vector<16xi32>
    %add3A_152 = arith.constant 5 : i32
    %add3A_153 = vector.broadcast %add3A_152 : i32 to vector<16xi32>
    %add3A_154 = arith.addi %mul3A_151, %add3A_153 : vector<16xi32>
    %bitcast3A_155 = vector.bitcast %gather3A_146 : vector<16xf32> to vector<16xi32>
    tpu.vector_store_idx %arg35[%add3A_154], %bitcast3A_155 : memref<128xi32, #tpu.memory_space<vmem>>[vector<16xi32>], vector<16xi32>,
    %add3A_156 = arith.constant 6 : i32
    %add3A_157 = vector.broadcast %add3A_156 : i32 to vector<16xi32>
    %add3A_158 = arith.addi %mul3A_56, %add3A_157 : vector<16xi32>
    %gather3A_159 = tpu.vector_load_idx %arg7[%add3A_158] : memref<256xf32, #tpu.memory_space<vmem>>[vector<16xi32>], vector<16xf32>,
    %add3A_160 = arith.constant 14 : i32
    %add3A_161 = vector.broadcast %add3A_160 : i32 to vector<16xi32>
    %add3A_162 = arith.addi %mul3A_56, %add3A_161 : vector<16xi32>
    %gather3A_163 = tpu.vector_load_idx %arg7[%add3A_162] : memref<256xf32, #tpu.memory_space<vmem>>[vector<16xi32>], vector<16xf32>,
    %broadcast_in_dim3A_164 = arith.constant 6 : i32
    %broadcast_in_dim3A_165 = vector.broadcast %broadcast_in_dim3A_164 : i32 to vector<16xi32>
    tpu.vector_store_idx %arg36[%iota3A, %broadcast_in_dim3A_165], %gather3A_159 : memref<16x8xf32, #tpu.memory_space<vmem>>[vector<16xi32>, vector<16xi32>], vector<16xf32>,
    %mul3A_166 = arith.constant 8 : i32
    %mul3A_167 = vector.broadcast %mul3A_166 : i32 to vector<16xi32>
    %mul3A_168 = arith.muli %iota3A, %mul3A_167 : vector<16xi32>
    %add3A_169 = arith.constant 6 : i32
    %add3A_170 = vector.broadcast %add3A_169 : i32 to vector<16xi32>
    %add3A_171 = arith.addi %mul3A_168, %add3A_170 : vector<16xi32>
    %bitcast3A_172 = vector.bitcast %gather3A_163 : vector<16xf32> to vector<16xi32>
    tpu.vector_store_idx %arg35[%add3A_171], %bitcast3A_172 : memref<128xi32, #tpu.memory_space<vmem>>[vector<16xi32>], vector<16xi32>,
    %add3A_173 = arith.constant 7 : i32
    %add3A_174 = vector.broadcast %add3A_173 : i32 to vector<16xi32>
    %add3A_175 = arith.addi %mul3A_56, %add3A_174 : vector<16xi32>
    %gather3A_176 = tpu.vector_load_idx %arg7[%add3A_175] : memref<256xf32, #tpu.memory_space<vmem>>[vector<16xi32>], vector<16xf32>,
    %add3A_177 = arith.constant 15 : i32
    %add3A_178 = vector.broadcast %add3A_177 : i32 to vector<16xi32>
    %add3A_179 = arith.addi %mul3A_56, %add3A_178 : vector<16xi32>
    %gather3A_180 = tpu.vector_load_idx %arg7[%add3A_179] : memref<256xf32, #tpu.memory_space<vmem>>[vector<16xi32>], vector<16xf32>,
    %broadcast_in_dim3A_181 = arith.constant 7 : i32
    %broadcast_in_dim3A_182 = vector.broadcast %broadcast_in_dim3A_181 : i32 to vector<16xi32>
    tpu.vector_store_idx %arg36[%iota3A, %broadcast_in_dim3A_182], %gather3A_176 : memref<16x8xf32, #tpu.memory_space<vmem>>[vector<16xi32>, vector<16xi32>], vector<16xf32>,
    %mul3A_183 = arith.constant 8 : i32
    %mul3A_184 = vector.broadcast %mul3A_183 : i32 to vector<16xi32>
    %mul3A_185 = arith.muli %iota3A, %mul3A_184 : vector<16xi32>
    %add3A_186 = arith.constant 7 : i32
    %add3A_187 = vector.broadcast %add3A_186 : i32 to vector<16xi32>
    %add3A_188 = arith.addi %mul3A_185, %add3A_187 : vector<16xi32>
    %bitcast3A_189 = vector.bitcast %gather3A_180 : vector<16xf32> to vector<16xi32>
    tpu.vector_store_idx %arg35[%add3A_188], %bitcast3A_189 : memref<128xi32, #tpu.memory_space<vmem>>[vector<16xi32>], vector<16xi32>,
    %mul3A_190 = arith.constant 8 : i32
    %mul3A_191 = arith.muli %add3A_52, %mul3A_190 : i32
    "tpu.region"() ({
      %run_scoped3A = tpu.sem_alloc : memref<!tpu.dma_semaphore, #tpu.memory_space<semaphore_mem>>
      %dma_start3A = tpu.memref_slice %arg5[%mul3A_191] : memref<2560000xi32, #tpu.memory_space<hbm>> -> memref<128xi32, #tpu.memory_space<hbm>>
      %dma_start3A_198 = tpu.memref_slice %arg5[%mul3A_191] : memref<2560000xi32, #tpu.memory_space<hbm>> -> memref<128xi32, #tpu.memory_space<hbm>>
      tpu.enqueue_dma source(%arg35 : memref<128xi32, #tpu.memory_space<vmem>>) target(%dma_start3A_198 : memref<128xi32, #tpu.memory_space<hbm>>) target_semaphore(%run_scoped3A : memref<!tpu.dma_semaphore, #tpu.memory_space<semaphore_mem>>)
      %dma_wait3A_199 = tpu.memref_slice %arg5[%mul3A_191] : memref<2560000xi32, #tpu.memory_space<hbm>> -> memref<128xi32, #tpu.memory_space<hbm>>
      %dma_wait3A_200 = tpu.memref_slice %arg5[%mul3A_191] : memref<2560000xi32, #tpu.memory_space<hbm>> -> memref<128xi32, #tpu.memory_space<hbm>>
      tpu.wait_dma2 semaphore(%run_scoped3A : memref<!tpu.dma_semaphore, #tpu.memory_space<semaphore_mem>>) src(%arg35 : memref<128xi32, #tpu.memory_space<vmem>>) dst(%dma_wait3A_200 : memref<128xi32, #tpu.memory_space<hbm>>)
      tpu.yield
    }) : () -> ()
    "tpu.region"() ({
      %run_scoped3A = tpu.sem_alloc : memref<!tpu.dma_semaphore, #tpu.memory_space<semaphore_mem>>
      %dma_start3A = arith.constant 0 : i32
      %dma_start3A_198 = arith.constant 0 : i32
      %dma_start3A_199 = tpu.memref_slice %arg37[%dma_start3A, %dma_start3A_198] : memref<512x8xf32, #tpu.memory_space<vmem_shared>> -> memref<512x8xf32, #tpu.memory_space<vmem_shared>>
      tpu.enqueue_indirect_dma source(%arg36 : memref<16x8xf32, #tpu.memory_space<vmem>>) target(%dma_start3A_199 : memref<512x8xf32, #tpu.memory_space<vmem_shared>>) offsets(%arg34 : memref<16xi32, #tpu.memory_space<vmem>>) semaphore(%run_scoped3A : memref<!tpu.dma_semaphore, #tpu.memory_space<semaphore_mem>>) {add = true}
      %dma_wait3A_200 = arith.constant 0 : i32
      %dma_wait3A_201 = arith.constant 0 : i32
      %dma_wait3A_202 = tpu.memref_slice %arg37[%dma_wait3A_200, %dma_wait3A_201] : memref<512x8xf32, #tpu.memory_space<vmem_shared>> -> memref<512x8xf32, #tpu.memory_space<vmem_shared>>
      tpu.wait_indirect_dma semaphore(%run_scoped3A : memref<!tpu.dma_semaphore, #tpu.memory_space<semaphore_mem>>) src(%arg36 : memref<16x8xf32, #tpu.memory_space<vmem>>) dst(%dma_wait3A_202 : memref<512x8xf32, #tpu.memory_space<vmem_shared>>)
      tpu.yield
    }) : () -> ()
    %barrier3A_192 = arith.constant 0 : index
    tpu.barrier barrier_id(%barrier3A_192)
    %eq3A_193 = arith.constant 0 : i32
    %eq3A_194 = arith.cmpi eq, %arg1, %eq3A_193 : i32
    %convert_element_type3A_195 = arith.extui %eq3A_194 : i1 to i32
    %cond3A_196 = arith.constant 0 : i32
    %cond3A_197 = arith.cmpi ne, %convert_element_type3A_195, %cond3A_196 : i32
    scf.if %cond3A_197 {
      "tpu.region"() ({
        %run_scoped3A = tpu.sem_alloc : memref<!tpu.dma_semaphore, #tpu.memory_space<semaphore_mem>>
        %dma_start3A = arith.constant 0 : i32
        %dma_start3A_198 = arith.constant 0 : i32
        %dma_start3A_199 = tpu.memref_slice %arg6[%arg0, %dma_start3A, %dma_start3A_198] : memref<2x512x8xf32, #tpu.memory_space<hbm>> -> memref<1x512x8xf32, #tpu.memory_space<hbm>>
        %dma_start3A_200 = tpu.memref_squeeze %dma_start3A_199 : memref<1x512x8xf32, #tpu.memory_space<hbm>> -> memref<512x8xf32, #tpu.memory_space<hbm>>
        tpu.enqueue_dma source(%arg37 : memref<512x8xf32, #tpu.memory_space<vmem_shared>>) target(%dma_start3A_200 : memref<512x8xf32, #tpu.memory_space<hbm>>) target_semaphore(%run_scoped3A : memref<!tpu.dma_semaphore, #tpu.memory_space<semaphore_mem>>)
        %dma_wait3A_201 = arith.constant 0 : i32
        %dma_wait3A_202 = arith.constant 0 : i32
        %dma_wait3A_203 = tpu.memref_slice %arg6[%arg0, %dma_wait3A_201, %dma_wait3A_202] : memref<2x512x8xf32, #tpu.memory_space<hbm>> -> memref<1x512x8xf32, #tpu.memory_space<hbm>>
        %dma_wait3A_204 = tpu.memref_squeeze %dma_wait3A_203 : memref<1x512x8xf32, #tpu.memory_space<hbm>> -> memref<512x8xf32, #tpu.memory_space<hbm>>
        tpu.wait_dma2 semaphore(%run_scoped3A : memref<!tpu.dma_semaphore, #tpu.memory_space<semaphore_mem>>) src(%arg37 : memref<512x8xf32, #tpu.memory_space<vmem_shared>>) dst(%dma_wait3A_204 : memref<512x8xf32, #tpu.memory_space<hbm>>)
        tpu.yield
      }) : () -> ()
    } else {
    }
    return
  }
}

module attributes {stable_mosaic.version = 14 : i64} {
  func.func @_tables_body(%arg0: memref<10x16x8xf32, #tpu.memory_space<vmem>>, %arg1: memref<10x8xf32, #tpu.memory_space<vmem>>, %arg2: memref<16x16xf32, #tpu.memory_space<vmem>>) attributes {dimension_semantics = [], scalar_prefetch = 0 : i64, scratch_operands = 0 : i64, tpu.core_type = #tpu.core_type<tc>} {
    %get3A = arith.constant 0 : index
    %get3A_0 = arith.constant 0 : index
    %get3A_1 = vector.load %arg1[%get3A, %get3A_0] : memref<10x8xf32, #tpu.memory_space<vmem>>, vector<10x8xf32>
    %reduce_max3A = arith.constant dense<0xFF800000> : vector<8xf32>
    %reduce_max3A_2 = vector.multi_reduction <maximumf>, %get3A_1, %reduce_max3A [0] : vector<10x8xf32> to vector<8xf32>
    %broadcast_in_dim3A = vector.shape_cast %reduce_max3A_2 : vector<8xf32> to vector<1x8xf32>
    %sub3A = vector.broadcast %broadcast_in_dim3A : vector<1x8xf32> to vector<10x8xf32>
    %sub3A_3 = arith.subf %get3A_1, %sub3A : vector<10x8xf32>
    %exp3A = math.exp %sub3A_3 : vector<10x8xf32>
    %reduce_sum3A = arith.constant dense<0.000000e+00> : vector<8xf32>
    %reduce_sum3A_4 = vector.multi_reduction <add>, %exp3A, %reduce_sum3A [0] : vector<10x8xf32> to vector<8xf32>
    %broadcast_in_dim3A_5 = vector.shape_cast %reduce_sum3A_4 : vector<8xf32> to vector<1x8xf32>
    %div3A = vector.broadcast %broadcast_in_dim3A_5 : vector<1x8xf32> to vector<10x8xf32>
    %div3A_6 = arith.divf %exp3A, %div3A : vector<10x8xf32>
    %broadcast_in_dim3A_7 = arith.constant 0.000000e+00 : f32
    %broadcast_in_dim3A_8 = vector.broadcast %broadcast_in_dim3A_7 : f32 to vector<16x8xf32>
    %get3A_9 = arith.constant 0 : index
    %get3A_10 = arith.constant 0 : index
    %get3A_11 = arith.constant 0 : index
    %get3A_12 = vector.load %arg0[%get3A_9, %get3A_10, %get3A_11] : memref<10x16x8xf32, #tpu.memory_space<vmem>>, vector<1x16x8xf32>
    %get3A_13 = vector.shape_cast %get3A_12 : vector<1x16x8xf32> to vector<16x8xf32>
    %reduce_max3A_14 = arith.constant dense<0xFF800000> : vector<8xf32>
    %reduce_max3A_15 = vector.multi_reduction <maximumf>, %get3A_13, %reduce_max3A_14 [0] : vector<16x8xf32> to vector<8xf32>
    %broadcast_in_dim3A_16 = vector.shape_cast %reduce_max3A_15 : vector<8xf32> to vector<1x8xf32>
    %sub3A_17 = vector.broadcast %broadcast_in_dim3A_16 : vector<1x8xf32> to vector<16x8xf32>
    %sub3A_18 = arith.subf %get3A_13, %sub3A_17 : vector<16x8xf32>
    %exp3A_19 = math.exp %sub3A_18 : vector<16x8xf32>
    %reduce_sum3A_20 = arith.constant dense<0.000000e+00> : vector<8xf32>
    %reduce_sum3A_21 = vector.multi_reduction <add>, %exp3A_19, %reduce_sum3A_20 [0] : vector<16x8xf32> to vector<8xf32>
    %broadcast_in_dim3A_22 = vector.shape_cast %reduce_sum3A_21 : vector<8xf32> to vector<1x8xf32>
    %div3A_23 = vector.broadcast %broadcast_in_dim3A_22 : vector<1x8xf32> to vector<16x8xf32>
    %div3A_24 = arith.divf %exp3A_19, %div3A_23 : vector<16x8xf32>
    %slice3A = vector.extract_strided_slice %div3A_6 {offsets = [0, 0], sizes = [1, 8], strides = [1, 1]} : vector<10x8xf32> to vector<1x8xf32>
    %mul3A = vector.broadcast %slice3A : vector<1x8xf32> to vector<16x8xf32>
    %mul3A_25 = arith.mulf %mul3A, %div3A_24 : vector<16x8xf32>
    %add3A = arith.addf %broadcast_in_dim3A_8, %mul3A_25 : vector<16x8xf32>
    %get3A_26 = arith.constant 1 : index
    %get3A_27 = arith.constant 0 : index
    %get3A_28 = arith.constant 0 : index
    %get3A_29 = vector.load %arg0[%get3A_26, %get3A_27, %get3A_28] : memref<10x16x8xf32, #tpu.memory_space<vmem>>, vector<1x16x8xf32>
    %get3A_30 = vector.shape_cast %get3A_29 : vector<1x16x8xf32> to vector<16x8xf32>
    %reduce_max3A_31 = arith.constant dense<0xFF800000> : vector<8xf32>
    %reduce_max3A_32 = vector.multi_reduction <maximumf>, %get3A_30, %reduce_max3A_31 [0] : vector<16x8xf32> to vector<8xf32>
    %broadcast_in_dim3A_33 = vector.shape_cast %reduce_max3A_32 : vector<8xf32> to vector<1x8xf32>
    %sub3A_34 = vector.broadcast %broadcast_in_dim3A_33 : vector<1x8xf32> to vector<16x8xf32>
    %sub3A_35 = arith.subf %get3A_30, %sub3A_34 : vector<16x8xf32>
    %exp3A_36 = math.exp %sub3A_35 : vector<16x8xf32>
    %reduce_sum3A_37 = arith.constant dense<0.000000e+00> : vector<8xf32>
    %reduce_sum3A_38 = vector.multi_reduction <add>, %exp3A_36, %reduce_sum3A_37 [0] : vector<16x8xf32> to vector<8xf32>
    %broadcast_in_dim3A_39 = vector.shape_cast %reduce_sum3A_38 : vector<8xf32> to vector<1x8xf32>
    %div3A_40 = vector.broadcast %broadcast_in_dim3A_39 : vector<1x8xf32> to vector<16x8xf32>
    %div3A_41 = arith.divf %exp3A_36, %div3A_40 : vector<16x8xf32>
    %slice3A_42 = vector.extract_strided_slice %div3A_6 {offsets = [1, 0], sizes = [1, 8], strides = [1, 1]} : vector<10x8xf32> to vector<1x8xf32>
    %mul3A_43 = vector.broadcast %slice3A_42 : vector<1x8xf32> to vector<16x8xf32>
    %mul3A_44 = arith.mulf %mul3A_43, %div3A_41 : vector<16x8xf32>
    %add3A_45 = arith.addf %add3A, %mul3A_44 : vector<16x8xf32>
    %get3A_46 = arith.constant 2 : index
    %get3A_47 = arith.constant 0 : index
    %get3A_48 = arith.constant 0 : index
    %get3A_49 = vector.load %arg0[%get3A_46, %get3A_47, %get3A_48] : memref<10x16x8xf32, #tpu.memory_space<vmem>>, vector<1x16x8xf32>
    %get3A_50 = vector.shape_cast %get3A_49 : vector<1x16x8xf32> to vector<16x8xf32>
    %reduce_max3A_51 = arith.constant dense<0xFF800000> : vector<8xf32>
    %reduce_max3A_52 = vector.multi_reduction <maximumf>, %get3A_50, %reduce_max3A_51 [0] : vector<16x8xf32> to vector<8xf32>
    %broadcast_in_dim3A_53 = vector.shape_cast %reduce_max3A_52 : vector<8xf32> to vector<1x8xf32>
    %sub3A_54 = vector.broadcast %broadcast_in_dim3A_53 : vector<1x8xf32> to vector<16x8xf32>
    %sub3A_55 = arith.subf %get3A_50, %sub3A_54 : vector<16x8xf32>
    %exp3A_56 = math.exp %sub3A_55 : vector<16x8xf32>
    %reduce_sum3A_57 = arith.constant dense<0.000000e+00> : vector<8xf32>
    %reduce_sum3A_58 = vector.multi_reduction <add>, %exp3A_56, %reduce_sum3A_57 [0] : vector<16x8xf32> to vector<8xf32>
    %broadcast_in_dim3A_59 = vector.shape_cast %reduce_sum3A_58 : vector<8xf32> to vector<1x8xf32>
    %div3A_60 = vector.broadcast %broadcast_in_dim3A_59 : vector<1x8xf32> to vector<16x8xf32>
    %div3A_61 = arith.divf %exp3A_56, %div3A_60 : vector<16x8xf32>
    %slice3A_62 = vector.extract_strided_slice %div3A_6 {offsets = [2, 0], sizes = [1, 8], strides = [1, 1]} : vector<10x8xf32> to vector<1x8xf32>
    %mul3A_63 = vector.broadcast %slice3A_62 : vector<1x8xf32> to vector<16x8xf32>
    %mul3A_64 = arith.mulf %mul3A_63, %div3A_61 : vector<16x8xf32>
    %add3A_65 = arith.addf %add3A_45, %mul3A_64 : vector<16x8xf32>
    %get3A_66 = arith.constant 3 : index
    %get3A_67 = arith.constant 0 : index
    %get3A_68 = arith.constant 0 : index
    %get3A_69 = vector.load %arg0[%get3A_66, %get3A_67, %get3A_68] : memref<10x16x8xf32, #tpu.memory_space<vmem>>, vector<1x16x8xf32>
    %get3A_70 = vector.shape_cast %get3A_69 : vector<1x16x8xf32> to vector<16x8xf32>
    %reduce_max3A_71 = arith.constant dense<0xFF800000> : vector<8xf32>
    %reduce_max3A_72 = vector.multi_reduction <maximumf>, %get3A_70, %reduce_max3A_71 [0] : vector<16x8xf32> to vector<8xf32>
    %broadcast_in_dim3A_73 = vector.shape_cast %reduce_max3A_72 : vector<8xf32> to vector<1x8xf32>
    %sub3A_74 = vector.broadcast %broadcast_in_dim3A_73 : vector<1x8xf32> to vector<16x8xf32>
    %sub3A_75 = arith.subf %get3A_70, %sub3A_74 : vector<16x8xf32>
    %exp3A_76 = math.exp %sub3A_75 : vector<16x8xf32>
    %reduce_sum3A_77 = arith.constant dense<0.000000e+00> : vector<8xf32>
    %reduce_sum3A_78 = vector.multi_reduction <add>, %exp3A_76, %reduce_sum3A_77 [0] : vector<16x8xf32> to vector<8xf32>
    %broadcast_in_dim3A_79 = vector.shape_cast %reduce_sum3A_78 : vector<8xf32> to vector<1x8xf32>
    %div3A_80 = vector.broadcast %broadcast_in_dim3A_79 : vector<1x8xf32> to vector<16x8xf32>
    %div3A_81 = arith.divf %exp3A_76, %div3A_80 : vector<16x8xf32>
    %slice3A_82 = vector.extract_strided_slice %div3A_6 {offsets = [3, 0], sizes = [1, 8], strides = [1, 1]} : vector<10x8xf32> to vector<1x8xf32>
    %mul3A_83 = vector.broadcast %slice3A_82 : vector<1x8xf32> to vector<16x8xf32>
    %mul3A_84 = arith.mulf %mul3A_83, %div3A_81 : vector<16x8xf32>
    %add3A_85 = arith.addf %add3A_65, %mul3A_84 : vector<16x8xf32>
    %get3A_86 = arith.constant 4 : index
    %get3A_87 = arith.constant 0 : index
    %get3A_88 = arith.constant 0 : index
    %get3A_89 = vector.load %arg0[%get3A_86, %get3A_87, %get3A_88] : memref<10x16x8xf32, #tpu.memory_space<vmem>>, vector<1x16x8xf32>
    %get3A_90 = vector.shape_cast %get3A_89 : vector<1x16x8xf32> to vector<16x8xf32>
    %reduce_max3A_91 = arith.constant dense<0xFF800000> : vector<8xf32>
    %reduce_max3A_92 = vector.multi_reduction <maximumf>, %get3A_90, %reduce_max3A_91 [0] : vector<16x8xf32> to vector<8xf32>
    %broadcast_in_dim3A_93 = vector.shape_cast %reduce_max3A_92 : vector<8xf32> to vector<1x8xf32>
    %sub3A_94 = vector.broadcast %broadcast_in_dim3A_93 : vector<1x8xf32> to vector<16x8xf32>
    %sub3A_95 = arith.subf %get3A_90, %sub3A_94 : vector<16x8xf32>
    %exp3A_96 = math.exp %sub3A_95 : vector<16x8xf32>
    %reduce_sum3A_97 = arith.constant dense<0.000000e+00> : vector<8xf32>
    %reduce_sum3A_98 = vector.multi_reduction <add>, %exp3A_96, %reduce_sum3A_97 [0] : vector<16x8xf32> to vector<8xf32>
    %broadcast_in_dim3A_99 = vector.shape_cast %reduce_sum3A_98 : vector<8xf32> to vector<1x8xf32>
    %div3A_100 = vector.broadcast %broadcast_in_dim3A_99 : vector<1x8xf32> to vector<16x8xf32>
    %div3A_101 = arith.divf %exp3A_96, %div3A_100 : vector<16x8xf32>
    %slice3A_102 = vector.extract_strided_slice %div3A_6 {offsets = [4, 0], sizes = [1, 8], strides = [1, 1]} : vector<10x8xf32> to vector<1x8xf32>
    %mul3A_103 = vector.broadcast %slice3A_102 : vector<1x8xf32> to vector<16x8xf32>
    %mul3A_104 = arith.mulf %mul3A_103, %div3A_101 : vector<16x8xf32>
    %add3A_105 = arith.addf %add3A_85, %mul3A_104 : vector<16x8xf32>
    %get3A_106 = arith.constant 5 : index
    %get3A_107 = arith.constant 0 : index
    %get3A_108 = arith.constant 0 : index
    %get3A_109 = vector.load %arg0[%get3A_106, %get3A_107, %get3A_108] : memref<10x16x8xf32, #tpu.memory_space<vmem>>, vector<1x16x8xf32>
    %get3A_110 = vector.shape_cast %get3A_109 : vector<1x16x8xf32> to vector<16x8xf32>
    %reduce_max3A_111 = arith.constant dense<0xFF800000> : vector<8xf32>
    %reduce_max3A_112 = vector.multi_reduction <maximumf>, %get3A_110, %reduce_max3A_111 [0] : vector<16x8xf32> to vector<8xf32>
    %broadcast_in_dim3A_113 = vector.shape_cast %reduce_max3A_112 : vector<8xf32> to vector<1x8xf32>
    %sub3A_114 = vector.broadcast %broadcast_in_dim3A_113 : vector<1x8xf32> to vector<16x8xf32>
    %sub3A_115 = arith.subf %get3A_110, %sub3A_114 : vector<16x8xf32>
    %exp3A_116 = math.exp %sub3A_115 : vector<16x8xf32>
    %reduce_sum3A_117 = arith.constant dense<0.000000e+00> : vector<8xf32>
    %reduce_sum3A_118 = vector.multi_reduction <add>, %exp3A_116, %reduce_sum3A_117 [0] : vector<16x8xf32> to vector<8xf32>
    %broadcast_in_dim3A_119 = vector.shape_cast %reduce_sum3A_118 : vector<8xf32> to vector<1x8xf32>
    %div3A_120 = vector.broadcast %broadcast_in_dim3A_119 : vector<1x8xf32> to vector<16x8xf32>
    %div3A_121 = arith.divf %exp3A_116, %div3A_120 : vector<16x8xf32>
    %slice3A_122 = vector.extract_strided_slice %div3A_6 {offsets = [5, 0], sizes = [1, 8], strides = [1, 1]} : vector<10x8xf32> to vector<1x8xf32>
    %mul3A_123 = vector.broadcast %slice3A_122 : vector<1x8xf32> to vector<16x8xf32>
    %mul3A_124 = arith.mulf %mul3A_123, %div3A_121 : vector<16x8xf32>
    %add3A_125 = arith.addf %add3A_105, %mul3A_124 : vector<16x8xf32>
    %get3A_126 = arith.constant 6 : index
    %get3A_127 = arith.constant 0 : index
    %get3A_128 = arith.constant 0 : index
    %get3A_129 = vector.load %arg0[%get3A_126, %get3A_127, %get3A_128] : memref<10x16x8xf32, #tpu.memory_space<vmem>>, vector<1x16x8xf32>
    %get3A_130 = vector.shape_cast %get3A_129 : vector<1x16x8xf32> to vector<16x8xf32>
    %reduce_max3A_131 = arith.constant dense<0xFF800000> : vector<8xf32>
    %reduce_max3A_132 = vector.multi_reduction <maximumf>, %get3A_130, %reduce_max3A_131 [0] : vector<16x8xf32> to vector<8xf32>
    %broadcast_in_dim3A_133 = vector.shape_cast %reduce_max3A_132 : vector<8xf32> to vector<1x8xf32>
    %sub3A_134 = vector.broadcast %broadcast_in_dim3A_133 : vector<1x8xf32> to vector<16x8xf32>
    %sub3A_135 = arith.subf %get3A_130, %sub3A_134 : vector<16x8xf32>
    %exp3A_136 = math.exp %sub3A_135 : vector<16x8xf32>
    %reduce_sum3A_137 = arith.constant dense<0.000000e+00> : vector<8xf32>
    %reduce_sum3A_138 = vector.multi_reduction <add>, %exp3A_136, %reduce_sum3A_137 [0] : vector<16x8xf32> to vector<8xf32>
    %broadcast_in_dim3A_139 = vector.shape_cast %reduce_sum3A_138 : vector<8xf32> to vector<1x8xf32>
    %div3A_140 = vector.broadcast %broadcast_in_dim3A_139 : vector<1x8xf32> to vector<16x8xf32>
    %div3A_141 = arith.divf %exp3A_136, %div3A_140 : vector<16x8xf32>
    %slice3A_142 = vector.extract_strided_slice %div3A_6 {offsets = [6, 0], sizes = [1, 8], strides = [1, 1]} : vector<10x8xf32> to vector<1x8xf32>
    %mul3A_143 = vector.broadcast %slice3A_142 : vector<1x8xf32> to vector<16x8xf32>
    %mul3A_144 = arith.mulf %mul3A_143, %div3A_141 : vector<16x8xf32>
    %add3A_145 = arith.addf %add3A_125, %mul3A_144 : vector<16x8xf32>
    %get3A_146 = arith.constant 7 : index
    %get3A_147 = arith.constant 0 : index
    %get3A_148 = arith.constant 0 : index
    %get3A_149 = vector.load %arg0[%get3A_146, %get3A_147, %get3A_148] : memref<10x16x8xf32, #tpu.memory_space<vmem>>, vector<1x16x8xf32>
    %get3A_150 = vector.shape_cast %get3A_149 : vector<1x16x8xf32> to vector<16x8xf32>
    %reduce_max3A_151 = arith.constant dense<0xFF800000> : vector<8xf32>
    %reduce_max3A_152 = vector.multi_reduction <maximumf>, %get3A_150, %reduce_max3A_151 [0] : vector<16x8xf32> to vector<8xf32>
    %broadcast_in_dim3A_153 = vector.shape_cast %reduce_max3A_152 : vector<8xf32> to vector<1x8xf32>
    %sub3A_154 = vector.broadcast %broadcast_in_dim3A_153 : vector<1x8xf32> to vector<16x8xf32>
    %sub3A_155 = arith.subf %get3A_150, %sub3A_154 : vector<16x8xf32>
    %exp3A_156 = math.exp %sub3A_155 : vector<16x8xf32>
    %reduce_sum3A_157 = arith.constant dense<0.000000e+00> : vector<8xf32>
    %reduce_sum3A_158 = vector.multi_reduction <add>, %exp3A_156, %reduce_sum3A_157 [0] : vector<16x8xf32> to vector<8xf32>
    %broadcast_in_dim3A_159 = vector.shape_cast %reduce_sum3A_158 : vector<8xf32> to vector<1x8xf32>
    %div3A_160 = vector.broadcast %broadcast_in_dim3A_159 : vector<1x8xf32> to vector<16x8xf32>
    %div3A_161 = arith.divf %exp3A_156, %div3A_160 : vector<16x8xf32>
    %slice3A_162 = vector.extract_strided_slice %div3A_6 {offsets = [7, 0], sizes = [1, 8], strides = [1, 1]} : vector<10x8xf32> to vector<1x8xf32>
    %mul3A_163 = vector.broadcast %slice3A_162 : vector<1x8xf32> to vector<16x8xf32>
    %mul3A_164 = arith.mulf %mul3A_163, %div3A_161 : vector<16x8xf32>
    %add3A_165 = arith.addf %add3A_145, %mul3A_164 : vector<16x8xf32>
    %get3A_166 = arith.constant 8 : index
    %get3A_167 = arith.constant 0 : index
    %get3A_168 = arith.constant 0 : index
    %get3A_169 = vector.load %arg0[%get3A_166, %get3A_167, %get3A_168] : memref<10x16x8xf32, #tpu.memory_space<vmem>>, vector<1x16x8xf32>
    %get3A_170 = vector.shape_cast %get3A_169 : vector<1x16x8xf32> to vector<16x8xf32>
    %reduce_max3A_171 = arith.constant dense<0xFF800000> : vector<8xf32>
    %reduce_max3A_172 = vector.multi_reduction <maximumf>, %get3A_170, %reduce_max3A_171 [0] : vector<16x8xf32> to vector<8xf32>
    %broadcast_in_dim3A_173 = vector.shape_cast %reduce_max3A_172 : vector<8xf32> to vector<1x8xf32>
    %sub3A_174 = vector.broadcast %broadcast_in_dim3A_173 : vector<1x8xf32> to vector<16x8xf32>
    %sub3A_175 = arith.subf %get3A_170, %sub3A_174 : vector<16x8xf32>
    %exp3A_176 = math.exp %sub3A_175 : vector<16x8xf32>
    %reduce_sum3A_177 = arith.constant dense<0.000000e+00> : vector<8xf32>
    %reduce_sum3A_178 = vector.multi_reduction <add>, %exp3A_176, %reduce_sum3A_177 [0] : vector<16x8xf32> to vector<8xf32>
    %broadcast_in_dim3A_179 = vector.shape_cast %reduce_sum3A_178 : vector<8xf32> to vector<1x8xf32>
    %div3A_180 = vector.broadcast %broadcast_in_dim3A_179 : vector<1x8xf32> to vector<16x8xf32>
    %div3A_181 = arith.divf %exp3A_176, %div3A_180 : vector<16x8xf32>
    %slice3A_182 = vector.extract_strided_slice %div3A_6 {offsets = [8, 0], sizes = [1, 8], strides = [1, 1]} : vector<10x8xf32> to vector<1x8xf32>
    %mul3A_183 = vector.broadcast %slice3A_182 : vector<1x8xf32> to vector<16x8xf32>
    %mul3A_184 = arith.mulf %mul3A_183, %div3A_181 : vector<16x8xf32>
    %add3A_185 = arith.addf %add3A_165, %mul3A_184 : vector<16x8xf32>
    %get3A_186 = arith.constant 9 : index
    %get3A_187 = arith.constant 0 : index
    %get3A_188 = arith.constant 0 : index
    %get3A_189 = vector.load %arg0[%get3A_186, %get3A_187, %get3A_188] : memref<10x16x8xf32, #tpu.memory_space<vmem>>, vector<1x16x8xf32>
    %get3A_190 = vector.shape_cast %get3A_189 : vector<1x16x8xf32> to vector<16x8xf32>
    %reduce_max3A_191 = arith.constant dense<0xFF800000> : vector<8xf32>
    %reduce_max3A_192 = vector.multi_reduction <maximumf>, %get3A_190, %reduce_max3A_191 [0] : vector<16x8xf32> to vector<8xf32>
    %broadcast_in_dim3A_193 = vector.shape_cast %reduce_max3A_192 : vector<8xf32> to vector<1x8xf32>
    %sub3A_194 = vector.broadcast %broadcast_in_dim3A_193 : vector<1x8xf32> to vector<16x8xf32>
    %sub3A_195 = arith.subf %get3A_190, %sub3A_194 : vector<16x8xf32>
    %exp3A_196 = math.exp %sub3A_195 : vector<16x8xf32>
    %reduce_sum3A_197 = arith.constant dense<0.000000e+00> : vector<8xf32>
    %reduce_sum3A_198 = vector.multi_reduction <add>, %exp3A_196, %reduce_sum3A_197 [0] : vector<16x8xf32> to vector<8xf32>
    %broadcast_in_dim3A_199 = vector.shape_cast %reduce_sum3A_198 : vector<8xf32> to vector<1x8xf32>
    %div3A_200 = vector.broadcast %broadcast_in_dim3A_199 : vector<1x8xf32> to vector<16x8xf32>
    %div3A_201 = arith.divf %exp3A_196, %div3A_200 : vector<16x8xf32>
    %slice3A_202 = vector.extract_strided_slice %div3A_6 {offsets = [9, 0], sizes = [1, 8], strides = [1, 1]} : vector<10x8xf32> to vector<1x8xf32>
    %mul3A_203 = vector.broadcast %slice3A_202 : vector<1x8xf32> to vector<16x8xf32>
    %mul3A_204 = arith.mulf %mul3A_203, %div3A_201 : vector<16x8xf32>
    %add3A_205 = arith.addf %add3A_185, %mul3A_204 : vector<16x8xf32>
    %broadcast_in_dim3A_206 = arith.constant 0.000000e+00 : f32
    %broadcast_in_dim3A_207 = vector.broadcast %broadcast_in_dim3A_206 : f32 to vector<16x8xf32>
    %broadcast_in_dim3A_208 = arith.constant 0xFF800000 : f32
    %broadcast_in_dim3A_209 = vector.broadcast %broadcast_in_dim3A_208 : f32 to vector<16x8xf32>
    %broadcast_in_dim3A_210 = arith.constant 0 : i32
    %broadcast_in_dim3A_211 = vector.broadcast %broadcast_in_dim3A_210 : i32 to vector<16x8xi32>
    %div3A_212 = arith.divf %mul3A_25, %add3A_205 : vector<16x8xf32>
    %log3A = math.log %mul3A_25 : vector<16x8xf32>
    %mul3A_213 = arith.mulf %div3A_212, %log3A : vector<16x8xf32>
    %add3A_214 = arith.addf %broadcast_in_dim3A_207, %mul3A_213 : vector<16x8xf32>
    %gt3A = arith.cmpf ogt, %mul3A_25, %broadcast_in_dim3A_209 : vector<16x8xf32>
    %jit3A = arith.constant 0 : i32
    %broadcast_in_dim3A_215 = vector.broadcast %jit3A : i32 to vector<16x8xi32>
    %select_n3A = arith.select %gt3A, %broadcast_in_dim3A_215, %broadcast_in_dim3A_211 : vector<16x8xi1>, vector<16x8xi32>
    %select_n3A_216 = arith.select %gt3A, %mul3A_25, %broadcast_in_dim3A_209 : vector<16x8xi1>, vector<16x8xf32>
    %div3A_217 = arith.divf %mul3A_44, %add3A_205 : vector<16x8xf32>
    %log3A_218 = math.log %mul3A_44 : vector<16x8xf32>
    %mul3A_219 = arith.mulf %div3A_217, %log3A_218 : vector<16x8xf32>
    %add3A_220 = arith.addf %add3A_214, %mul3A_219 : vector<16x8xf32>
    %gt3A_221 = arith.cmpf ogt, %mul3A_44, %select_n3A_216 : vector<16x8xf32>
    %jit3A_222 = arith.constant 1 : i32
    %broadcast_in_dim3A_223 = vector.broadcast %jit3A_222 : i32 to vector<16x8xi32>
    %select_n3A_224 = arith.select %gt3A_221, %broadcast_in_dim3A_223, %select_n3A : vector<16x8xi1>, vector<16x8xi32>
    %select_n3A_225 = arith.select %gt3A_221, %mul3A_44, %select_n3A_216 : vector<16x8xi1>, vector<16x8xf32>
    %div3A_226 = arith.divf %mul3A_64, %add3A_205 : vector<16x8xf32>
    %log3A_227 = math.log %mul3A_64 : vector<16x8xf32>
    %mul3A_228 = arith.mulf %div3A_226, %log3A_227 : vector<16x8xf32>
    %add3A_229 = arith.addf %add3A_220, %mul3A_228 : vector<16x8xf32>
    %gt3A_230 = arith.cmpf ogt, %mul3A_64, %select_n3A_225 : vector<16x8xf32>
    %jit3A_231 = arith.constant 2 : i32
    %broadcast_in_dim3A_232 = vector.broadcast %jit3A_231 : i32 to vector<16x8xi32>
    %select_n3A_233 = arith.select %gt3A_230, %broadcast_in_dim3A_232, %select_n3A_224 : vector<16x8xi1>, vector<16x8xi32>
    %select_n3A_234 = arith.select %gt3A_230, %mul3A_64, %select_n3A_225 : vector<16x8xi1>, vector<16x8xf32>
    %div3A_235 = arith.divf %mul3A_84, %add3A_205 : vector<16x8xf32>
    %log3A_236 = math.log %mul3A_84 : vector<16x8xf32>
    %mul3A_237 = arith.mulf %div3A_235, %log3A_236 : vector<16x8xf32>
    %add3A_238 = arith.addf %add3A_229, %mul3A_237 : vector<16x8xf32>
    %gt3A_239 = arith.cmpf ogt, %mul3A_84, %select_n3A_234 : vector<16x8xf32>
    %jit3A_240 = arith.constant 3 : i32
    %broadcast_in_dim3A_241 = vector.broadcast %jit3A_240 : i32 to vector<16x8xi32>
    %select_n3A_242 = arith.select %gt3A_239, %broadcast_in_dim3A_241, %select_n3A_233 : vector<16x8xi1>, vector<16x8xi32>
    %select_n3A_243 = arith.select %gt3A_239, %mul3A_84, %select_n3A_234 : vector<16x8xi1>, vector<16x8xf32>
    %div3A_244 = arith.divf %mul3A_104, %add3A_205 : vector<16x8xf32>
    %log3A_245 = math.log %mul3A_104 : vector<16x8xf32>
    %mul3A_246 = arith.mulf %div3A_244, %log3A_245 : vector<16x8xf32>
    %add3A_247 = arith.addf %add3A_238, %mul3A_246 : vector<16x8xf32>
    %gt3A_248 = arith.cmpf ogt, %mul3A_104, %select_n3A_243 : vector<16x8xf32>
    %jit3A_249 = arith.constant 4 : i32
    %broadcast_in_dim3A_250 = vector.broadcast %jit3A_249 : i32 to vector<16x8xi32>
    %select_n3A_251 = arith.select %gt3A_248, %broadcast_in_dim3A_250, %select_n3A_242 : vector<16x8xi1>, vector<16x8xi32>
    %select_n3A_252 = arith.select %gt3A_248, %mul3A_104, %select_n3A_243 : vector<16x8xi1>, vector<16x8xf32>
    %div3A_253 = arith.divf %mul3A_124, %add3A_205 : vector<16x8xf32>
    %log3A_254 = math.log %mul3A_124 : vector<16x8xf32>
    %mul3A_255 = arith.mulf %div3A_253, %log3A_254 : vector<16x8xf32>
    %add3A_256 = arith.addf %add3A_247, %mul3A_255 : vector<16x8xf32>
    %gt3A_257 = arith.cmpf ogt, %mul3A_124, %select_n3A_252 : vector<16x8xf32>
    %jit3A_258 = arith.constant 5 : i32
    %broadcast_in_dim3A_259 = vector.broadcast %jit3A_258 : i32 to vector<16x8xi32>
    %select_n3A_260 = arith.select %gt3A_257, %broadcast_in_dim3A_259, %select_n3A_251 : vector<16x8xi1>, vector<16x8xi32>
    %select_n3A_261 = arith.select %gt3A_257, %mul3A_124, %select_n3A_252 : vector<16x8xi1>, vector<16x8xf32>
    %div3A_262 = arith.divf %mul3A_144, %add3A_205 : vector<16x8xf32>
    %log3A_263 = math.log %mul3A_144 : vector<16x8xf32>
    %mul3A_264 = arith.mulf %div3A_262, %log3A_263 : vector<16x8xf32>
    %add3A_265 = arith.addf %add3A_256, %mul3A_264 : vector<16x8xf32>
    %gt3A_266 = arith.cmpf ogt, %mul3A_144, %select_n3A_261 : vector<16x8xf32>
    %jit3A_267 = arith.constant 6 : i32
    %broadcast_in_dim3A_268 = vector.broadcast %jit3A_267 : i32 to vector<16x8xi32>
    %select_n3A_269 = arith.select %gt3A_266, %broadcast_in_dim3A_268, %select_n3A_260 : vector<16x8xi1>, vector<16x8xi32>
    %select_n3A_270 = arith.select %gt3A_266, %mul3A_144, %select_n3A_261 : vector<16x8xi1>, vector<16x8xf32>
    %div3A_271 = arith.divf %mul3A_164, %add3A_205 : vector<16x8xf32>
    %log3A_272 = math.log %mul3A_164 : vector<16x8xf32>
    %mul3A_273 = arith.mulf %div3A_271, %log3A_272 : vector<16x8xf32>
    %add3A_274 = arith.addf %add3A_265, %mul3A_273 : vector<16x8xf32>
    %gt3A_275 = arith.cmpf ogt, %mul3A_164, %select_n3A_270 : vector<16x8xf32>
    %jit3A_276 = arith.constant 7 : i32
    %broadcast_in_dim3A_277 = vector.broadcast %jit3A_276 : i32 to vector<16x8xi32>
    %select_n3A_278 = arith.select %gt3A_275, %broadcast_in_dim3A_277, %select_n3A_269 : vector<16x8xi1>, vector<16x8xi32>
    %select_n3A_279 = arith.select %gt3A_275, %mul3A_164, %select_n3A_270 : vector<16x8xi1>, vector<16x8xf32>
    %div3A_280 = arith.divf %mul3A_184, %add3A_205 : vector<16x8xf32>
    %log3A_281 = math.log %mul3A_184 : vector<16x8xf32>
    %mul3A_282 = arith.mulf %div3A_280, %log3A_281 : vector<16x8xf32>
    %add3A_283 = arith.addf %add3A_274, %mul3A_282 : vector<16x8xf32>
    %gt3A_284 = arith.cmpf ogt, %mul3A_184, %select_n3A_279 : vector<16x8xf32>
    %jit3A_285 = arith.constant 8 : i32
    %broadcast_in_dim3A_286 = vector.broadcast %jit3A_285 : i32 to vector<16x8xi32>
    %select_n3A_287 = arith.select %gt3A_284, %broadcast_in_dim3A_286, %select_n3A_278 : vector<16x8xi1>, vector<16x8xi32>
    %select_n3A_288 = arith.select %gt3A_284, %mul3A_184, %select_n3A_279 : vector<16x8xi1>, vector<16x8xf32>
    %div3A_289 = arith.divf %mul3A_204, %add3A_205 : vector<16x8xf32>
    %log3A_290 = math.log %mul3A_204 : vector<16x8xf32>
    %mul3A_291 = arith.mulf %div3A_289, %log3A_290 : vector<16x8xf32>
    %add3A_292 = arith.addf %add3A_283, %mul3A_291 : vector<16x8xf32>
    %gt3A_293 = arith.cmpf ogt, %mul3A_204, %select_n3A_288 : vector<16x8xf32>
    %jit3A_294 = arith.constant 9 : i32
    %broadcast_in_dim3A_295 = vector.broadcast %jit3A_294 : i32 to vector<16x8xi32>
    %select_n3A_296 = arith.select %gt3A_293, %broadcast_in_dim3A_295, %select_n3A_287 : vector<16x8xi1>, vector<16x8xi32>
    %bitcast_convert_type3A = tpu.bitcast %select_n3A_296 : vector<16x8xi32> -> vector<16x8xf32>
    %concatenate3A = tpu.concatenate %add3A_292, %bitcast_convert_type3A in 1 : vector<16x8xf32>, vector<16x8xf32> -> vector<16x16xf32>
    %swap3A = arith.constant 0 : index
    %swap3A_297 = arith.constant 0 : index
    %swap3A_298 = vector.load %arg2[%swap3A, %swap3A_297] : memref<16x16xf32, #tpu.memory_space<vmem>>, vector<16x16xf32>
    tpu.vector_store %arg2[%swap3A, %swap3A_297], %concatenate3A {strides = array<i32>} : memref<16x16xf32, #tpu.memory_space<vmem>>, vector<16x16xf32>,
    return
  }
}

module attributes {stable_mosaic.version = 14 : i64} {
  func.func @_combine_body(%arg0: memref<2x512x8xf32, #tpu.memory_space<vmem>>, %arg1: memref<512x8xf32, #tpu.memory_space<vmem>>) attributes {dimension_semantics = [], scalar_prefetch = 0 : i64, scratch_operands = 0 : i64, tpu.core_type = #tpu.core_type<tc>} {
    %get3A = arith.constant 0 : index
    %get3A_0 = arith.constant 0 : index
    %get3A_1 = arith.constant 0 : index
    %get3A_2 = vector.load %arg0[%get3A, %get3A_0, %get3A_1] : memref<2x512x8xf32, #tpu.memory_space<vmem>>, vector<1x512x8xf32>
    %get3A_3 = vector.shape_cast %get3A_2 : vector<1x512x8xf32> to vector<512x8xf32>
    %get3A_4 = arith.constant 1 : index
    %get3A_5 = arith.constant 0 : index
    %get3A_6 = arith.constant 0 : index
    %get3A_7 = vector.load %arg0[%get3A_4, %get3A_5, %get3A_6] : memref<2x512x8xf32, #tpu.memory_space<vmem>>, vector<1x512x8xf32>
    %get3A_8 = vector.shape_cast %get3A_7 : vector<1x512x8xf32> to vector<512x8xf32>
    %add3A = arith.addf %get3A_3, %get3A_8 : vector<512x8xf32>
    %swap3A = arith.constant 0 : index
    %swap3A_9 = arith.constant 0 : index
    %swap3A_10 = vector.load %arg1[%swap3A, %swap3A_9] : memref<512x8xf32, #tpu.memory_space<vmem>>, vector<512x8xf32>
    tpu.vector_store %arg1[%swap3A, %swap3A_9], %add3A {strides = array<i32>} : memref<512x8xf32, #tpu.memory_space<vmem>>, vector<512x8xf32>,
    return
  }
}

</mosaic_0001>

<sc_bundles>
// kernel: kernel.5.cloned.1.call-start
scs
__scs_entry_jumppad:
0x0: {  	(pc) =	sbr.rel $0x88, $3  }
0x1: {  	(tag) =	ssettag $0x0;
	lr =	simm.s32 $0x1  }
0x2: {  	[smem:$0x3F9D] =	sst lr;
	_ =	strace $0xD0000000  }
0x3: {  	_ = 	snop  }
0x4: {  	_ = 	snop  }
0x5: {  	_ = 	snop  }
0x6: {  	_ = 	snop  }
0x7: {  	_ = 	snop  }
__scs_overlays_trampoline_lowered:
0x8: {  	[smem:$0x3FAC] =	sst s0  }
0x9: {  	[smem:$0x3FAD] =	sst s1  }
0xa: {  	[smem:$0x3FAE] =	sst s2  }
0xb: {  	[smem:$0x3FAF] =	sst s3  }
0xc: {  	[smem:$0x3FB0] =	sst s4  }
0xd: {  	[smem:$0x3FB1] =	sst s5  }
0xe: {  	[smem:$0x3FB2] =	sst s6  }
0xf: {  	[smem:$0x3FB3] =	sst s7  }
0x10: {  	[smem:$0x3FB4] =	sst s8  }
0x11: {  	[smem:$0x3FB5] =	sst s9;
	s0 =	simm.s32 @!p0 $0x0  }
0x12: {  	s1 =	sld [smem:$0x3F9B];
	s0 =	simm.s32 @p0 $0x1  }
0x13: {  	[smem:$0x3FB6] =	sst s0;
	s0 =	simm.s32 @!p1 $0x0  }
0x14: {  	s2 =	sld [smem:$0x3F9A];
	s0 =	simm.s32 @p1 $0x1  }
0x15: {  	[smem:$0x3FB7] =	sst s0;
	s0 =	simm.s32 @!p2 $0x0  }
0x16: {  	s3 =	sld [smem:$0x3FDB];
	s0 =	simm.s32 @p2 $0x1  }
0x17: {  	s4 =	simm.s32 $0x1BF5;
	[smem:$0x3FB9] =	sst s0  }
0x18: {  	s0 =	sld [smem:$0x3F9C];
	_ =	swait.ge [sflag:s4], $0x0  }
0x19: {  	s7 =	sld [smem:$0x3F9D]  }
0x1a: {  	s8 =	sadd.s32 $0xFFFFE003, lr  }
0x1b: {  	s9 =	sadd.s32 $0xFFFFFEF7, lr;
	s5 =	simm.s32 $0xFFFFFFFF;
	p2 =	slt.u32 s8, $0xFFFFF086  }
0x1c: {  	p1 =	slt.u32 s9, $0xF7A;
	s5 =	simm.s32 @!p2 $0x0  }
0x1d: {  	s5 =	simm.s32 @p1 $0x1;
	p0 =	seq.s32 s7, s2  }
0x1e: {  	s7 =	smul.u32 @!p0 $0xF7A, s2;
	p2 =	seq.s32 @!p0 s5, $0x0  }
0x1f: {  	s9 =	smul.u32 $0xF7A, s1;
	s8 =	simm.s32 @!p0 $0x1BF5;
	p2 =	por !p2, p0  }
0x20: {  	[sflag:s8] =	ssyncset.s32 @!p0 $0xFFFFF086;
	s6 =	sadd.s32 @!p0 s3, s7;
	s7 =	simm.s32 @!p0 $0x108  }
0x21: {  	s3 =	sadd.s32 s3, s9;
	s6 =	sadd.s32 @!p0 $0x88, s6;
	s7 =	simm.s32 @p2 $0x1082  }
0x22: {  	[simem:s7], [sflag:s8] =	dma.local @!p0 [hbm:s6], $0xF7A  }
0x23: {  	s9 =	sor.u32 $0xD0000000, s2;
	s6 =	simm.s32 $0x108;
	_ =	swait.ge @!p0 [sflag:s8], $0x0  }
0x24: {  	s3 =	sadd.s32 $0x88, s3;
	s6 =	simm.s32 @!p1 $0x1082;
	[sflag:s4] =	ssyncset.s32 $0xFFFFF086  }
0x25: {  	[simem:s6], [sflag:s4] =	dma.local [hbm:s3], $0xF7A  }
0x26: {  	[smem:$0x3F9D] =	sst s1;
	(tag) =	ssettag s2;
	_ =	strace s9  }
0x27: {  	s1 =	sld [smem:$0x3FAD]  }
0x28: {  	s2 =	sld [smem:$0x3FAE]  }
0x29: {  	s4 =	sld [smem:$0x3FB0]  }
0x2a: {  	p0 =	seq.s32 s5, $0x0;
	s5 =	sld [smem:$0x3FB1]  }
0x2b: {  	s6 =	sld [smem:$0x3FB2]  }
0x2c: {  	s7 =	sld [smem:$0x3FB3]  }
0x2d: {  	s3 =	simm.s32 $0x108;
	s8 =	sld [smem:$0x3FB4]  }
0x2e: {  	s3 =	simm.s32 @!p0 $0x1082;
	s9 =	sld [smem:$0x3FB5]  }
0x2f: {  	lr =	sadd.s32 s0, s3;
	s0 =	sld [smem:$0x3FAC]  }
0x30: {  	s3 =	sld [smem:$0x3FAF]  }
0x31: {  	[smem:$0x3FB8] =	sst s10  }
0x32: {  	s10 =	sld [smem:$0x3FB6];
	_ =	sdelay $0x3  }
0x33: {  	p0 =	seq.s32 s10, $0x1;
	s10 =	sld [smem:$0x3FB8];
	_ =	sdelay $0x3  }
0x34: {  	[smem:$0x3FB8] =	sst s10  }
0x35: {  	s10 =	sld [smem:$0x3FB7];
	_ =	sdelay $0x3  }
0x36: {  	p1 =	seq.s32 s10, $0x1;
	s10 =	sld [smem:$0x3FB8];
	_ =	sdelay $0x3  }
0x37: {  	[smem:$0x3FB8] =	sst s10  }
0x38: {  	s10 =	sld [smem:$0x3FB9]  }
0x39: {  	_ = 	snop;
	(pc) =	sbr.ind lr, $3  }
0x3a: {  	_ = 	snop  }
0x3b: {  	_ = 	snop  }
0x3c: {  	p2 =	seq.s32 s10, $0x1;
	s10 =	sld [smem:$0x3FB8]  }
0x3d: {  	_ =	shalt  }
0x3e: {  	_ =	shalt  }
0x3f: {  	_ =	shalt  }
0x40: {  	_ =	shalt  }
0x41: {  	_ =	shalt  }
0x42: {  	_ =	shalt  }
0x43: {  	_ =	shalt  }
0x44: {  	_ =	shalt  }
0x45: {  	_ =	shalt  }
0x46: {  	_ =	shalt  }
0x47: {  	_ =	shalt  }
0x48: {  	_ =	shalt  }
0x49: {  	_ =	shalt  }
0x4a: {  	_ =	shalt  }
0x4b: {  	_ =	shalt  }
0x4c: {  	_ =	shalt  }
0x4d: {  	_ =	shalt  }
0x4e: {  	_ =	shalt  }
0x4f: {  	_ =	shalt  }
0x50: {  	_ =	shalt  }
0x51: {  	_ =	shalt  }
0x52: {  	_ =	shalt  }
0x53: {  	_ =	shalt  }
0x54: {  	_ =	shalt  }
0x55: {  	_ =	shalt  }
0x56: {  	_ =	shalt  }
0x57: {  	_ =	shalt  }
0x58: {  	_ =	shalt  }
0x59: {  	_ =	shalt  }
0x5a: {  	_ =	shalt  }
0x5b: {  	_ =	shalt  }
0x5c: {  	_ =	shalt  }
0x5d: {  	_ =	shalt  }
0x5e: {  	_ =	shalt  }
0x5f: {  	_ =	shalt  }
0x60: {  	_ =	shalt  }
0x61: {  	_ =	shalt  }
0x62: {  	_ =	shalt  }
0x63: {  	_ =	shalt  }
0x64: {  	_ =	shalt  }
0x65: {  	_ =	shalt  }
0x66: {  	_ =	shalt  }
0x67: {  	_ =	shalt  }
0x68: {  	_ =	shalt  }
0x69: {  	_ =	shalt  }
0x6a: {  	_ =	shalt  }
0x6b: {  	_ =	shalt  }
0x6c: {  	_ =	shalt  }
0x6d: {  	_ =	shalt  }
0x6e: {  	_ =	shalt  }
0x6f: {  	_ =	shalt  }
0x70: {  	_ =	shalt  }
0x71: {  	_ =	shalt  }
0x72: {  	_ =	shalt  }
0x73: {  	_ =	shalt  }
0x74: {  	_ =	shalt  }
0x75: {  	_ =	shalt  }
0x76: {  	_ =	shalt  }
0x77: {  	_ =	shalt  }
0x78: {  	_ =	shalt  }
0x79: {  	_ =	shalt  }
0x7a: {  	_ =	shalt  }
0x7b: {  	_ =	shalt  }
0x7c: {  	_ =	shalt  }
0x7d: {  	_ =	shalt  }
0x7e: {  	_ =	shalt  }
0x7f: {  	_ =	shalt  }
0x80: {  	_ =	shalt  }
0x81: {  	_ =	shalt  }
0x82: {  	_ =	shalt  }
0x83: {  	_ =	shalt  }
0x84: {  	_ =	shalt  }
0x85: {  	_ =	shalt  }
0x86: {  	_ =	shalt  }
0x87: {  	_ =	shalt  }
.Lfunc_end0:
.L_simem_size_0:
called_computation_lowered:
.L_overlay_start_0:
0x88: {  	s2 =	sld [smem:$0x3FD9]  }
0x89: {  	s3 =	sld [smem:$0x3FFE];
	_ =	sdelay $0x1  }
0x8a: {  	s1 =	srdreg.scid  }
0x8b: {  	s0 =	sand.u32 $0x1, s1  }
0x8c: {  	s14 =	sshll.u32 s0, $0xA;
	s2 =	sadd.s32 s3, s2  }
0x8d: {  	s2 =	sadd.s32 s2, s14  }
0x8e: {  	[smem:$0x3FC4] =	sst s2  }
0x8f: {  	_ = 	snop  }
0x90: {  	s2 =	sld [smem:$0x3FD0];
	_ =	sdelay $0x1  }
0x91: {  	s15 =	sld [smem:$0x3FC9]  }
0x92: {  	s5 =	simm.s32 $0xA;
	s6 =	simm.s32 $0x10;
	s4 =	sld [smem:$0x3FC8]  }
0x93: {  	[smem:s6], [sflag:s5] =	dma.local [hbm:s2], $0x1  }
0x94: {  	_ =	swait.eq [sflag:s5], $0x1  }
0x95: {  	[sflag:s5] =	ssyncset.done $0x0  }
0x96: {  	s16 =	sld [smem:$0x10];
	[sflag:s5] =	ssyncadd.s32 $0xFFFFFFFF  }
0x97: {  	s17 =	sld [smem:$0x11];
	(tm) =	ssettm $0x1  }
0x98: {  	s18 =	sld [smem:$0x3FFB];
	_ =	sdelay $0x3  }
0x99: {  	_ =	strace s18  }
0x9a: {  	s6 =	sld [smem:$0x3FFC];
	_ =	sdelay $0x3  }
0x9b: {  	_ =	strace s6  }
0x9c: {  	s6 =	sld [smem:$0x3FFD];
	_ =	sdelay $0x3  }
0x9d: {  	_ =	strace s6  }
0x9e: {  	_ =	strace $0x8FFFFFFF  }
0x9f: {  	s19 =	sld [smem:$0x3FDB];
	_ =	sdelay $0x1  }
0xa0: {  	s7 =	simm.s32 $_scs_section_size  }
0xa1: {  	s8 =	simm.s32 $_size__tile_overlayer_lowered;
	s9 =	simm.s32 $_tile_overlayer_lowered  }
0xa2: {  	s22 =	simm.s32 $0x1BFF;
	s21 =	sshll.u32 s9, $0x1;
	s6 =	sadd.s32 s7, s19  }
0xa3: {  	s10 =	simm.s32 $0x0;
	s20 =	sshll.u32 s8, $0x1;
	s8 =	sadd.s32 s21, s6  }
0xa4: {  	[timem:s10], [sflag:s22] =	dma.local [hbm:s8], s20  }
0xa5: {  	_ =	swait.ge [sflag:s22], s20  }
0xa6: {  	s7 =	ssub.s32 $0x0, s20;
	[sflag:s22] =	ssyncset.done $0x0  }
0xa7: {  	[sflag:s22] =	ssyncadd.s32 s7;
	_ =	sdelay $0x1  }
0xa8: {  	s23 =	simm.s32 $0x1B8B  }
0xa9: {  	_ =	swait.ge [sflag:s23], $0x1  }
0xaa: {  	[sflag:s23] =	ssyncset.done $0x0  }
0xab: {  	s25 =	simm.s32 $0x1B8E;
	s24 =	sld [smem:$0x3FFE];
	[sflag:s23] =	ssyncadd.s32 $0xFFFFFFFF  }
0xac: {  	s26 =	simm.s32 $execute0_lowered;
	[smem:$0x3FD2] =	sst s25  }
0xad: {  	s8 =	sshll.u32 s26, $0x1;
	_ =	strace $0x80000046;
	[dreg:$0x1] =	wrdreg $0xFFFFFFFF  }
0xae: {  	s28 =	simm.s32 $_size_execute0_lowered;
	s6 =	sadd.s32 s6, s8;
	[dreg:$0x0] =	wrdreg $0x0  }
0xaf: {  	s8 =	sshll.u32 s28, $0x1;
	[dreg:$0x2] =	wrdreg s6  }
0xb0: {  	[dreg:$0x3] =	wrdreg s8  }
0xb1: {  	[dreg:$0x4] =	wrdreg $0xC0  }
0xb2: {  	_ =	task [dreg:s10], $0x5FFFF  }
0xb3: {  	[dreg:$0x1] =	wrdreg $0xFFFFFFFF  }
0xb4: {  	[dreg:$0x0] =	wrdreg $0x60  }
0xb5: {  	[dreg:$0x2] =	wrdreg s15  }
0xb6: {  	[dreg:$0x3] =	wrdreg s4  }
0xb7: {  	[dreg:$0x4] =	wrdreg s16  }
0xb8: {  	[dreg:$0x5] =	wrdreg s17  }
0xb9: {  	[dreg:$0x6] =	wrdreg s24  }
0xba: {  	[dreg:$0x7] =	wrdreg $0x3C200  }
0xbb: {  	[dreg:$0x8] =	wrdreg $0x9  }
0xbc: {  	_ =	task.clear_ibuf [dreg:s10], $0x9FFFF;
	_ =	strace $0x90000046  }
0xbd: {  	s29 =	simm.s32 $0x9;
	_ =	strace $0x80000048  }
0xbe: {  	_ =	swait.ge [sflag:s29], $0x1  }
0xbf: {  	[sflag:s29] =	ssyncadd.s32 $0xFFFFFFFF  }
0xc0: {  	_ =	strace $0x90000048  }
0xc1: {  	_ =	sfence  }
0xc2: {  	s30 =	sld [smem:$0x0];
	_ =	sdelay $0x2  }
0xc3: {  	s31 =	sshll.u32 s1, $0xD;
	s1 =	sshrl.u32 s1, $0x2  }
0xc4: {  	s3 =	sand.u32 $0x4000, s31;
	s1 =	sadd.s32 s1, s30  }
0xc5: {  	s0 =	sor.u32 s3, s0;
	s1 =	sshll.u32 s1, $0x11  }
0xc6: {  	s0 =	sor.u32 s1, s0  }
0xc7: {  	s0 =	sadd.s32 $0x8F2B, s0  }
0xc8: {  	[sflag:s0] =	ssyncadd.remote.s32 $0x1  }
0xc9: {  	_ =	sfence.sel $0xFFFF  }
0xca: {  	[dreg:$0x0] =	wrdreg $0xFFFFFFFF;
	(pc) =	sbr.abs _section_cstart, $3  }
0xcb: {  	[dreg:$0x1] =	wrdreg $0xFFFFFFFF  }
0xcc: {  	_ =	task.clear_ibuf [dreg:s10], $0x2FFFF;
	_ =	strace $0x9FFFFFFF  }
0xcd: {  	(tm) =	ssettm $0x7FFFFFFF  }
tec
execute0_lowered:
.L_overlay_start_1:
0x0: {  	(tag) =	ssettag $0x1  }
0x1: {  	s0 =	rddreg [dreg:$0x0]  }
0x2: {  	s1 =	rddreg [dreg:$0x1];
	v0 =	vlaneseq.u32  }
0x3: {  	s4 =	rddreg [dreg:$0x3];
	v0 =	vmul.u32 $0x8, v0  }
0x4: {  	s2 =	rddreg [dreg:$0x4]  }
0x5: {  	s5 =	rddreg [dreg:$0x5];
	v1 =	vimm.f32 $0.0e+00;
	v2 =	vor.u32 $0x1, v0;
	v3 =	vor.u32 $0x2, v0  }
0x6: {  	s6 =	simm.s32 $0x0;
	s3 =	srdreg.scid;
	s7 =	stileid.u32;
	v4 =	vor.u32 $0x3, v0;
	v5 =	vor.u32 $0x4, v0;
	v6 =	vor.u32 $0x5, v0  }
0x7: {  	s11 =	simm.s32 $0x4;
	s31 =	simm.s32 $0x480;
	s15 =	simm.s32 $0x2300;
	v7 =	vor.u32 $0x6, v0;
	v9 =	vor.u32 $0x80, v0;
	v17 =	vor.u32 $0x100, v0  }
0x8: {  	s16 =	simm.s32 $0xB00;
	s28 =	simm.s32 $0x1B00;
	s30 =	simm.s32 $0x80;
	v18 =	vor.u32 $0x101, v0;
	v19 =	vor.u32 $0x102, v0;
	v20 =	vor.u32 $0x103, v0  }
0x9: {  	[smem:$0x7FF] =	sst s6;
	s3 =	sand.u32 $0x1, s3;
	s18 =	sadd.s32 $0x400, s5;
	v21 =	vor.u32 $0x104, v0;
	v22 =	vor.u32 $0x105, v0;
	v23 =	vor.u32 $0x106, v0  }
0xa: {  	s19 =	sadd.s32 $0x800, s5;
	s20 =	sadd.s32 $0xC00, s5;
	p0 =	sne.s32 s7, $0x0;
	v24 =	vor.u32 $0x107, v0;
	v25 =	vor.u32 $0x180, v0;
	v26 =	vor.u32 $0x181, v0  }
0xb: {  	_ =	strace $0x80000047;
	s8 =	sshll.u32 s3, $0x4;
	[dreg:$0x8] =	wrdreg s18;
	v27 =	vor.u32 $0x182, v0;
	v28 =	vor.u32 $0x183, v0;
	v29 =	vor.u32 $0x184, v0  }
0xc: {  	s9 =	sshll.u32 s3, $0x9;
	s3 =	ssub.s32 $0x2, s3;
	[dreg:$0x9] =	wrdreg s19;
	v30 =	vor.u32 $0x185, v0;
	v31 =	vor.u32 $0x186, v0;
	v32 =	vor.u32 $0x187, v0  }
0xd: {  	[dreg:$0xa] =	wrdreg s20;
	s8 =	sor.u32 s7, s8;
	s2 =	sadd.s32 s9, s2;
	v33 =	vor.u32 $0x200, v0;
	v34 =	vor.u32 $0x201, v0;
	v35 =	vor.u32 $0x202, v0  }
0xe: {  	s17 =	sshrl.u32 s3, $0x1;
	v36 =	vor.u32 $0x203, v0;
	v37 =	vor.u32 $0x204, v0;
	v38 =	vor.u32 $0x205, v0;
	s10 =	smul.u32 $0x2710, s8;
	s2 =	sadd.s32 $0x800, s2  }
0xf: {  	s18 =	simm.s32 $0xF00;
	v39 =	vor.u32 $0x206, v0;
	v40 =	vor.u32 $0x207, v0;
	v41 =	vor.u32 $0x280, v0;
	s3 =	ssub.s32 s3, s17;
	[dreg:$0x12] =	wrdreg s2  }
0x10: {  	s19 =	simm.s32 $0x2B00;
	v42 =	vor.u32 $0x281, v0;
	v43 =	vor.u32 $0x282, v0;
	v44 =	vor.u32 $0x283, v0;
	s29 =	smax.u32 s3, $0x1;
	[dreg:$0x7] =	wrdreg s10  }
0x11: {  	s20 =	simm.s32 $0x2F00;
	v45 =	vor.u32 $0x284, v0;
	v46 =	vor.u32 $0x285, v0;
	v47 =	vor.u32 $0x286, v0;
	s21 =	sadd.s32 $0x100, s10;
	[dreg:$0x13] =	wrdreg s29  }
0x12: {  	v48 =	vor.u32 $0x287, v0;
	v49 =	vor.u32 $0x300, v0;
	[tilespmem:$0x1FF80] =	vst v9;
	v9 =	vor.u32 $0x81, v0;
	s17 =	simm.s32 $0x2700;
	s23 =	sadd.s32 $0x180, s10;
	[dreg:$0xb] =	wrdreg s21  }
0x13: {  	v50 =	vor.u32 $0x301, v0;
	v51 =	vor.u32 $0x302, v0;
	[tilespmem:$0x1FF90] =	vst v9;
	v9 =	vor.u32 $0x82, v0;
	s2 =	simm.s32 $0x700;
	s24 =	sadd.s32 $0x200, s10;
	[dreg:$0xc] =	wrdreg s23  }
0x14: {  	v52 =	vor.u32 $0x303, v0;
	v53 =	vor.u32 $0x304, v0;
	[tilespmem:$0x1FFA0] =	vst v9;
	v9 =	vor.u32 $0x83, v0;
	s22 =	sadd.s32 $0x2700, s10;
	s10 =	sadd.s32 $0x280, s10;
	[dreg:$0xd] =	wrdreg s24  }
0x15: {  	v54 =	vor.u32 $0x305, v0;
	v55 =	vor.u32 $0x306, v0;
	[tilespmem:$0x1FFB0] =	vst v9;
	v9 =	vor.u32 $0x84, v0;
	s25 =	sshrl.u32 s22, $0x3;
	[dreg:$0xe] =	wrdreg s10;
	s8 =	sadd.s32 s4, s22  }
0x16: {  	v8 =	vor.u32 $0x7, v0;
	v56 =	vor.u32 $0x307, v0;
	s10 =	simm.s32 $0x1F00;
	s21 =	simm.s32 $0x1300;
	s23 =	simm.s32 $0x1700;
	[tilespmem:$0x1FFC0] =	vst v9;
	v9 =	vor.u32 $0x85, v0  }
0x17: {  	v57 =	vor.u32 $0x380, v0;
	v58 =	vor.u32 $0x381, v0;
	s26 =	sadd.s32 s0, s25;
	s9 =	sadd.s32 s1, s25;
	[dreg:$0x11] =	wrdreg s8;
	[tilespmem:$0x1FFD0] =	vst v9;
	v9 =	vor.u32 $0x86, v0  }
0x18: {  	v59 =	vor.u32 $0x382, v0;
	v60 =	vor.u32 $0x383, v0;
	s25 =	simm.s32 $0x3300;
	s0 =	simm.s32 $0x0;
	[dreg:$0xf] =	wrdreg s26;
	[tilespmem:$0x1FFE0] =	vst v9;
	v9 =	vor.u32 $0x87, v0  }
0x19: {  	v61 =	vor.u32 $0x384, v0;
	v62 =	vor.u32 $0x385, v0;
	v63 =	vor.u32 $0x386, v0;
	[dreg:$0x10] =	wrdreg s9;
	s26 =	simm.s32 $0x400;
	s9 =	simm.s32 $0x1;
	[tilespmem:$0x1FFF0] =	vst v9  }
.LBB2_1:
.Ltmp0:
0x1a: {  	(pc) =	sbr.rel @p0 .LBB2_3-.Ltmp0, $1  }
0x1b: {  	_ =	sdelay $0x3  }
0x1c: {  	_ =	sdelay $0x2  }
0x1d: {  	s7 =	simm.s32 $0x3700  }
0x1e: {  	v9 =	vld [tilespmem:$0x1FF80];
	[tilespmem:v0+s7+$0x0] =	vst.idx.msk $0xffff, v1  }
0x1f: {  	[tilespmem:v2+s7+$0x0] =	vst.idx.msk $0xffff, v1  }
0x20: {  	[tilespmem:v3+s7+$0x0] =	vst.idx.msk $0xffff, v1  }
0x21: {  	[tilespmem:v4+s7+$0x0] =	vst.idx.msk $0xffff, v1  }
0x22: {  	[tilespmem:v5+s7+$0x0] =	vst.idx.msk $0xffff, v1  }
0x23: {  	[tilespmem:v6+s7+$0x0] =	vst.idx.msk $0xffff, v1  }
0x24: {  	[tilespmem:v7+s7+$0x0] =	vst.idx.msk $0xffff, v1  }
0x25: {  	[tilespmem:v8+s7+$0x0] =	vst.idx.msk $0xffff, v1  }
0x26: {  	[tilespmem:v9+s7+$0x0] =	vst.idx.msk $0xffff, v1;
	v9 =	vld [tilespmem:$0x1FF90];
	_ =	sdelay $0x7  }
0x27: {  	[tilespmem:v9+s7+$0x0] =	vst.idx.msk $0xffff, v1;
	v9 =	vld [tilespmem:$0x1FFA0];
	_ =	sdelay $0x7  }
0x28: {  	[tilespmem:v9+s7+$0x0] =	vst.idx.msk $0xffff, v1;
	v9 =	vld [tilespmem:$0x1FFB0];
	_ =	sdelay $0x7  }
0x29: {  	[tilespmem:v9+s7+$0x0] =	vst.idx.msk $0xffff, v1;
	v9 =	vld [tilespmem:$0x1FFC0];
	_ =	sdelay $0x7  }
0x2a: {  	[tilespmem:v9+s7+$0x0] =	vst.idx.msk $0xffff, v1;
	v9 =	vld [tilespmem:$0x1FFD0];
	_ =	sdelay $0x7  }
0x2b: {  	[tilespmem:v9+s7+$0x0] =	vst.idx.msk $0xffff, v1;
	v9 =	vld [tilespmem:$0x1FFE0];
	_ =	sdelay $0x7  }
0x2c: {  	[tilespmem:v9+s7+$0x0] =	vst.idx.msk $0xffff, v1;
	v9 =	vld [tilespmem:$0x1FFF0];
	_ =	sdelay $0x7  }
0x2d: {  	[tilespmem:v9+s7+$0x0] =	vst.idx.msk $0xffff, v1  }
0x2e: {  	[tilespmem:v17+s7+$0x0] =	vst.idx.msk $0xffff, v1  }
0x2f: {  	[tilespmem:v18+s7+$0x0] =	vst.idx.msk $0xffff, v1  }
0x30: {  	[tilespmem:v19+s7+$0x0] =	vst.idx.msk $0xffff, v1  }
0x31: {  	[tilespmem:v20+s7+$0x0] =	vst.idx.msk $0xffff, v1  }
0x32: {  	[tilespmem:v21+s7+$0x0] =	vst.idx.msk $0xffff, v1  }
0x33: {  	[tilespmem:v22+s7+$0x0] =	vst.idx.msk $0xffff, v1  }
0x34: {  	[tilespmem:v23+s7+$0x0] =	vst.idx.msk $0xffff, v1  }
0x35: {  	[tilespmem:v24+s7+$0x0] =	vst.idx.msk $0xffff, v1  }
0x36: {  	[tilespmem:v25+s7+$0x0] =	vst.idx.msk $0xffff, v1  }
0x37: {  	[tilespmem:v26+s7+$0x0] =	vst.idx.msk $0xffff, v1  }
0x38: {  	[tilespmem:v27+s7+$0x0] =	vst.idx.msk $0xffff, v1  }
0x39: {  	[tilespmem:v28+s7+$0x0] =	vst.idx.msk $0xffff, v1  }
0x3a: {  	[tilespmem:v29+s7+$0x0] =	vst.idx.msk $0xffff, v1  }
0x3b: {  	[tilespmem:v30+s7+$0x0] =	vst.idx.msk $0xffff, v1  }
0x3c: {  	[tilespmem:v31+s7+$0x0] =	vst.idx.msk $0xffff, v1  }
0x3d: {  	[tilespmem:v32+s7+$0x0] =	vst.idx.msk $0xffff, v1  }
0x3e: {  	[tilespmem:v33+s7+$0x0] =	vst.idx.msk $0xffff, v1  }
0x3f: {  	[tilespmem:v34+s7+$0x0] =	vst.idx.msk $0xffff, v1  }
0x40: {  	[tilespmem:v35+s7+$0x0] =	vst.idx.msk $0xffff, v1  }
0x41: {  	[tilespmem:v36+s7+$0x0] =	vst.idx.msk $0xffff, v1  }
0x42: {  	[tilespmem:v37+s7+$0x0] =	vst.idx.msk $0xffff, v1  }
0x43: {  	[tilespmem:v38+s7+$0x0] =	vst.idx.msk $0xffff, v1  }
0x44: {  	[tilespmem:v39+s7+$0x0] =	vst.idx.msk $0xffff, v1  }
0x45: {  	[tilespmem:v40+s7+$0x0] =	vst.idx.msk $0xffff, v1  }
0x46: {  	[tilespmem:v41+s7+$0x0] =	vst.idx.msk $0xffff, v1  }
0x47: {  	[tilespmem:v42+s7+$0x0] =	vst.idx.msk $0xffff, v1  }
0x48: {  	[tilespmem:v43+s7+$0x0] =	vst.idx.msk $0xffff, v1  }
0x49: {  	[tilespmem:v44+s7+$0x0] =	vst.idx.msk $0xffff, v1  }
0x4a: {  	[tilespmem:v45+s7+$0x0] =	vst.idx.msk $0xffff, v1  }
0x4b: {  	[tilespmem:v46+s7+$0x0] =	vst.idx.msk $0xffff, v1  }
0x4c: {  	[tilespmem:v47+s7+$0x0] =	vst.idx.msk $0xffff, v1  }
0x4d: {  	[tilespmem:v48+s7+$0x0] =	vst.idx.msk $0xffff, v1  }
0x4e: {  	[tilespmem:v49+s7+$0x0] =	vst.idx.msk $0xffff, v1  }
0x4f: {  	[tilespmem:v50+s7+$0x0] =	vst.idx.msk $0xffff, v1  }
0x50: {  	[tilespmem:v51+s7+$0x0] =	vst.idx.msk $0xffff, v1  }
0x51: {  	[tilespmem:v52+s7+$0x0] =	vst.idx.msk $0xffff, v1  }
0x52: {  	[tilespmem:v53+s7+$0x0] =	vst.idx.msk $0xffff, v1  }
0x53: {  	[tilespmem:v54+s7+$0x0] =	vst.idx.msk $0xffff, v1  }
0x54: {  	[tilespmem:v55+s7+$0x0] =	vst.idx.msk $0xffff, v1  }
0x55: {  	[tilespmem:v56+s7+$0x0] =	vst.idx.msk $0xffff, v1  }
0x56: {  	[tilespmem:v57+s7+$0x0] =	vst.idx.msk $0xffff, v1  }
0x57: {  	[tilespmem:v58+s7+$0x0] =	vst.idx.msk $0xffff, v1  }
0x58: {  	v9 =	vor.u32 $0x387, v0;
	[tilespmem:v59+s7+$0x0] =	vst.idx.msk $0xffff, v1  }
0x59: {  	[tilespmem:v60+s7+$0x0] =	vst.idx.msk $0xffff, v1  }
0x5a: {  	[tilespmem:v61+s7+$0x0] =	vst.idx.msk $0xffff, v1  }
0x5b: {  	[tilespmem:v62+s7+$0x0] =	vst.idx.msk $0xffff, v1  }
0x5c: {  	[tilespmem:v63+s7+$0x0] =	vst.idx.msk $0xffff, v1  }
0x5d: {  	[tilespmem:v9+s7+$0x0] =	vst.idx.msk $0xffff, v1  }
0x5e: {  	[spmem:s5] =	stream.linear.scatter [tilespmem:s7], [sflag:$0x4], $0x400, $0x38;
	[tilespmem:$0x3D20] =	vst v63  }
0x5f: {  	_ =	swait.ge [sflag:s11], $0x400  }
0x60: {  	[sflag:s11] =	ssyncset.done $0x0  }
0x61: {  	s3 =	rddreg [dreg:$0x8];
	[sflag:s11] =	ssyncadd.s32 $0xFFFFFC00  }
0x62: {  	[spmem:s3] =	stream.linear.scatter [tilespmem:s7], [sflag:$0x4], $0x400, $0x38;
	[tilespmem:$0x3D20] =	vst v63  }
0x63: {  	_ =	swait.ge [sflag:s11], $0x400  }
0x64: {  	[sflag:s11] =	ssyncset.done $0x0  }
0x65: {  	s24 =	rddreg [dreg:$0x9];
	[sflag:s11] =	ssyncadd.s32 $0xFFFFFC00  }
0x66: {  	[spmem:s24] =	stream.linear.scatter [tilespmem:s7], [sflag:$0x4], $0x400, $0x38;
	[tilespmem:$0x3D20] =	vst v63  }
0x67: {  	_ =	swait.ge [sflag:s11], $0x400  }
0x68: {  	[sflag:s11] =	ssyncset.done $0x0  }
0x69: {  	s29 =	rddreg [dreg:$0xa];
	[sflag:s11] =	ssyncadd.s32 $0xFFFFFC00  }
0x6a: {  	[spmem:s29] =	stream.linear.scatter [tilespmem:s7], [sflag:$0x4], $0x400, $0x38;
	[tilespmem:$0x3D20] =	vst v63  }
0x6b: {  	_ =	swait.ge [sflag:s11], $0x400  }
0x6c: {  	[sflag:s11] =	ssyncset.done $0x0  }
0x6d: {  	[sflag:s11] =	ssyncadd.s32 $0xFFFFFC00  }
.LBB2_3:
0x6e: {  	[dreg:$0x14] =	wrdreg s0  }
0x6f: {  	s3 =	simm.s32 $0x0;
	s7 =	rddreg [dreg:$0x2]  }
0x70: {  	[tilespmem:s3], [sflag:$0x4] =	stream.linear.gather [hbm4b:s7+s3], $0x100, $0x38;
	[tilespmem:$0x3D20] =	vst v63  }
0x71: {  	_ =	swait.ge [sflag:s11], $0x100  }
0x72: {  	[sflag:s11] =	ssyncset.done $0x0  }
0x73: {  	[sflag:s11] =	ssyncadd.s32 $0xFFFFFF00  }
0x74: {  	s7 =	simm.s32 $0x0;
	[bflag:$0x0] =	sbarrier.arrive $0xFFFF  }
.LBB2_4:
0x75: {  	p1 =	seq.s32 s7, $0x0  }
0x76: {  	s8 =	simm.s32 @!p1 $0x2  }
0x77: {  	_ =	swait.ge @!p1 [sflag:s8], $0x400  }
0x78: {  	[sflag:s8] =	ssyncset.done @!p1 $0x0  }
0x79: {  	s12 =	simm.s32 @!p1 $0x3;
	[sflag:s8] =	ssyncadd.s32 @!p1 $0xFFFFFC00  }
0x7a: {  	_ =	swait.ge @!p1 [sflag:s12], $0x400  }
0x7b: {  	[sflag:s12] =	ssyncset.done @!p1 $0x0  }
0x7c: {  	[sflag:s12] =	ssyncadd.s32 @!p1 $0xFFFFFC00  }
0x7d: {  	_ =	swait.ge @!p1 [sflag:s8], $0x400  }
0x7e: {  	[sflag:s8] =	ssyncset.done @!p1 $0x0  }
0x7f: {  	[sflag:s8] =	ssyncadd.s32 @!p1 $0xFFFFFC00  }
0x80: {  	_ =	swait.ge @!p1 [sflag:s12], $0x400  }
0x81: {  	[sflag:s12] =	ssyncset.done @!p1 $0x0  }
0x82: {  	[sflag:s12] =	ssyncadd.s32 @!p1 $0xFFFFFC00  }
0x83: {  	_ =	swait.ge @!p1 [sflag:s8], $0x400  }
0x84: {  	[sflag:s8] =	ssyncset.done @!p1 $0x0  }
0x85: {  	[sflag:s8] =	ssyncadd.s32 @!p1 $0xFFFFFC00  }
0x86: {  	_ =	swait.ge @!p1 [sflag:s12], $0x400  }
0x87: {  	[sflag:s12] =	ssyncset.done @!p1 $0x0  }
0x88: {  	[sflag:s12] =	ssyncadd.s32 @!p1 $0xFFFFFC00  }
0x89: {  	_ =	swait.ge @!p1 [sflag:s8], $0x400  }
0x8a: {  	[sflag:s8] =	ssyncset.done @!p1 $0x0  }
0x8b: {  	[sflag:s8] =	ssyncadd.s32 @!p1 $0xFFFFFC00  }
0x8c: {  	_ =	swait.ge @!p1 [sflag:s12], $0x400  }
0x8d: {  	[sflag:s12] =	ssyncset.done @!p1 $0x0  }
0x8e: {  	[sflag:s12] =	ssyncadd.s32 @!p1 $0xFFFFFC00  }
0x8f: {  	_ =	swait.ge @!p1 [sflag:s8], $0x400  }
0x90: {  	[sflag:s8] =	ssyncset.done @!p1 $0x0  }
0x91: {  	[sflag:s8] =	ssyncadd.s32 @!p1 $0xFFFFFC00  }
0x92: {  	_ =	swait.ge @!p1 [sflag:s12], $0x400  }
0x93: {  	[sflag:s12] =	ssyncset.done @!p1 $0x0  }
0x94: {  	[sflag:s12] =	ssyncadd.s32 @!p1 $0xFFFFFC00  }
0x95: {  	_ =	swait.ge @!p1 [sflag:s8], $0x400  }
0x96: {  	[sflag:s8] =	ssyncset.done @!p1 $0x0  }
0x97: {  	[sflag:s8] =	ssyncadd.s32 @!p1 $0xFFFFFC00  }
0x98: {  	s24 =	smul.u32 $0x300, s7;
	_ =	swait.ge @!p1 [sflag:s12], $0x400  }
0x99: {  	s14 =	rddreg [dreg:$0x7];
	[sflag:s12] =	ssyncset.done @!p1 $0x0  }
0x9a: {  	s11 =	sadd.s32 s14, s24;
	[sflag:s12] =	ssyncadd.s32 @!p1 $0xFFFFFC00  }
0x9b: {  	s8 =	sshrl.u32 s11, $0x3;
	s1 =	rddreg [dreg:$0x0]  }
0x9c: {  	s29 =	simm.s32 $0x100;
	s4 =	rddreg [dreg:$0x1];
	s22 =	sadd.s32 s1, s8  }
0x9d: {  	[tilespmem:s29], [sflag:$0x1] =	stream.linear.gather [hbm4b:s22+s3], $0x80, $0x38;
	[tilespmem:$0x3D20] =	vst v63  }
0x9e: {  	s12 =	sadd.s32 $0x80, s11;
	s8 =	sadd.s32 s4, s8  }
0x9f: {  	[tilespmem:s26], [sflag:$0x1] =	stream.linear.gather [hbm4b:s8+s3], $0x80, $0x38;
	[tilespmem:$0x3D20] =	vst v63  }
0xa0: {  	s26 =	sshrl.u32 s12, $0x3  }
0xa1: {  	s14 =	simm.s32 $0x180;
	s22 =	rddreg [dreg:$0xb];
	s13 =	sadd.s32 s1, s26  }
0xa2: {  	[tilespmem:s14], [sflag:$0x1] =	stream.linear.gather [hbm4b:s13+s3], $0x80, $0x38;
	[tilespmem:$0x3D20] =	vst v63  }
0xa3: {  	s8 =	sadd.s32 s4, s26;
	s13 =	sadd.s32 s24, s22  }
0xa4: {  	[tilespmem:s31], [sflag:$0x1] =	stream.linear.gather [hbm4b:s8+s3], $0x80, $0x38;
	[tilespmem:$0x3D20] =	vst v63  }
0xa5: {  	s8 =	sshrl.u32 s13, $0x3  }
0xa6: {  	s22 =	simm.s32 $0x200;
	s26 =	sadd.s32 s1, s8  }
0xa7: {  	[tilespmem:s22], [sflag:$0x1] =	stream.linear.gather [hbm4b:s26+s3], $0x80, $0x38;
	[tilespmem:$0x3D20] =	vst v63  }
0xa8: {  	s26 =	rddreg [dreg:$0xc]  }
0xa9: {  	s0 =	simm.s32 $0x500;
	s8 =	sadd.s32 s4, s8;
	s14 =	sadd.s32 s24, s26  }
0xaa: {  	[tilespmem:s0], [sflag:$0x1] =	stream.linear.gather [hbm4b:s8+s3], $0x80, $0x38;
	[tilespmem:$0x3D20] =	vst v63  }
0xab: {  	s8 =	sshrl.u32 s14, $0x3  }
0xac: {  	s22 =	rddreg [dreg:$0xd];
	s26 =	simm.s32 $0x280;
	s0 =	sadd.s32 s1, s8  }
0xad: {  	[tilespmem:s26], [sflag:$0x1] =	stream.linear.gather [hbm4b:s0+s3], $0x80, $0x38;
	[tilespmem:$0x3D20] =	vst v63  }
0xae: {  	s22 =	sadd.s32 s24, s22;
	s8 =	sadd.s32 s4, s8;
	s26 =	simm.s32 $0x580  }
0xaf: {  	[tilespmem:s26], [sflag:$0x1] =	stream.linear.gather [hbm4b:s8+s3], $0x80, $0x38;
	[tilespmem:$0x3D20] =	vst v63  }
0xb0: {  	s8 =	sshrl.u32 s22, $0x3  }
0xb1: {  	s0 =	simm.s32 $0x300;
	s26 =	sadd.s32 s1, s8  }
0xb2: {  	[tilespmem:s0], [sflag:$0x1] =	stream.linear.gather [hbm4b:s26+s3], $0x80, $0x38;
	[tilespmem:$0x3D20] =	vst v63  }
0xb3: {  	s8 =	sadd.s32 s4, s8;
	s26 =	simm.s32 $0x600  }
0xb4: {  	[tilespmem:s26], [sflag:$0x1] =	stream.linear.gather [hbm4b:s8+s3], $0x80, $0x38;
	[tilespmem:$0x3D20] =	vst v63  }
0xb5: {  	s26 =	rddreg [dreg:$0xe]  }
0xb6: {  	s24 =	sadd.s32 s24, s26  }
0xb7: {  	s8 =	sshrl.u32 s24, $0x3  }
0xb8: {  	s0 =	sadd.s32 s1, s8;
	s1 =	simm.s32 $0x380  }
0xb9: {  	[tilespmem:s1], [sflag:$0x1] =	stream.linear.gather [hbm4b:s0+s3], $0x80, $0x38;
	[tilespmem:$0x3D20] =	vst v63  }
0xba: {  	s8 =	sadd.s32 s4, s8;
	s4 =	simm.s32 $0x680  }
0xbb: {  	[tilespmem:s4], [sflag:$0x1] =	stream.linear.gather [hbm4b:s8+s3], $0x80, $0x38;
	[tilespmem:$0x3D20] =	vst v63  }
0xbc: {  	_ =	swait.ge [sflag:s9], $0x80  }
0xbd: {  	[sflag:s9] =	ssyncset.done $0x0  }
0xbe: {  	[sflag:s9] =	ssyncadd.s32 $0xFFFFFF80  }
0xbf: {  	_ =	swait.ge [sflag:s9], $0x80  }
0xc0: {  	[sflag:s9] =	ssyncset.done $0x0  }
0xc1: {  	[sflag:s9] =	ssyncadd.s32 $0xFFFFFF80  }
0xc2: {  	_ =	swait.ge [sflag:s9], $0x80  }
0xc3: {  	[sflag:s9] =	ssyncset.done $0x0  }
0xc4: {  	[sflag:s9] =	ssyncadd.s32 $0xFFFFFF80  }
0xc5: {  	_ =	swait.ge [sflag:s9], $0x80  }
0xc6: {  	[sflag:s9] =	ssyncset.done $0x0  }
0xc7: {  	[sflag:s9] =	ssyncadd.s32 $0xFFFFFF80  }
0xc8: {  	_ =	swait.ge [sflag:s9], $0x80  }
0xc9: {  	[sflag:s9] =	ssyncset.done $0x0  }
0xca: {  	[sflag:s9] =	ssyncadd.s32 $0xFFFFFF80  }
0xcb: {  	_ =	swait.ge [sflag:s9], $0x80  }
0xcc: {  	[sflag:s9] =	ssyncset.done $0x0  }
0xcd: {  	[sflag:s9] =	ssyncadd.s32 $0xFFFFFF80  }
0xce: {  	_ =	swait.ge [sflag:s9], $0x80  }
0xcf: {  	[sflag:s9] =	ssyncset.done $0x0  }
0xd0: {  	[sflag:s9] =	ssyncadd.s32 $0xFFFFFF80  }
0xd1: {  	_ =	swait.ge [sflag:s9], $0x80  }
0xd2: {  	[sflag:s9] =	ssyncset.done $0x0  }
0xd3: {  	[sflag:s9] =	ssyncadd.s32 $0xFFFFFF80  }
0xd4: {  	_ =	swait.ge [sflag:s9], $0x80  }
0xd5: {  	[sflag:s9] =	ssyncset.done $0x0  }
0xd6: {  	[sflag:s9] =	ssyncadd.s32 $0xFFFFFF80  }
0xd7: {  	_ =	swait.ge [sflag:s9], $0x80  }
0xd8: {  	[sflag:s9] =	ssyncset.done $0x0  }
0xd9: {  	[sflag:s9] =	ssyncadd.s32 $0xFFFFFF80  }
0xda: {  	_ =	swait.ge [sflag:s9], $0x80  }
0xdb: {  	[sflag:s9] =	ssyncset.done $0x0  }
0xdc: {  	[sflag:s9] =	ssyncadd.s32 $0xFFFFFF80  }
0xdd: {  	_ =	swait.ge [sflag:s9], $0x80  }
0xde: {  	[sflag:s9] =	ssyncset.done $0x0  }
0xdf: {  	s31 =	simm.s32 $0x0;
	s8 =	simm.s32 $0x0;
	[sflag:s9] =	ssyncadd.s32 $0xFFFFFF80  }
.LBB2_5:
0xe0: {  	v9 =	vld [tilespmem:s29+$0x0];
	_ =	sdelay $0x4  }
0xe1: {  	v9 =	vshll.u32 v9, $0x4  }
0xe2: {  	v10 =	vor.u32 $0x8, v9;
	_ =	sdelay $0x1  }
0xe3: {  	v11 =	vmov s8  }
0xe4: {  	s26 =	simm.s32 $0x0;
	v11 =	vshll.u32 v11, $0x3  }
0xe5: {  	v11 =	vor.u32 v0, v11;
	v12 =	vld.idx.msk [tilespmem:v9+s26+$0x0], $0xffff  }
0xe6: {  	v13 =	vor.u32 s31, v0;
	v10 =	vld.idx.msk [tilespmem:v10+s26+$0x0], $0xffff  }
0xe7: {  	v14 =	vor.u32 $0x1, v9  }
0xe8: {  	v15 =	vor.u32 $0x9, v9;
	_ =	sdelay $0x1  }
0xe9: {  	[tilespmem:v11+s10+$0x0] =	vst.idx.msk $0xffff, v12  }
0xea: {  	[tilespmem:v13+s2+$0x0] =	vst.idx.msk $0xffff, v10  }
0xeb: {  	v12 =	vor.u32 $0x1, v11;
	v10 =	vld.idx.msk [tilespmem:v14+s26+$0x0], $0xffff  }
0xec: {  	v13 =	vld.idx.msk [tilespmem:v15+s26+$0x0], $0xffff;
	v14 =	vor.u32 s31, v2  }
0xed: {  	v15 =	vor.u32 $0x2, v9  }
0xee: {  	v16 =	vor.u32 $0xA, v9;
	_ =	sdelay $0x1  }
0xef: {  	[tilespmem:v12+s10+$0x0] =	vst.idx.msk $0xffff, v10  }
0xf0: {  	[tilespmem:v14+s2+$0x0] =	vst.idx.msk $0xffff, v13  }
0xf1: {  	v12 =	vor.u32 $0x2, v11;
	v10 =	vld.idx.msk [tilespmem:v15+s26+$0x0], $0xffff  }
0xf2: {  	v14 =	vor.u32 s31, v3;
	v13 =	vld.idx.msk [tilespmem:v16+s26+$0x0], $0xffff  }
0xf3: {  	v15 =	vor.u32 $0x3, v9  }
0xf4: {  	v16 =	vor.u32 $0xB, v9;
	_ =	sdelay $0x1  }
0xf5: {  	[tilespmem:v12+s10+$0x0] =	vst.idx.msk $0xffff, v10  }
0xf6: {  	[tilespmem:v14+s2+$0x0] =	vst.idx.msk $0xffff, v13  }
0xf7: {  	v12 =	vor.u32 $0x3, v11;
	v10 =	vld.idx.msk [tilespmem:v15+s26+$0x0], $0xffff  }
0xf8: {  	v14 =	vor.u32 s31, v4;
	v13 =	vld.idx.msk [tilespmem:v16+s26+$0x0], $0xffff  }
0xf9: {  	v15 =	vor.u32 $0x4, v9  }
0xfa: {  	v16 =	vor.u32 $0xC, v9;
	_ =	sdelay $0x1  }
0xfb: {  	[tilespmem:v12+s10+$0x0] =	vst.idx.msk $0xffff, v10  }
0xfc: {  	[tilespmem:v14+s2+$0x0] =	vst.idx.msk $0xffff, v13  }
0xfd: {  	v12 =	vor.u32 $0x4, v11;
	v10 =	vld.idx.msk [tilespmem:v15+s26+$0x0], $0xffff  }
0xfe: {  	v14 =	vor.u32 s31, v5;
	v13 =	vld.idx.msk [tilespmem:v16+s26+$0x0], $0xffff  }
0xff: {  	v15 =	vor.u32 $0x5, v9  }
0x100: {  	v16 =	vor.u32 $0xD, v9;
	_ =	sdelay $0x1  }
0x101: {  	[tilespmem:v12+s10+$0x0] =	vst.idx.msk $0xffff, v10  }
0x102: {  	[tilespmem:v14+s2+$0x0] =	vst.idx.msk $0xffff, v13  }
0x103: {  	v12 =	vor.u32 $0x5, v11;
	v10 =	vld.idx.msk [tilespmem:v15+s26+$0x0], $0xffff  }
0x104: {  	v14 =	vor.u32 s31, v6;
	v13 =	vld.idx.msk [tilespmem:v16+s26+$0x0], $0xffff  }
0x105: {  	v15 =	vor.u32 $0x6, v9  }
0x106: {  	v16 =	vor.u32 $0xE, v9;
	_ =	sdelay $0x1  }
0x107: {  	[tilespmem:v12+s10+$0x0] =	vst.idx.msk $0xffff, v10  }
0x108: {  	[tilespmem:v14+s2+$0x0] =	vst.idx.msk $0xffff, v13  }
0x109: {  	v12 =	vor.u32 $0x6, v11;
	v10 =	vld.idx.msk [tilespmem:v15+s26+$0x0], $0xffff  }
0x10a: {  	v14 =	vor.u32 s31, v7;
	v13 =	vld.idx.msk [tilespmem:v16+s26+$0x0], $0xffff  }
0x10b: {  	v15 =	vor.u32 $0x7, v9  }
0x10c: {  	v9 =	vor.u32 $0xF, v9;
	_ =	sdelay $0x1  }
0x10d: {  	[tilespmem:v12+s10+$0x0] =	vst.idx.msk $0xffff, v10  }
0x10e: {  	[tilespmem:v14+s2+$0x0] =	vst.idx.msk $0xffff, v13  }
0x10f: {  	v11 =	vor.u32 $0x7, v11;
	v10 =	vld.idx.msk [tilespmem:v15+s26+$0x0], $0xffff  }
0x110: {  	p1 =	sne.s32 s8, $0x70;
	v12 =	vor.u32 s31, v8;
	v9 =	vld.idx.msk [tilespmem:v9+s26+$0x0], $0xffff  }
.Ltmp1:
0x111: {  	_ = 	snop;
	(pc) =	sbr.rel @p1 .LBB2_5-.Ltmp1, $3  }
0x112: {  	_ =	sdelay $0x1  }
0x113: {  	[tilespmem:v11+s10+$0x0] =	vst.idx.msk $0xffff, v10  }
0x114: {  	s29 =	sadd.s32 $0x10, s29;
	s8 =	sadd.s32 $0x10, s8;
	s31 =	sadd.s32 $0x80, s31;
	[tilespmem:v12+s2+$0x0] =	vst.idx.msk $0xffff, v9  }
0x115: {  	s29 =	simm.s32 $0x180;
	s8 =	simm.s32 $0x0;
	s31 =	simm.s32 $0x0  }
.LBB2_7:
0x116: {  	v9 =	vld [tilespmem:s29+$0x0];
	_ =	sdelay $0x4  }
0x117: {  	v9 =	vshll.u32 v9, $0x4  }
0x118: {  	v10 =	vor.u32 $0x8, v9;
	_ =	sdelay $0x1  }
0x119: {  	v11 =	vmov s31  }
0x11a: {  	v11 =	vshll.u32 v11, $0x3  }
0x11b: {  	v11 =	vor.u32 v0, v11;
	v12 =	vld.idx.msk [tilespmem:v9+s26+$0x0], $0xffff  }
0x11c: {  	v13 =	vor.u32 s8, v0;
	v10 =	vld.idx.msk [tilespmem:v10+s26+$0x0], $0xffff  }
0x11d: {  	v14 =	vor.u32 $0x1, v9  }
0x11e: {  	v15 =	vor.u32 $0x9, v9;
	_ =	sdelay $0x1  }
0x11f: {  	[tilespmem:v11+s15+$0x0] =	vst.idx.msk $0xffff, v12  }
0x120: {  	[tilespmem:v13+s16+$0x0] =	vst.idx.msk $0xffff, v10  }
0x121: {  	v12 =	vor.u32 $0x1, v11;
	v10 =	vld.idx.msk [tilespmem:v14+s26+$0x0], $0xffff  }
0x122: {  	v13 =	vld.idx.msk [tilespmem:v15+s26+$0x0], $0xffff;
	v14 =	vor.u32 s8, v2  }
0x123: {  	v15 =	vor.u32 $0x2, v9  }
0x124: {  	v16 =	vor.u32 $0xA, v9;
	_ =	sdelay $0x1  }
0x125: {  	[tilespmem:v12+s15+$0x0] =	vst.idx.msk $0xffff, v10  }
0x126: {  	[tilespmem:v14+s16+$0x0] =	vst.idx.msk $0xffff, v13  }
0x127: {  	v12 =	vor.u32 $0x2, v11;
	v10 =	vld.idx.msk [tilespmem:v15+s26+$0x0], $0xffff  }
0x128: {  	v14 =	vor.u32 s8, v3;
	v13 =	vld.idx.msk [tilespmem:v16+s26+$0x0], $0xffff  }
0x129: {  	v15 =	vor.u32 $0x3, v9  }
0x12a: {  	v16 =	vor.u32 $0xB, v9;
	_ =	sdelay $0x1  }
0x12b: {  	[tilespmem:v12+s15+$0x0] =	vst.idx.msk $0xffff, v10  }
0x12c: {  	[tilespmem:v14+s16+$0x0] =	vst.idx.msk $0xffff, v13  }
0x12d: {  	v12 =	vor.u32 $0x3, v11;
	v10 =	vld.idx.msk [tilespmem:v15+s26+$0x0], $0xffff  }
0x12e: {  	v14 =	vor.u32 s8, v4;
	v13 =	vld.idx.msk [tilespmem:v16+s26+$0x0], $0xffff  }
0x12f: {  	v15 =	vor.u32 $0x4, v9  }
0x130: {  	v16 =	vor.u32 $0xC, v9;
	_ =	sdelay $0x1  }
0x131: {  	[tilespmem:v12+s15+$0x0] =	vst.idx.msk $0xffff, v10  }
0x132: {  	[tilespmem:v14+s16+$0x0] =	vst.idx.msk $0xffff, v13  }
0x133: {  	v12 =	vor.u32 $0x4, v11;
	v10 =	vld.idx.msk [tilespmem:v15+s26+$0x0], $0xffff  }
0x134: {  	v14 =	vor.u32 s8, v5;
	v13 =	vld.idx.msk [tilespmem:v16+s26+$0x0], $0xffff  }
0x135: {  	v15 =	vor.u32 $0x5, v9  }
0x136: {  	v16 =	vor.u32 $0xD, v9;
	_ =	sdelay $0x1  }
0x137: {  	[tilespmem:v12+s15+$0x0] =	vst.idx.msk $0xffff, v10  }
0x138: {  	[tilespmem:v14+s16+$0x0] =	vst.idx.msk $0xffff, v13  }
0x139: {  	v12 =	vor.u32 $0x5, v11;
	v10 =	vld.idx.msk [tilespmem:v15+s26+$0x0], $0xffff  }
0x13a: {  	v14 =	vor.u32 s8, v6;
	v13 =	vld.idx.msk [tilespmem:v16+s26+$0x0], $0xffff  }
0x13b: {  	v15 =	vor.u32 $0x6, v9  }
0x13c: {  	v16 =	vor.u32 $0xE, v9;
	_ =	sdelay $0x1  }
0x13d: {  	[tilespmem:v12+s15+$0x0] =	vst.idx.msk $0xffff, v10  }
0x13e: {  	[tilespmem:v14+s16+$0x0] =	vst.idx.msk $0xffff, v13  }
0x13f: {  	v12 =	vor.u32 $0x6, v11;
	v10 =	vld.idx.msk [tilespmem:v15+s26+$0x0], $0xffff  }
0x140: {  	v14 =	vor.u32 s8, v7;
	v13 =	vld.idx.msk [tilespmem:v16+s26+$0x0], $0xffff  }
0x141: {  	v15 =	vor.u32 $0x7, v9  }
0x142: {  	v9 =	vor.u32 $0xF, v9;
	_ =	sdelay $0x1  }
0x143: {  	[tilespmem:v12+s15+$0x0] =	vst.idx.msk $0xffff, v10  }
0x144: {  	[tilespmem:v14+s16+$0x0] =	vst.idx.msk $0xffff, v13  }
0x145: {  	v11 =	vor.u32 $0x7, v11;
	v10 =	vld.idx.msk [tilespmem:v15+s26+$0x0], $0xffff  }
0x146: {  	p1 =	sne.s32 s31, $0x70;
	v12 =	vor.u32 s8, v8;
	v9 =	vld.idx.msk [tilespmem:v9+s26+$0x0], $0xffff  }
.Ltmp2:
0x147: {  	_ = 	snop;
	(pc) =	sbr.rel @p1 .LBB2_7-.Ltmp2, $3  }
0x148: {  	_ =	sdelay $0x1  }
0x149: {  	[tilespmem:v11+s15+$0x0] =	vst.idx.msk $0xffff, v10  }
0x14a: {  	s29 =	sadd.s32 $0x10, s29;
	s31 =	sadd.s32 $0x10, s31;
	s8 =	sadd.s32 $0x80, s8;
	[tilespmem:v12+s16+$0x0] =	vst.idx.msk $0xffff, v9  }
0x14b: {  	s31 =	simm.s32 $0x200;
	s8 =	simm.s32 $0x0  }
.LBB2_9:
0x14c: {  	v9 =	vld [tilespmem:s31+$0x0];
	_ =	sdelay $0x4  }
0x14d: {  	v9 =	vshll.u32 v9, $0x4  }
0x14e: {  	v10 =	vor.u32 $0x8, v9;
	_ =	sdelay $0x1  }
0x14f: {  	v11 =	vmov s8  }
0x150: {  	s29 =	simm.s32 $0x0;
	v11 =	vshll.u32 v11, $0x3  }
0x151: {  	v11 =	vor.u32 v0, v11;
	v12 =	vld.idx.msk [tilespmem:v9+s29+$0x0], $0xffff  }
0x152: {  	v13 =	vor.u32 s26, v0;
	v10 =	vld.idx.msk [tilespmem:v10+s29+$0x0], $0xffff  }
0x153: {  	v14 =	vor.u32 $0x1, v9  }
0x154: {  	v15 =	vor.u32 $0x9, v9;
	_ =	sdelay $0x1  }
0x155: {  	[tilespmem:v11+s17+$0x0] =	vst.idx.msk $0xffff, v12  }
0x156: {  	[tilespmem:v13+s18+$0x0] =	vst.idx.msk $0xffff, v10  }
0x157: {  	v12 =	vor.u32 $0x1, v11;
	v10 =	vld.idx.msk [tilespmem:v14+s29+$0x0], $0xffff  }
0x158: {  	v13 =	vld.idx.msk [tilespmem:v15+s29+$0x0], $0xffff;
	v14 =	vor.u32 s26, v2  }
0x159: {  	v15 =	vor.u32 $0x2, v9  }
0x15a: {  	v16 =	vor.u32 $0xA, v9;
	_ =	sdelay $0x1  }
0x15b: {  	[tilespmem:v12+s17+$0x0] =	vst.idx.msk $0xffff, v10  }
0x15c: {  	[tilespmem:v14+s18+$0x0] =	vst.idx.msk $0xffff, v13  }
0x15d: {  	v12 =	vor.u32 $0x2, v11;
	v10 =	vld.idx.msk [tilespmem:v15+s29+$0x0], $0xffff  }
0x15e: {  	v14 =	vor.u32 s26, v3;
	v13 =	vld.idx.msk [tilespmem:v16+s29+$0x0], $0xffff  }
0x15f: {  	v15 =	vor.u32 $0x3, v9  }
0x160: {  	v16 =	vor.u32 $0xB, v9;
	_ =	sdelay $0x1  }
0x161: {  	[tilespmem:v12+s17+$0x0] =	vst.idx.msk $0xffff, v10  }
0x162: {  	[tilespmem:v14+s18+$0x0] =	vst.idx.msk $0xffff, v13  }
0x163: {  	v12 =	vor.u32 $0x3, v11;
	v10 =	vld.idx.msk [tilespmem:v15+s29+$0x0], $0xffff  }
0x164: {  	v14 =	vor.u32 s26, v4;
	v13 =	vld.idx.msk [tilespmem:v16+s29+$0x0], $0xffff  }
0x165: {  	v15 =	vor.u32 $0x4, v9  }
0x166: {  	v16 =	vor.u32 $0xC, v9;
	_ =	sdelay $0x1  }
0x167: {  	[tilespmem:v12+s17+$0x0] =	vst.idx.msk $0xffff, v10  }
0x168: {  	[tilespmem:v14+s18+$0x0] =	vst.idx.msk $0xffff, v13  }
0x169: {  	v12 =	vor.u32 $0x4, v11;
	v10 =	vld.idx.msk [tilespmem:v15+s29+$0x0], $0xffff  }
0x16a: {  	v14 =	vor.u32 s26, v5;
	v13 =	vld.idx.msk [tilespmem:v16+s29+$0x0], $0xffff  }
0x16b: {  	v15 =	vor.u32 $0x5, v9  }
0x16c: {  	v16 =	vor.u32 $0xD, v9;
	_ =	sdelay $0x1  }
0x16d: {  	[tilespmem:v12+s17+$0x0] =	vst.idx.msk $0xffff, v10  }
0x16e: {  	[tilespmem:v14+s18+$0x0] =	vst.idx.msk $0xffff, v13  }
0x16f: {  	v12 =	vor.u32 $0x5, v11;
	v10 =	vld.idx.msk [tilespmem:v15+s29+$0x0], $0xffff  }
0x170: {  	v14 =	vor.u32 s26, v6;
	v13 =	vld.idx.msk [tilespmem:v16+s29+$0x0], $0xffff  }
0x171: {  	v15 =	vor.u32 $0x6, v9  }
0x172: {  	v16 =	vor.u32 $0xE, v9;
	_ =	sdelay $0x1  }
0x173: {  	[tilespmem:v12+s17+$0x0] =	vst.idx.msk $0xffff, v10  }
0x174: {  	[tilespmem:v14+s18+$0x0] =	vst.idx.msk $0xffff, v13  }
0x175: {  	v12 =	vor.u32 $0x6, v11;
	v10 =	vld.idx.msk [tilespmem:v15+s29+$0x0], $0xffff  }
0x176: {  	v14 =	vor.u32 s26, v7;
	v13 =	vld.idx.msk [tilespmem:v16+s29+$0x0], $0xffff  }
0x177: {  	v15 =	vor.u32 $0x7, v9  }
0x178: {  	v9 =	vor.u32 $0xF, v9;
	_ =	sdelay $0x1  }
0x179: {  	[tilespmem:v12+s17+$0x0] =	vst.idx.msk $0xffff, v10  }
0x17a: {  	[tilespmem:v14+s18+$0x0] =	vst.idx.msk $0xffff, v13  }
0x17b: {  	v11 =	vor.u32 $0x7, v11;
	v10 =	vld.idx.msk [tilespmem:v15+s29+$0x0], $0xffff  }
0x17c: {  	p1 =	sne.s32 s8, $0x70;
	v12 =	vor.u32 s26, v8;
	v9 =	vld.idx.msk [tilespmem:v9+s29+$0x0], $0xffff  }
.Ltmp3:
0x17d: {  	_ = 	snop;
	(pc) =	sbr.rel @p1 .LBB2_9-.Ltmp3, $3  }
0x17e: {  	_ =	sdelay $0x1  }
0x17f: {  	[tilespmem:v11+s17+$0x0] =	vst.idx.msk $0xffff, v10  }
0x180: {  	s31 =	sadd.s32 $0x10, s31;
	s8 =	sadd.s32 $0x10, s8;
	s26 =	sadd.s32 $0x80, s26;
	[tilespmem:v12+s18+$0x0] =	vst.idx.msk $0xffff, v9  }
0x181: {  	s26 =	simm.s32 $0x280;
	s8 =	simm.s32 $0x0;
	s31 =	simm.s32 $0x0  }
.LBB2_11:
0x182: {  	v9 =	vld [tilespmem:s26+$0x0];
	_ =	sdelay $0x4  }
0x183: {  	v9 =	vshll.u32 v9, $0x4  }
0x184: {  	v10 =	vor.u32 $0x8, v9;
	_ =	sdelay $0x1  }
0x185: {  	v11 =	vmov s31  }
0x186: {  	v11 =	vshll.u32 v11, $0x3  }
0x187: {  	v11 =	vor.u32 v0, v11;
	v12 =	vld.idx.msk [tilespmem:v9+s29+$0x0], $0xffff  }
0x188: {  	v13 =	vor.u32 s8, v0;
	v10 =	vld.idx.msk [tilespmem:v10+s29+$0x0], $0xffff  }
0x189: {  	v14 =	vor.u32 $0x1, v9  }
0x18a: {  	v15 =	vor.u32 $0x9, v9;
	_ =	sdelay $0x1  }
0x18b: {  	[tilespmem:v11+s19+$0x0] =	vst.idx.msk $0xffff, v12  }
0x18c: {  	[tilespmem:v13+s21+$0x0] =	vst.idx.msk $0xffff, v10  }
0x18d: {  	v12 =	vor.u32 $0x1, v11;
	v10 =	vld.idx.msk [tilespmem:v14+s29+$0x0], $0xffff  }
0x18e: {  	v13 =	vld.idx.msk [tilespmem:v15+s29+$0x0], $0xffff;
	v14 =	vor.u32 s8, v2  }
0x18f: {  	v15 =	vor.u32 $0x2, v9  }
0x190: {  	v16 =	vor.u32 $0xA, v9;
	_ =	sdelay $0x1  }
0x191: {  	[tilespmem:v12+s19+$0x0] =	vst.idx.msk $0xffff, v10  }
0x192: {  	[tilespmem:v14+s21+$0x0] =	vst.idx.msk $0xffff, v13  }
0x193: {  	v12 =	vor.u32 $0x2, v11;
	v10 =	vld.idx.msk [tilespmem:v15+s29+$0x0], $0xffff  }
0x194: {  	v14 =	vor.u32 s8, v3;
	v13 =	vld.idx.msk [tilespmem:v16+s29+$0x0], $0xffff  }
0x195: {  	v15 =	vor.u32 $0x3, v9  }
0x196: {  	v16 =	vor.u32 $0xB, v9;
	_ =	sdelay $0x1  }
0x197: {  	[tilespmem:v12+s19+$0x0] =	vst.idx.msk $0xffff, v10  }
0x198: {  	[tilespmem:v14+s21+$0x0] =	vst.idx.msk $0xffff, v13  }
0x199: {  	v12 =	vor.u32 $0x3, v11;
	v10 =	vld.idx.msk [tilespmem:v15+s29+$0x0], $0xffff  }
0x19a: {  	v14 =	vor.u32 s8, v4;
	v13 =	vld.idx.msk [tilespmem:v16+s29+$0x0], $0xffff  }
0x19b: {  	v15 =	vor.u32 $0x4, v9  }
0x19c: {  	v16 =	vor.u32 $0xC, v9;
	_ =	sdelay $0x1  }
0x19d: {  	[tilespmem:v12+s19+$0x0] =	vst.idx.msk $0xffff, v10  }
0x19e: {  	[tilespmem:v14+s21+$0x0] =	vst.idx.msk $0xffff, v13  }
0x19f: {  	v12 =	vor.u32 $0x4, v11;
	v10 =	vld.idx.msk [tilespmem:v15+s29+$0x0], $0xffff  }
0x1a0: {  	v14 =	vor.u32 s8, v5;
	v13 =	vld.idx.msk [tilespmem:v16+s29+$0x0], $0xffff  }
0x1a1: {  	v15 =	vor.u32 $0x5, v9  }
0x1a2: {  	v16 =	vor.u32 $0xD, v9;
	_ =	sdelay $0x1  }
0x1a3: {  	[tilespmem:v12+s19+$0x0] =	vst.idx.msk $0xffff, v10  }
0x1a4: {  	[tilespmem:v14+s21+$0x0] =	vst.idx.msk $0xffff, v13  }
0x1a5: {  	v12 =	vor.u32 $0x5, v11;
	v10 =	vld.idx.msk [tilespmem:v15+s29+$0x0], $0xffff  }
0x1a6: {  	v14 =	vor.u32 s8, v6;
	v13 =	vld.idx.msk [tilespmem:v16+s29+$0x0], $0xffff  }
0x1a7: {  	v15 =	vor.u32 $0x6, v9  }
0x1a8: {  	v16 =	vor.u32 $0xE, v9;
	_ =	sdelay $0x1  }
0x1a9: {  	[tilespmem:v12+s19+$0x0] =	vst.idx.msk $0xffff, v10  }
0x1aa: {  	[tilespmem:v14+s21+$0x0] =	vst.idx.msk $0xffff, v13  }
0x1ab: {  	v12 =	vor.u32 $0x6, v11;
	v10 =	vld.idx.msk [tilespmem:v15+s29+$0x0], $0xffff  }
0x1ac: {  	v14 =	vor.u32 s8, v7;
	v13 =	vld.idx.msk [tilespmem:v16+s29+$0x0], $0xffff  }
0x1ad: {  	v15 =	vor.u32 $0x7, v9  }
0x1ae: {  	v9 =	vor.u32 $0xF, v9;
	_ =	sdelay $0x1  }
0x1af: {  	[tilespmem:v12+s19+$0x0] =	vst.idx.msk $0xffff, v10  }
0x1b0: {  	[tilespmem:v14+s21+$0x0] =	vst.idx.msk $0xffff, v13  }
0x1b1: {  	v11 =	vor.u32 $0x7, v11;
	v10 =	vld.idx.msk [tilespmem:v15+s29+$0x0], $0xffff  }
0x1b2: {  	p1 =	sne.s32 s31, $0x70;
	v12 =	vor.u32 s8, v8;
	v9 =	vld.idx.msk [tilespmem:v9+s29+$0x0], $0xffff  }
.Ltmp4:
0x1b3: {  	_ = 	snop;
	(pc) =	sbr.rel @p1 .LBB2_11-.Ltmp4, $3  }
0x1b4: {  	_ =	sdelay $0x1  }
0x1b5: {  	[tilespmem:v11+s19+$0x0] =	vst.idx.msk $0xffff, v10  }
0x1b6: {  	s26 =	sadd.s32 $0x10, s26;
	s31 =	sadd.s32 $0x10, s31;
	s8 =	sadd.s32 $0x80, s8;
	[tilespmem:v12+s21+$0x0] =	vst.idx.msk $0xffff, v9  }
0x1b7: {  	s31 =	simm.s32 $0x300;
	s8 =	simm.s32 $0x0  }
.LBB2_13:
0x1b8: {  	v9 =	vld [tilespmem:s31+$0x0];
	_ =	sdelay $0x4  }
0x1b9: {  	v9 =	vshll.u32 v9, $0x4  }
0x1ba: {  	v10 =	vor.u32 $0x8, v9;
	_ =	sdelay $0x1  }
0x1bb: {  	v11 =	vmov s8  }
0x1bc: {  	s26 =	simm.s32 $0x0;
	v11 =	vshll.u32 v11, $0x3  }
0x1bd: {  	v11 =	vor.u32 v0, v11;
	v12 =	vld.idx.msk [tilespmem:v9+s26+$0x0], $0xffff  }
0x1be: {  	v13 =	vor.u32 s29, v0;
	v10 =	vld.idx.msk [tilespmem:v10+s26+$0x0], $0xffff  }
0x1bf: {  	v14 =	vor.u32 $0x1, v9  }
0x1c0: {  	v15 =	vor.u32 $0x9, v9;
	_ =	sdelay $0x1  }
0x1c1: {  	[tilespmem:v11+s20+$0x0] =	vst.idx.msk $0xffff, v12  }
0x1c2: {  	[tilespmem:v13+s23+$0x0] =	vst.idx.msk $0xffff, v10  }
0x1c3: {  	v12 =	vor.u32 $0x1, v11;
	v10 =	vld.idx.msk [tilespmem:v14+s26+$0x0], $0xffff  }
0x1c4: {  	v13 =	vld.idx.msk [tilespmem:v15+s26+$0x0], $0xffff;
	v14 =	vor.u32 s29, v2  }
0x1c5: {  	v15 =	vor.u32 $0x2, v9  }
0x1c6: {  	v16 =	vor.u32 $0xA, v9;
	_ =	sdelay $0x1  }
0x1c7: {  	[tilespmem:v12+s20+$0x0] =	vst.idx.msk $0xffff, v10  }
0x1c8: {  	[tilespmem:v14+s23+$0x0] =	vst.idx.msk $0xffff, v13  }
0x1c9: {  	v12 =	vor.u32 $0x2, v11;
	v10 =	vld.idx.msk [tilespmem:v15+s26+$0x0], $0xffff  }
0x1ca: {  	v14 =	vor.u32 s29, v3;
	v13 =	vld.idx.msk [tilespmem:v16+s26+$0x0], $0xffff  }
0x1cb: {  	v15 =	vor.u32 $0x3, v9  }
0x1cc: {  	v16 =	vor.u32 $0xB, v9;
	_ =	sdelay $0x1  }
0x1cd: {  	[tilespmem:v12+s20+$0x0] =	vst.idx.msk $0xffff, v10  }
0x1ce: {  	[tilespmem:v14+s23+$0x0] =	vst.idx.msk $0xffff, v13  }
0x1cf: {  	v12 =	vor.u32 $0x3, v11;
	v10 =	vld.idx.msk [tilespmem:v15+s26+$0x0], $0xffff  }
0x1d0: {  	v14 =	vor.u32 s29, v4;
	v13 =	vld.idx.msk [tilespmem:v16+s26+$0x0], $0xffff  }
0x1d1: {  	v15 =	vor.u32 $0x4, v9  }
0x1d2: {  	v16 =	vor.u32 $0xC, v9;
	_ =	sdelay $0x1  }
0x1d3: {  	[tilespmem:v12+s20+$0x0] =	vst.idx.msk $0xffff, v10  }
0x1d4: {  	[tilespmem:v14+s23+$0x0] =	vst.idx.msk $0xffff, v13  }
0x1d5: {  	v12 =	vor.u32 $0x4, v11;
	v10 =	vld.idx.msk [tilespmem:v15+s26+$0x0], $0xffff  }
0x1d6: {  	v14 =	vor.u32 s29, v5;
	v13 =	vld.idx.msk [tilespmem:v16+s26+$0x0], $0xffff  }
0x1d7: {  	v15 =	vor.u32 $0x5, v9  }
0x1d8: {  	v16 =	vor.u32 $0xD, v9;
	_ =	sdelay $0x1  }
0x1d9: {  	[tilespmem:v12+s20+$0x0] =	vst.idx.msk $0xffff, v10  }
0x1da: {  	[tilespmem:v14+s23+$0x0] =	vst.idx.msk $0xffff, v13  }
0x1db: {  	v12 =	vor.u32 $0x5, v11;
	v10 =	vld.idx.msk [tilespmem:v15+s26+$0x0], $0xffff  }
0x1dc: {  	v14 =	vor.u32 s29, v6;
	v13 =	vld.idx.msk [tilespmem:v16+s26+$0x0], $0xffff  }
0x1dd: {  	v15 =	vor.u32 $0x6, v9  }
0x1de: {  	v16 =	vor.u32 $0xE, v9;
	_ =	sdelay $0x1  }
0x1df: {  	[tilespmem:v12+s20+$0x0] =	vst.idx.msk $0xffff, v10  }
0x1e0: {  	[tilespmem:v14+s23+$0x0] =	vst.idx.msk $0xffff, v13  }
0x1e1: {  	v12 =	vor.u32 $0x6, v11;
	v10 =	vld.idx.msk [tilespmem:v15+s26+$0x0], $0xffff  }
0x1e2: {  	v14 =	vor.u32 s29, v7;
	v13 =	vld.idx.msk [tilespmem:v16+s26+$0x0], $0xffff  }
0x1e3: {  	v15 =	vor.u32 $0x7, v9  }
0x1e4: {  	v9 =	vor.u32 $0xF, v9;
	_ =	sdelay $0x1  }
0x1e5: {  	[tilespmem:v12+s20+$0x0] =	vst.idx.msk $0xffff, v10  }
0x1e6: {  	[tilespmem:v14+s23+$0x0] =	vst.idx.msk $0xffff, v13  }
0x1e7: {  	v11 =	vor.u32 $0x7, v11;
	v10 =	vld.idx.msk [tilespmem:v15+s26+$0x0], $0xffff  }
0x1e8: {  	p1 =	sne.s32 s8, $0x70;
	v12 =	vor.u32 s29, v8;
	v9 =	vld.idx.msk [tilespmem:v9+s26+$0x0], $0xffff  }
.Ltmp5:
0x1e9: {  	_ = 	snop;
	(pc) =	sbr.rel @p1 .LBB2_13-.Ltmp5, $3  }
0x1ea: {  	_ =	sdelay $0x1  }
0x1eb: {  	[tilespmem:v11+s20+$0x0] =	vst.idx.msk $0xffff, v10  }
0x1ec: {  	s31 =	sadd.s32 $0x10, s31;
	s8 =	sadd.s32 $0x10, s8;
	s29 =	sadd.s32 $0x80, s29;
	[tilespmem:v12+s23+$0x0] =	vst.idx.msk $0xffff, v9  }
0x1ed: {  	s29 =	simm.s32 $0x380  }
0x1ee: {  	v9 =	vld [tilespmem:s29+$0x0];
	_ =	sdelay $0x4  }
0x1ef: {  	v9 =	vshll.u32 v9, $0x4  }
0x1f0: {  	v10 =	vor.u32 $0x8, v9;
	_ =	sdelay $0x1  }
0x1f1: {  	v11 =	vmov s26  }
0x1f2: {  	v11 =	vshll.u32 v11, $0x3  }
0x1f3: {  	v11 =	vor.u32 v0, v11;
	v12 =	vld.idx.msk [tilespmem:v9+s6+$0x0], $0xffff  }
0x1f4: {  	v13 =	vor.u32 s26, v0;
	v10 =	vld.idx.msk [tilespmem:v10+s6+$0x0], $0xffff  }
0x1f5: {  	v14 =	vor.u32 $0x1, v9  }
0x1f6: {  	v15 =	vor.u32 $0x9, v9;
	_ =	sdelay $0x1  }
0x1f7: {  	[tilespmem:v11+s25+$0x0] =	vst.idx.msk $0xffff, v12  }
0x1f8: {  	[tilespmem:v13+s28+$0x0] =	vst.idx.msk $0xffff, v10  }
0x1f9: {  	v12 =	vor.u32 $0x1, v11;
	v10 =	vld.idx.msk [tilespmem:v14+s6+$0x0], $0xffff  }
0x1fa: {  	v13 =	vld.idx.msk [tilespmem:v15+s6+$0x0], $0xffff;
	v14 =	vor.u32 s26, v2  }
0x1fb: {  	v15 =	vor.u32 $0x2, v9  }
0x1fc: {  	v16 =	vor.u32 $0xA, v9;
	_ =	sdelay $0x1  }
0x1fd: {  	[tilespmem:v12+s25+$0x0] =	vst.idx.msk $0xffff, v10  }
0x1fe: {  	[tilespmem:v14+s28+$0x0] =	vst.idx.msk $0xffff, v13  }
0x1ff: {  	v12 =	vor.u32 $0x2, v11;
	v10 =	vld.idx.msk [tilespmem:v15+s6+$0x0], $0xffff  }
0x200: {  	v14 =	vor.u32 s26, v3;
	v13 =	vld.idx.msk [tilespmem:v16+s6+$0x0], $0xffff  }
0x201: {  	v15 =	vor.u32 $0x3, v9  }
0x202: {  	v16 =	vor.u32 $0xB, v9;
	_ =	sdelay $0x1  }
0x203: {  	[tilespmem:v12+s25+$0x0] =	vst.idx.msk $0xffff, v10  }
0x204: {  	[tilespmem:v14+s28+$0x0] =	vst.idx.msk $0xffff, v13  }
0x205: {  	v12 =	vor.u32 $0x3, v11;
	v10 =	vld.idx.msk [tilespmem:v15+s6+$0x0], $0xffff  }
0x206: {  	v14 =	vor.u32 s26, v4;
	v13 =	vld.idx.msk [tilespmem:v16+s6+$0x0], $0xffff  }
0x207: {  	v15 =	vor.u32 $0x4, v9  }
0x208: {  	v16 =	vor.u32 $0xC, v9;
	_ =	sdelay $0x1  }
0x209: {  	[tilespmem:v12+s25+$0x0] =	vst.idx.msk $0xffff, v10  }
0x20a: {  	[tilespmem:v14+s28+$0x0] =	vst.idx.msk $0xffff, v13  }
0x20b: {  	v12 =	vor.u32 $0x4, v11;
	v10 =	vld.idx.msk [tilespmem:v15+s6+$0x0], $0xffff  }
0x20c: {  	v14 =	vor.u32 s26, v5;
	v13 =	vld.idx.msk [tilespmem:v16+s6+$0x0], $0xffff  }
0x20d: {  	v15 =	vor.u32 $0x5, v9  }
0x20e: {  	v16 =	vor.u32 $0xD, v9;
	_ =	sdelay $0x1  }
0x20f: {  	[tilespmem:v12+s25+$0x0] =	vst.idx.msk $0xffff, v10  }
0x210: {  	[tilespmem:v14+s28+$0x0] =	vst.idx.msk $0xffff, v13  }
0x211: {  	v12 =	vor.u32 $0x5, v11;
	v10 =	vld.idx.msk [tilespmem:v15+s6+$0x0], $0xffff  }
0x212: {  	v14 =	vor.u32 s26, v6;
	v13 =	vld.idx.msk [tilespmem:v16+s6+$0x0], $0xffff  }
0x213: {  	v15 =	vor.u32 $0x6, v9  }
0x214: {  	v16 =	vor.u32 $0xE, v9;
	_ =	sdelay $0x1  }
0x215: {  	[tilespmem:v12+s25+$0x0] =	vst.idx.msk $0xffff, v10  }
0x216: {  	[tilespmem:v14+s28+$0x0] =	vst.idx.msk $0xffff, v13  }
0x217: {  	v12 =	vor.u32 $0x6, v11;
	v10 =	vld.idx.msk [tilespmem:v15+s6+$0x0], $0xffff  }
0x218: {  	v14 =	vor.u32 s26, v7;
	v13 =	vld.idx.msk [tilespmem:v16+s6+$0x0], $0xffff  }
0x219: {  	v15 =	vor.u32 $0x7, v9  }
0x21a: {  	v9 =	vor.u32 $0xF, v9;
	_ =	sdelay $0x1  }
0x21b: {  	[tilespmem:v12+s25+$0x0] =	vst.idx.msk $0xffff, v10  }
0x21c: {  	[tilespmem:v14+s28+$0x0] =	vst.idx.msk $0xffff, v13  }
0x21d: {  	v11 =	vor.u32 $0x7, v11;
	v12 =	vld.idx.msk [tilespmem:v15+s6+$0x0], $0xffff  }
0x21e: {  	v10 =	vor.u32 s26, v8;
	v9 =	vld.idx.msk [tilespmem:v9+s6+$0x0], $0xffff;
	_ =	sdelay $0x3  }
0x21f: {  	s31 =	simm.s32 $0x10;
	[tilespmem:v11+s25+$0x0] =	vst.idx.msk $0xffff, v12  }
.LBB2_15:
0x220: {  	p1 =	sne.s32 s31, $0x70;
	[tilespmem:v10+s28+$0x0] =	vst.idx.msk $0xffff, v9;
	s26 =	sadd.s32 $0x80, s26;
	s29 =	sadd.s32 $0x10, s29  }
0x221: {  	s8 =	smov.u32 s31;
	s31 =	sadd.s32 $0x10, s31;
	v9 =	vld [tilespmem:s29+$0x0];
	_ =	sdelay $0x4  }
0x222: {  	v9 =	vshll.u32 v9, $0x4  }
0x223: {  	v10 =	vor.u32 $0x8, v9;
	_ =	sdelay $0x2  }
0x224: {  	v11 =	vmov s8  }
0x225: {  	v11 =	vshll.u32 v11, $0x3;
	v12 =	vld.idx.msk [tilespmem:v9+s6+$0x0], $0xffff  }
0x226: {  	v11 =	vor.u32 v0, v11;
	v10 =	vld.idx.msk [tilespmem:v10+s6+$0x0], $0xffff  }
0x227: {  	v13 =	vor.u32 s26, v0  }
0x228: {  	v14 =	vor.u32 $0x1, v9  }
0x229: {  	v15 =	vor.u32 $0x9, v9;
	_ =	sdelay $0x1  }
0x22a: {  	[tilespmem:v11+s25+$0x0] =	vst.idx.msk $0xffff, v12  }
0x22b: {  	[tilespmem:v13+s28+$0x0] =	vst.idx.msk $0xffff, v10  }
0x22c: {  	v10 =	vld.idx.msk [tilespmem:v14+s6+$0x0], $0xffff  }
0x22d: {  	v13 =	vor.u32 $0x1, v11;
	v12 =	vld.idx.msk [tilespmem:v15+s6+$0x0], $0xffff  }
0x22e: {  	v14 =	vor.u32 s26, v2  }
0x22f: {  	v15 =	vor.u32 $0x2, v9  }
0x230: {  	v16 =	vor.u32 $0xA, v9;
	_ =	sdelay $0x1  }
0x231: {  	[tilespmem:v13+s25+$0x0] =	vst.idx.msk $0xffff, v10  }
0x232: {  	[tilespmem:v14+s28+$0x0] =	vst.idx.msk $0xffff, v12  }
0x233: {  	v10 =	vld.idx.msk [tilespmem:v15+s6+$0x0], $0xffff  }
0x234: {  	v13 =	vor.u32 $0x2, v11;
	v12 =	vld.idx.msk [tilespmem:v16+s6+$0x0], $0xffff  }
0x235: {  	v14 =	vor.u32 s26, v3  }
0x236: {  	v15 =	vor.u32 $0x3, v9  }
0x237: {  	v16 =	vor.u32 $0xB, v9;
	_ =	sdelay $0x1  }
0x238: {  	[tilespmem:v13+s25+$0x0] =	vst.idx.msk $0xffff, v10  }
0x239: {  	[tilespmem:v14+s28+$0x0] =	vst.idx.msk $0xffff, v12  }
0x23a: {  	v10 =	vld.idx.msk [tilespmem:v15+s6+$0x0], $0xffff  }
0x23b: {  	v13 =	vor.u32 $0x3, v11;
	v12 =	vld.idx.msk [tilespmem:v16+s6+$0x0], $0xffff  }
0x23c: {  	v14 =	vor.u32 s26, v4  }
0x23d: {  	v15 =	vor.u32 $0x4, v9  }
0x23e: {  	v16 =	vor.u32 $0xC, v9;
	_ =	sdelay $0x1  }
0x23f: {  	[tilespmem:v13+s25+$0x0] =	vst.idx.msk $0xffff, v10  }
0x240: {  	[tilespmem:v14+s28+$0x0] =	vst.idx.msk $0xffff, v12  }
0x241: {  	v10 =	vld.idx.msk [tilespmem:v15+s6+$0x0], $0xffff  }
0x242: {  	v13 =	vor.u32 $0x4, v11;
	v12 =	vld.idx.msk [tilespmem:v16+s6+$0x0], $0xffff  }
0x243: {  	v14 =	vor.u32 s26, v5  }
0x244: {  	v15 =	vor.u32 $0x5, v9  }
0x245: {  	v16 =	vor.u32 $0xD, v9;
	_ =	sdelay $0x1  }
0x246: {  	[tilespmem:v13+s25+$0x0] =	vst.idx.msk $0xffff, v10  }
0x247: {  	[tilespmem:v14+s28+$0x0] =	vst.idx.msk $0xffff, v12  }
0x248: {  	v10 =	vld.idx.msk [tilespmem:v15+s6+$0x0], $0xffff  }
0x249: {  	v13 =	vor.u32 $0x5, v11;
	v12 =	vld.idx.msk [tilespmem:v16+s6+$0x0], $0xffff  }
0x24a: {  	v14 =	vor.u32 s26, v6  }
0x24b: {  	v15 =	vor.u32 $0x6, v9  }
0x24c: {  	v16 =	vor.u32 $0xE, v9;
	_ =	sdelay $0x1  }
0x24d: {  	[tilespmem:v13+s25+$0x0] =	vst.idx.msk $0xffff, v10  }
0x24e: {  	[tilespmem:v14+s28+$0x0] =	vst.idx.msk $0xffff, v12  }
0x24f: {  	v10 =	vld.idx.msk [tilespmem:v15+s6+$0x0], $0xffff  }
0x250: {  	v13 =	vor.u32 $0x6, v11;
	v12 =	vld.idx.msk [tilespmem:v16+s6+$0x0], $0xffff  }
0x251: {  	v14 =	vor.u32 s26, v7  }
0x252: {  	v15 =	vor.u32 $0x7, v9  }
0x253: {  	v9 =	vor.u32 $0xF, v9;
	_ =	sdelay $0x1  }
0x254: {  	[tilespmem:v13+s25+$0x0] =	vst.idx.msk $0xffff, v10  }
0x255: {  	[tilespmem:v14+s28+$0x0] =	vst.idx.msk $0xffff, v12  }
0x256: {  	v12 =	vld.idx.msk [tilespmem:v15+s6+$0x0], $0xffff  }
0x257: {  	v11 =	vor.u32 $0x7, v11;
	v9 =	vld.idx.msk [tilespmem:v9+s6+$0x0], $0xffff  }
.Ltmp6:
0x258: {  	v10 =	vor.u32 s26, v8;
	(pc) =	sbr.rel @p1 .LBB2_15-.Ltmp6, $2  }
0x259: {  	_ =	sdelay $0x2  }
0x25a: {  	[tilespmem:v11+s25+$0x0] =	vst.idx.msk $0xffff, v12  }
0x25b: {  	_ =	sdelay $0x2  }
0x25c: {  	s1 =	rddreg [dreg:$0x3]  }
0x25d: {  	[tilespmem:v10+s28+$0x0] =	vst.idx.msk $0xffff, v9;
	s8 =	sadd.s32 s1, s11  }
0x25e: {  	[hbm4b:s8+s6] =	stream.linear.scatter [tilespmem:s2], [sflag:$0x2], $0x400, $0x38;
	[tilespmem:$0x3D20] =	vst v63  }
0x25f: {  	s26 =	simm.s32 $0x400  }
0x260: {  	[spmem:s5] =	stream.indirect.scatter.add.f32 [tilespmem:s10], [sflag:$0x3], $0x8, s26, s30, $0xb8;
	[tilespmem:$0x3D20] =	vst v63  }
0x261: {  	s0 =	sadd.s32 s1, s12  }
0x262: {  	[hbm4b:s0+s6] =	stream.linear.scatter [tilespmem:s16], [sflag:$0x2], $0x400, $0x38;
	[tilespmem:$0x3D20] =	vst v63  }
0x263: {  	s31 =	simm.s32 $0x480  }
0x264: {  	[spmem:s5] =	stream.indirect.scatter.add.f32 [tilespmem:s15], [sflag:$0x3], $0x8, s31, s30, $0xb8;
	[tilespmem:$0x3D20] =	vst v63  }
0x265: {  	s11 =	sadd.s32 s1, s13  }
0x266: {  	[hbm4b:s11+s6] =	stream.linear.scatter [tilespmem:s18], [sflag:$0x2], $0x400, $0x38;
	[tilespmem:$0x3D20] =	vst v63  }
0x267: {  	s0 =	simm.s32 $0x500  }
0x268: {  	[spmem:s5] =	stream.indirect.scatter.add.f32 [tilespmem:s17], [sflag:$0x3], $0x8, s0, s30, $0xb8;
	[tilespmem:$0x3D20] =	vst v63  }
0x269: {  	s12 =	sadd.s32 s1, s14  }
0x26a: {  	[hbm4b:s12+s6] =	stream.linear.scatter [tilespmem:s21], [sflag:$0x2], $0x400, $0x38;
	[tilespmem:$0x3D20] =	vst v63  }
0x26b: {  	s13 =	simm.s32 $0x580  }
0x26c: {  	[spmem:s5] =	stream.indirect.scatter.add.f32 [tilespmem:s19], [sflag:$0x3], $0x8, s13, s30, $0xb8;
	[tilespmem:$0x3D20] =	vst v63  }
0x26d: {  	s7 =	sadd.s32 $0x1, s7;
	s14 =	sadd.s32 s1, s22  }
0x26e: {  	[hbm4b:s14+s6] =	stream.linear.scatter [tilespmem:s23], [sflag:$0x2], $0x400, $0x38;
	[tilespmem:$0x3D20] =	vst v63  }
0x26f: {  	s22 =	simm.s32 $0x600;
	p1 =	sne.s32 s7, $0xD  }
0x270: {  	[spmem:s5] =	stream.indirect.scatter.add.f32 [tilespmem:s20], [sflag:$0x3], $0x8, s22, s30, $0xb8;
	[tilespmem:$0x3D20] =	vst v63  }
.Ltmp7:
0x271: {  	_ = 	snop;
	(pc) =	sbr.rel @p1 .LBB2_4-.Ltmp7, $4  }
0x272: {  	s29 =	sadd.s32 s1, s24  }
0x273: {  	[hbm4b:s29+s6] =	stream.linear.scatter [tilespmem:s28], [sflag:$0x2], $0x400, $0x38;
	[tilespmem:$0x3D20] =	vst v63  }
0x274: {  	_ = 	snop  }
0x275: {  	[spmem:s5] =	stream.indirect.scatter.add.f32 [tilespmem:s25], [sflag:$0x3], $0x8, s4, s30, $0xb8;
	[tilespmem:$0x3D20] =	vst v63  }
0x276: {  	s0 =	simm.s32 $0x2  }
0x277: {  	_ =	swait.ge [sflag:s0], $0x400  }
0x278: {  	[sflag:s0] =	ssyncset.done $0x0  }
0x279: {  	s1 =	simm.s32 $0x3;
	[sflag:s0] =	ssyncadd.s32 $0xFFFFFC00  }
0x27a: {  	_ =	swait.ge [sflag:s1], $0x400  }
0x27b: {  	[sflag:s1] =	ssyncset.done $0x0  }
0x27c: {  	[sflag:s1] =	ssyncadd.s32 $0xFFFFFC00  }
0x27d: {  	_ =	swait.ge [sflag:s0], $0x400  }
0x27e: {  	[sflag:s0] =	ssyncset.done $0x0  }
0x27f: {  	[sflag:s0] =	ssyncadd.s32 $0xFFFFFC00  }
0x280: {  	_ =	swait.ge [sflag:s1], $0x400  }
0x281: {  	[sflag:s1] =	ssyncset.done $0x0  }
0x282: {  	[sflag:s1] =	ssyncadd.s32 $0xFFFFFC00  }
0x283: {  	_ =	swait.ge [sflag:s0], $0x400  }
0x284: {  	[sflag:s0] =	ssyncset.done $0x0  }
0x285: {  	[sflag:s0] =	ssyncadd.s32 $0xFFFFFC00  }
0x286: {  	_ =	swait.ge [sflag:s1], $0x400  }
0x287: {  	[sflag:s1] =	ssyncset.done $0x0  }
0x288: {  	[sflag:s1] =	ssyncadd.s32 $0xFFFFFC00  }
0x289: {  	_ =	swait.ge [sflag:s0], $0x400  }
0x28a: {  	[sflag:s0] =	ssyncset.done $0x0  }
0x28b: {  	[sflag:s0] =	ssyncadd.s32 $0xFFFFFC00  }
0x28c: {  	_ =	swait.ge [sflag:s1], $0x400  }
0x28d: {  	[sflag:s1] =	ssyncset.done $0x0  }
0x28e: {  	[sflag:s1] =	ssyncadd.s32 $0xFFFFFC00  }
0x28f: {  	_ =	swait.ge [sflag:s0], $0x400  }
0x290: {  	[sflag:s0] =	ssyncset.done $0x0  }
0x291: {  	[sflag:s0] =	ssyncadd.s32 $0xFFFFFC00  }
0x292: {  	_ =	swait.ge [sflag:s1], $0x400  }
0x293: {  	[sflag:s1] =	ssyncset.done $0x0  }
0x294: {  	[sflag:s1] =	ssyncadd.s32 $0xFFFFFC00  }
0x295: {  	_ =	swait.ge [sflag:s0], $0x400  }
0x296: {  	[sflag:s0] =	ssyncset.done $0x0  }
0x297: {  	[sflag:s0] =	ssyncadd.s32 $0xFFFFFC00  }
0x298: {  	_ =	swait.ge [sflag:s1], $0x400  }
0x299: {  	s7 =	simm.s32 $0x3B00;
	[sflag:s1] =	ssyncset.done $0x0  }
0x29a: {  	s11 =	simm.s32 $0x4;
	s3 =	rddreg [dreg:$0xf];
	[sflag:s1] =	ssyncadd.s32 $0xFFFFFC00  }
0x29b: {  	[tilespmem:s7], [sflag:$0x4] =	stream.linear.gather [hbm4b:s3+s6], $0x10, $0x38;
	[tilespmem:$0x3D20] =	vst v63  }
0x29c: {  	_ =	swait.ge [sflag:s11], $0x10  }
0x29d: {  	[sflag:s11] =	ssyncset.done $0x0  }
0x29e: {  	s12 =	simm.s32 $0x3B10;
	s8 =	rddreg [dreg:$0x10];
	[sflag:s11] =	ssyncadd.s32 $0xFFFFFFF0  }
0x29f: {  	[tilespmem:s12], [sflag:$0x4] =	stream.linear.gather [hbm4b:s8+s6], $0x10, $0x38;
	[tilespmem:$0x3D20] =	vst v63  }
0x2a0: {  	_ =	swait.ge [sflag:s11], $0x10  }
0x2a1: {  	[sflag:s11] =	ssyncset.done $0x0  }
0x2a2: {  	[sflag:s11] =	ssyncadd.s32 $0xFFFFFFF0  }
0x2a3: {  	v9 =	vld [tilespmem:$0x3B00];
	_ =	sdelay $0x4  }
0x2a4: {  	v9 =	vshll.u32 v9, $0x4  }
0x2a5: {  	v10 =	vor.u32 $0x8, v9;
	_ =	sdelay $0x3  }
0x2a6: {  	v11 =	vld.idx.msk [tilespmem:v9+s6+$0x0], $0xffff  }
0x2a7: {  	v10 =	vld.idx.msk [tilespmem:v10+s6+$0x0], $0xffff  }
0x2a8: {  	v12 =	vor.u32 $0x1, v9  }
0x2a9: {  	v13 =	vor.u32 $0x9, v9  }
0x2aa: {  	s13 =	simm.s32 $0x3BA0  }
0x2ab: {  	s4 =	simm.s32 $0x3B20;
	[tilespmem:v0+s13+$0x0] =	vst.idx.msk $0xffff, v11  }
0x2ac: {  	[tilespmem:v0+s4+$0x0] =	vst.idx.msk $0xffff, v10  }
0x2ad: {  	v10 =	vld.idx.msk [tilespmem:v12+s6+$0x0], $0xffff  }
0x2ae: {  	v11 =	vld.idx.msk [tilespmem:v13+s6+$0x0], $0xffff  }
0x2af: {  	v12 =	vor.u32 $0x2, v9  }
0x2b0: {  	v13 =	vor.u32 $0xA, v9;
	_ =	sdelay $0x1  }
0x2b1: {  	[tilespmem:v2+s13+$0x0] =	vst.idx.msk $0xffff, v10  }
0x2b2: {  	[tilespmem:v2+s4+$0x0] =	vst.idx.msk $0xffff, v11  }
0x2b3: {  	v10 =	vld.idx.msk [tilespmem:v12+s6+$0x0], $0xffff  }
0x2b4: {  	v11 =	vld.idx.msk [tilespmem:v13+s6+$0x0], $0xffff  }
0x2b5: {  	v12 =	vor.u32 $0x3, v9  }
0x2b6: {  	v13 =	vor.u32 $0xB, v9;
	_ =	sdelay $0x1  }
0x2b7: {  	[tilespmem:v3+s13+$0x0] =	vst.idx.msk $0xffff, v10  }
0x2b8: {  	[tilespmem:v3+s4+$0x0] =	vst.idx.msk $0xffff, v11  }
0x2b9: {  	v10 =	vld.idx.msk [tilespmem:v12+s6+$0x0], $0xffff  }
0x2ba: {  	v11 =	vld.idx.msk [tilespmem:v13+s6+$0x0], $0xffff  }
0x2bb: {  	v12 =	vor.u32 $0x4, v9  }
0x2bc: {  	v13 =	vor.u32 $0xC, v9;
	_ =	sdelay $0x1  }
0x2bd: {  	[tilespmem:v4+s13+$0x0] =	vst.idx.msk $0xffff, v10  }
0x2be: {  	[tilespmem:v4+s4+$0x0] =	vst.idx.msk $0xffff, v11  }
0x2bf: {  	v10 =	vld.idx.msk [tilespmem:v12+s6+$0x0], $0xffff  }
0x2c0: {  	v11 =	vld.idx.msk [tilespmem:v13+s6+$0x0], $0xffff  }
0x2c1: {  	v12 =	vor.u32 $0x5, v9  }
0x2c2: {  	v13 =	vor.u32 $0xD, v9;
	_ =	sdelay $0x1  }
0x2c3: {  	[tilespmem:v5+s13+$0x0] =	vst.idx.msk $0xffff, v10  }
0x2c4: {  	[tilespmem:v5+s4+$0x0] =	vst.idx.msk $0xffff, v11  }
0x2c5: {  	v10 =	vld.idx.msk [tilespmem:v12+s6+$0x0], $0xffff  }
0x2c6: {  	v11 =	vld.idx.msk [tilespmem:v13+s6+$0x0], $0xffff  }
0x2c7: {  	v12 =	vor.u32 $0x6, v9  }
0x2c8: {  	v13 =	vor.u32 $0xE, v9;
	_ =	sdelay $0x1  }
0x2c9: {  	[tilespmem:v6+s13+$0x0] =	vst.idx.msk $0xffff, v10  }
0x2ca: {  	[tilespmem:v6+s4+$0x0] =	vst.idx.msk $0xffff, v11  }
0x2cb: {  	v10 =	vld.idx.msk [tilespmem:v12+s6+$0x0], $0xffff  }
0x2cc: {  	v11 =	vld.idx.msk [tilespmem:v13+s6+$0x0], $0xffff  }
0x2cd: {  	v12 =	vor.u32 $0x7, v9  }
0x2ce: {  	v9 =	vor.u32 $0xF, v9;
	_ =	sdelay $0x1  }
0x2cf: {  	[tilespmem:v7+s13+$0x0] =	vst.idx.msk $0xffff, v10  }
0x2d0: {  	[tilespmem:v7+s4+$0x0] =	vst.idx.msk $0xffff, v11  }
0x2d1: {  	v10 =	vld.idx.msk [tilespmem:v12+s6+$0x0], $0xffff  }
0x2d2: {  	v9 =	vld.idx.msk [tilespmem:v9+s6+$0x0], $0xffff;
	_ =	sdelay $0x3  }
0x2d3: {  	[tilespmem:v8+s13+$0x0] =	vst.idx.msk $0xffff, v10  }
0x2d4: {  	s14 =	rddreg [dreg:$0x11];
	[tilespmem:v8+s4+$0x0] =	vst.idx.msk $0xffff, v9  }
0x2d5: {  	[hbm4b:s14+s6] =	stream.linear.scatter [tilespmem:s4], [sflag:$0x4], $0x80, $0x38;
	[tilespmem:$0x3D20] =	vst v63  }
0x2d6: {  	_ =	swait.ge [sflag:s11], $0x80  }
0x2d7: {  	[sflag:s11] =	ssyncset.done $0x0  }
0x2d8: {  	s22 =	simm.s32 $0x10;
	[sflag:s11] =	ssyncadd.s32 $0xFFFFFF80  }
0x2d9: {  	[spmem:s5] =	stream.indirect.scatter.add.f32 [tilespmem:s13], [sflag:$0x4], $0x8, s12, s22, $0xb8;
	[tilespmem:$0x3D20] =	vst v63  }
0x2da: {  	_ =	swait.ge [sflag:s11], $0x80  }
0x2db: {  	[sflag:s11] =	ssyncset.done $0x0  }
0x2dc: {  	[sflag:s11] =	ssyncadd.s32 $0xFFFFFF80  }
0x2dd: {  	[bflag:$0x0] =	sbarrier.arrive $0xFFFF  }
0x2de: {  	s3 =	sshrl.u32 @!p0 s5, $0x3;
	s7 =	simm.s32 @!p0 $0x1C04;
	s8 =	rddreg [dreg:$0x12]  }
0x2df: {  	[hbm:s8], [sflag:s7] =	dma.local @!p0 [spmem:s3], $0x200  }
0x2e0: {  	s3 =	simm.s32 @!p0 $0x4  }
0x2e1: {  	_ =	swait.ge @!p0 [sflag:s3], $0x200  }
0x2e2: {  	s24 =	rddreg [dreg:$0x14]  }
0x2e3: {  	s29 =	rddreg [dreg:$0x13];
	s0 =	sadd.s32 $0x1, s24  }
0x2e4: {  	p1 =	sne.s32 s0, s29  }
.Ltmp8:
0x2e5: {  	_ = 	snop;
	(pc) =	sbr.rel @p1 .LBB2_1-.Ltmp8, $3  }
0x2e6: {  	_ =	sdelay $0x1  }
0x2e7: {  	[sflag:s3] =	ssyncset.done @!p0 $0x0  }
0x2e8: {  	[sflag:s3] =	ssyncadd.s32 @!p0 $0xFFFFFE00  }
0x2e9: {  	_ =	sfence.sel $0x180000  }
0x2ea: {  	[bflag:$0x0] =	sbarrier.arrive $0xFFFF  }
0x2eb: {  	_ =	strace $0x90000047  }
0x2ec: {  	[bflag:$0x2] =	sbarrier.arrive $0xFFFF  }
0x2ed: {  	s0 =	rddreg [dreg:$0x6]  }
0x2ee: {  	s0 =	sadd.s32 @!p0 $0x100000, s0  }
0x2ef: {  	[sflag:s0] =	ssyncadd.tile.s32 @!p0 $0x1;
	_ =	shalt  }
.Lfunc_end2:
_tile_overlayer_lowered:
.L_overlay_start_2:
0x2f0: {  	(tag) =	ssettag $0x2  }
0x2f1: {  	s0 =	rddreg [dreg:$0x0];
	s2 =	stileid.u32  }
0x2f2: {  	s1 =	rddreg [dreg:$0x1];
	p0 =	sne.s32 s2, $0x0  }
0x2f3: {  	s3 =	rddreg [dreg:$0x2];
	[bflag:$0x3] =	sbarrier.arrive $0xFFFF;
	s2 =	simm.s32 @!p0 $0x1C04  }
0x2f4: {  	[timem:s3], [sflag:s2] =	dma.local @!p0 [hbm:s0], s1  }
0x2f5: {  	s0 =	simm.s32 @!p0 $0x4  }
0x2f6: {  	_ =	swait.ge @!p0 [sflag:s0], s1  }
0x2f7: {  	s1 =	ssub.s32 @!p0 $0x0, s1;
	[sflag:s0] =	ssyncset.done @!p0 $0x0  }
0x2f8: {  	[sflag:s0] =	ssyncadd.s32 @!p0 s1  }
0x2f9: {  	[bflag:$0x3] =	sbarrier.arrive $0xFFFF  }
0x2fa: {  	_ =	shalt  }

</sc_bundles>
